<compile_context>
chip_gen: v7x
topology: tpu7x:2x2x1
jax: 0.10.2.dev20260603
libtpu: 0.0.44.dev20260713+nightly
codegen_flags: <defaults>
</compile_context>

<pallas_src>
import functools

import jax
import jax.numpy as jnp
from jax import lax
from jax.experimental import pallas as pl
from jax.experimental.pallas import tpu as pltpu
from jax.experimental.pallas import tpu_sc as plsc

_B = 64
_N = 268
_NF = 268
_NH = 16
_NC = 2
_E = 7168
_EG = _E // 16
_UNROLL = 4
_HB = _B // 2


def _make_sc_body(goff):
    def _sc_body(ei_hbm, ea_hbm, out_hbm, src_v, dst_v, ew_v, acc_v, sem):
        c = lax.axis_index("c")
        s = lax.axis_index("s")
        wid = s * 2 + c
        g = goff + wid

        cp1 = pltpu.async_copy(ei_hbm.at[g, 0], src_v, sem)
        cp2 = pltpu.async_copy(ei_hbm.at[g, 1], dst_v, sem)
        cp3 = pltpu.async_copy(ea_hbm.at[g], ew_v, sem)

        zeros16 = jnp.zeros((16,), jnp.float32)

        tail_c = lax.iota(jnp.int32, 16) + (_N - 16)

        @plsc.parallel_loop(0, _N, unroll=4)
        def _(r):
            for k in range(_N // 16):
                acc_v[r, pl.ds(k * 16, 16)] = zeros16
            plsc.store_scatter(acc_v, [jnp.full((16,), r, jnp.int32), tail_c],
                               zeros16)

        cp1.wait()
        cp2.wait()
        cp3.wait()

        def edge_body(j, carry):
            for u in range(_UNROLL):
                off = pl.multiple_of(j * (16 * _UNROLL) + u * 16, 16)
                sv = src_v[pl.ds(off, 16)]
                dv = dst_v[pl.ds(off, 16)]
                ev = ew_v[pl.ds(off, 16)]
                plsc.addupdate_scatter(acc_v, [sv, dv], ev)
            return carry

        lax.fori_loop(0, _EG // _UNROLL, edge_body, 0)
        pltpu.sync_copy(acc_v, out_hbm.at[wid])

    return _sc_body


@functools.cache
def _sc_densify(goff):
    return functools.partial(
        pl.kernel,
        mesh=plsc.VectorSubcoreMesh(core_axis_name="c", subcore_axis_name="s"),
        out_type=jax.ShapeDtypeStruct((_HB, _N, _N), jnp.float32),
        compiler_params=pltpu.CompilerParams(needs_layout_passes=False),
        scratch_types=[
            pltpu.VMEM((_E,), jnp.int32),
            pltpu.VMEM((_E,), jnp.int32),
            pltpu.VMEM((_E,), jnp.float32),
            pltpu.VMEM((_N, _N), jnp.float32),
            pltpu.SemaphoreType.DMA,
        ],
    )(_make_sc_body(goff))


def _mm(a, b, dims):
    return lax.dot_general(a, b, (dims, ((), ())),
                           preferred_element_type=jnp.float32,
                           precision=lax.Precision.DEFAULT)


_TCG = 8


def _tc_body(wt_ref, x_ref, w1_ref, b1_ref, w4_ref, b4_ref,
             wc1_ref, bc1_ref, wc2_ref, bc2_ref, out_ref):
    G = range(_TCG)
    Wt = [wt_ref[i] for i in G]
    x = [x_ref[i] for i in G]

    dis = []
    for i in G:
        deg = jnp.sum(Wt[i], axis=1, keepdims=True)
        ok = deg > 0.0
        dis.append(jnp.where(ok, lax.rsqrt(jnp.where(ok, deg, 1.0)), 0.0))

    def prop(i, y):
        return -dis[i] * _mm(Wt[i], dis[i] * y, (((0,), (0,))))

    y = [_mm(x[i], w1_ref[...], (((1,), (0,)))) for i in G]
    p2 = [prop(i, y[i][:, 2 * _NH:]) for i in G]
    p1 = [prop(i, y[i][:, _NH:2 * _NH] + 2.0 * p2[i]) for i in G]
    h = [jax.nn.relu(y[i][:, :_NH] - y[i][:, 2 * _NH:] + p1[i] + b1_ref[...])
         for i in G]

    z = [_mm(h[i], w4_ref[...], (((1,), (0,)))) for i in G]
    q2 = [prop(i, z[i][:, 2 * _NC:]) for i in G]
    q1 = [prop(i, z[i][:, _NC:2 * _NC] + 2.0 * q2[i]) for i in G]
    out2 = [z[i][:, :_NC] - z[i][:, 2 * _NC:] + q1[i] + b4_ref[...] for i in G]

    t = [jax.nn.relu(_mm(out2[i], wc1_ref[...], (((0,), (0,)))) + bc1_ref[...])
         for i in G]
    o = [_mm(wc2_ref[...], t[i], (((0,), (1,)))) for i in G]
    for i in G:
        out_ref[i] = o[i] + bc2_ref[...]


def _tc_cheby(xblk_off, wt, x, W1, b1, W4, b4, Wc1, bc1, Wc2, bc2):
    full = lambda shp: pl.BlockSpec(shp, lambda g: (0,) * len(shp))
    return pl.pallas_call(
        _tc_body,
        grid=(_HB // _TCG,),
        in_specs=[
            pl.BlockSpec((_TCG, _N, _N), lambda g: (g, 0, 0)),
            pl.BlockSpec((_TCG, _N, _NF), lambda g: (g + xblk_off, 0, 0)),
            full((_NF, 3 * _NH)),
            full((1, _NH)),
            full((_NH, 3 * _NC)),
            full((1, _NC)),
            full((_N, 50)),
            full((1, 50)),
            full((50, 1)),
            full((1, 1)),
        ],
        out_specs=pl.BlockSpec((_TCG, 1, _NC), lambda g: (g, 0, 0)),
        out_shape=jax.ShapeDtypeStruct((_HB, 1, _NC), jnp.float32),
        compiler_params=pltpu.CompilerParams(
            dimension_semantics=("arbitrary",),
        ),
    )(wt, x, W1, b1, W4, b4, Wc1, bc1, Wc2, bc2)


@jax.jit
def kernel(x, edge_index, edge_attr, W1, b1, W4, b4, Wc1, bc1, Wc2, bc2):
    wt_a = _sc_densify(0)(edge_index, edge_attr)
    wt_b = _sc_densify(_HB)(edge_index, edge_attr)
    W1c = W1.transpose(1, 0, 2).reshape(_NF, 3 * _NH)
    W4c = W4.transpose(1, 0, 2).reshape(_NH, 3 * _NC)
    args = (W1c, b1.reshape(1, _NH), W4c, b4.reshape(1, _NC),
            Wc1, bc1.reshape(1, 50), Wc2, bc2.reshape(1, 1))
    out_a = _tc_cheby(0, wt_a, x, *args)
    out_b = _tc_cheby(_HB // _TCG, wt_b, x, *args)
    return jnp.concatenate([out_a, out_b], axis=0).reshape(_B, _NC)

# --- scband reference (transcript-rebuilt; emitter-appended) ---
"""Pipeline reference for scband-geo-cheby-conv-54451595379153 (READ-ONLY COPY).

The authoritative reference and input builder live on the scoring server;
editing this copy changes nothing except your own understanding.
"""

import jax, jax.numpy as jnp
import numpy as np

B = 64
N = 268
NFEAT = 268
NHID = 16
NCLASS = 2
E = 7168
K = 3


def setup_inputs(seed: int = 0) -> dict:
    key = jax.random.key(seed)
    ks = jax.random.split(key, 8)
    x = jax.random.normal(ks[0], (B, N, NFEAT), dtype=jnp.float32)
    edge_index = jax.random.randint(ks[1], (B, 2, E), 0, N, dtype=jnp.int32)
    edge_attr = jax.random.uniform(ks[2], (B, E), dtype=jnp.float32)
    W1 = jax.random.normal(ks[3], (K, NFEAT, NHID), dtype=jnp.float32) * (1.0 / np.sqrt(NFEAT))
    b1 = jnp.zeros((NHID,), dtype=jnp.float32)
    W4 = jax.random.normal(ks[4], (K, NHID, NCLASS), dtype=jnp.float32) * (1.0 / np.sqrt(NHID))
    b4 = jnp.zeros((NCLASS,), dtype=jnp.float32)
    Wc1 = jax.random.normal(ks[5], (N, 50), dtype=jnp.float32) * (1.0 / np.sqrt(N))
    bc1 = jnp.zeros((50,), dtype=jnp.float32)
    Wc2 = jax.random.normal(ks[6], (50, 1), dtype=jnp.float32) * (1.0 / np.sqrt(50))
    bc2 = jnp.zeros((1,), dtype=jnp.float32)
    return {"x": x, "edge_index": edge_index, "edge_attr": edge_attr,
            "W1": W1, "b1": b1, "W4": W4, "b4": b4,
            "Wc1": Wc1, "bc1": bc1, "Wc2": Wc2, "bc2": bc2}


def _cheb_conv(x, src, dst, ew, W, b):
    # PyG ChebConv (normalization='sym', lambda_max=2):
    # L_hat = -D^{-1/2} A D^{-1/2} on off-diagonal edges (self-loop terms cancel)
    deg = jax.ops.segment_sum(ew, src, num_segments=N)
    deg_safe = jnp.where(deg > 0, deg, 1.0)
    dis = jnp.where(deg > 0, jax.lax.rsqrt(deg_safe), 0.0)
    norm = -dis[src] * ew * dis[dst]

    def prop(h):
        return jax.ops.segment_sum(norm[:, None] * h[src], dst, num_segments=N)

    Tx0 = x
    out = Tx0 @ W[0]
    Tx1 = prop(Tx0)
    out = out + Tx1 @ W[1]
    Tx2 = 2.0 * prop(Tx1) - Tx0
    out = out + Tx2 @ W[2]
    return out + b


def reference(x, edge_index, edge_attr, W1, b1, W4, b4, Wc1, bc1, Wc2, bc2):
    # eval mode: dropout layers are identity
    def single(xg, eig, ewg):
        src, dst = eig[0], eig[1]
        h = jax.nn.relu(_cheb_conv(xg, src, dst, ewg, W1, b1))
        conv_out = _cheb_conv(h, src, dst, ewg, W4, b4)  # [N, NCLASS]
        z = jax.nn.relu(conv_out.T @ Wc1 + bc1)          # [NCLASS, 50]
        z = z @ Wc2 + bc2                                # [NCLASS, 1]
        return z

    outs = jax.vmap(single)(x, edge_index, edge_attr)    # [B, NCLASS, 1]
    return jnp.squeeze(outs)

if __name__ == "__main__":
    import jax
    _d = setup_inputs()
    print(jax.jit(kernel)(*tuple(_d.values())))

</pallas_src>

<mosaic_0001>
#map = affine_map<(d0, d1) -> (0, 0, 0)>
#map1 = affine_map<(d0, d1) -> (0, 0)>
module attributes {stable_mosaic.version = 14 : i64} {
  func.func @_sc_body(%arg0: i32, %arg1: i32, %arg2: memref<64x2x7168xi32, #tpu.memory_space<hbm>>, %arg3: memref<64x7168xf32, #tpu.memory_space<hbm>>, %arg4: memref<32x268x268xf32, #tpu.memory_space<hbm>>, %arg5: memref<7168xi32, #tpu.memory_space<vmem>>, %arg6: memref<7168xi32, #tpu.memory_space<vmem>>, %arg7: memref<7168xf32, #tpu.memory_space<vmem>>, %arg8: memref<268x268xf32, #tpu.memory_space<vmem>>, %arg9: memref<!tpu.dma_semaphore, #tpu.memory_space<semaphore_mem>>) attributes {dimension_semantics = [#tpu.dimension_semantics<core_parallel>, #tpu.dimension_semantics<subcore_parallel>], iteration_bounds = array<i64: 2, 16>, scalar_prefetch = 0 : i64, scratch_operands = 5 : i64, tpu.core_type = #tpu.core_type<sc_vector_subcore>, window_params = [{transform_indices = #map}, {transform_indices = #map1}, {transform_indices = #map}]} {
    %mul3A = arith.constant 2 : i32
    %mul3A_0 = arith.muli %arg1, %mul3A : i32
    %add3A = arith.addi %mul3A_0, %arg0 : i32
    %add3A_1 = arith.constant 32 : i32
    %add3A_2 = arith.addi %add3A_1, %add3A : i32
    %dma_start3A = arith.constant 0 : i32
    %dma_start3A_3 = arith.constant 0 : i32
    %dma_start3A_4 = tpu.memref_slice %arg2[%add3A_2, %dma_start3A, %dma_start3A_3] : memref<64x2x7168xi32, #tpu.memory_space<hbm>> -> memref<1x1x7168xi32, #tpu.memory_space<hbm>>
    %dma_start3A_5 = tpu.memref_squeeze %dma_start3A_4 : memref<1x1x7168xi32, #tpu.memory_space<hbm>> -> memref<7168xi32, #tpu.memory_space<hbm>>
    %dma_start3A_6 = arith.constant 0 : i32
    %dma_start3A_7 = tpu.memref_slice %arg2[%add3A_2, %dma_start3A, %dma_start3A_6] : memref<64x2x7168xi32, #tpu.memory_space<hbm>> -> memref<1x1x7168xi32, #tpu.memory_space<hbm>>
    %dma_start3A_8 = tpu.memref_squeeze %dma_start3A_7 : memref<1x1x7168xi32, #tpu.memory_space<hbm>> -> memref<7168xi32, #tpu.memory_space<hbm>>
    tpu.enqueue_dma source(%dma_start3A_8 : memref<7168xi32, #tpu.memory_space<hbm>>) target(%arg5 : memref<7168xi32, #tpu.memory_space<vmem>>) target_semaphore(%arg9 : memref<!tpu.dma_semaphore, #tpu.memory_space<semaphore_mem>>)
    %dma_start3A_9 = arith.constant 1 : i32
    %dma_start3A_10 = arith.constant 0 : i32
    %dma_start3A_11 = tpu.memref_slice %arg2[%add3A_2, %dma_start3A_9, %dma_start3A_10] : memref<64x2x7168xi32, #tpu.memory_space<hbm>> -> memref<1x1x7168xi32, #tpu.memory_space<hbm>>
    %dma_start3A_12 = tpu.memref_squeeze %dma_start3A_11 : memref<1x1x7168xi32, #tpu.memory_space<hbm>> -> memref<7168xi32, #tpu.memory_space<hbm>>
    %dma_start3A_13 = arith.constant 0 : i32
    %dma_start3A_14 = tpu.memref_slice %arg2[%add3A_2, %dma_start3A_9, %dma_start3A_13] : memref<64x2x7168xi32, #tpu.memory_space<hbm>> -> memref<1x1x7168xi32, #tpu.memory_space<hbm>>
    %dma_start3A_15 = tpu.memref_squeeze %dma_start3A_14 : memref<1x1x7168xi32, #tpu.memory_space<hbm>> -> memref<7168xi32, #tpu.memory_space<hbm>>
    tpu.enqueue_dma source(%dma_start3A_15 : memref<7168xi32, #tpu.memory_space<hbm>>) target(%arg6 : memref<7168xi32, #tpu.memory_space<vmem>>) target_semaphore(%arg9 : memref<!tpu.dma_semaphore, #tpu.memory_space<semaphore_mem>>)
    %dma_start3A_16 = arith.constant 0 : i32
    %dma_start3A_17 = tpu.memref_slice %arg3[%add3A_2, %dma_start3A_16] : memref<64x7168xf32, #tpu.memory_space<hbm>> -> memref<1x7168xf32, #tpu.memory_space<hbm>>
    %dma_start3A_18 = tpu.memref_squeeze %dma_start3A_17 : memref<1x7168xf32, #tpu.memory_space<hbm>> -> memref<7168xf32, #tpu.memory_space<hbm>>
    %dma_start3A_19 = arith.constant 0 : i32
    %dma_start3A_20 = tpu.memref_slice %arg3[%add3A_2, %dma_start3A_19] : memref<64x7168xf32, #tpu.memory_space<hbm>> -> memref<1x7168xf32, #tpu.memory_space<hbm>>
    %dma_start3A_21 = tpu.memref_squeeze %dma_start3A_20 : memref<1x7168xf32, #tpu.memory_space<hbm>> -> memref<7168xf32, #tpu.memory_space<hbm>>
    tpu.enqueue_dma source(%dma_start3A_21 : memref<7168xf32, #tpu.memory_space<hbm>>) target(%arg7 : memref<7168xf32, #tpu.memory_space<vmem>>) target_semaphore(%arg9 : memref<!tpu.dma_semaphore, #tpu.memory_space<semaphore_mem>>)
    %broadcast_in_dim3A = arith.constant 0.000000e+00 : f32
    %broadcast_in_dim3A_22 = vector.broadcast %broadcast_in_dim3A : f32 to vector<16xf32>
    %iota3A = tpu.iota {dimensions = array<i32: 0>} : vector<16xi32>
    %add3A_23 = arith.constant 252 : i32
    %add3A_24 = vector.broadcast %add3A_23 : i32 to vector<16xi32>
    %add3A_25 = arith.addi %iota3A, %add3A_24 : vector<16xi32>
    %parallel_loop3A = arith.constant 0 : i32
    %parallel_loop3A_26 = arith.constant 268 : i32
    %parallel_loop3A_27 = arith.constant 1 : i32
    scf.for %parallel_loop3A_52 = %parallel_loop3A to %parallel_loop3A_26 step %parallel_loop3A_27  : i32 {
      %parallel_loop3A_53 = arith.index_cast %parallel_loop3A_52 : i32 to index
      %parallel_loop3A_54 = arith.constant 0 : index
      %parallel_loop3A_55 = tpu.vector_load %arg8[%parallel_loop3A_53, %parallel_loop3A_54] {strides = array<i32>} : memref<268x268xf32, #tpu.memory_space<vmem>>, vector<16xf32>,
      tpu.vector_store %arg8[%parallel_loop3A_53, %parallel_loop3A_54], %broadcast_in_dim3A_22 {strides = array<i32>} : memref<268x268xf32, #tpu.memory_space<vmem>>, vector<16xf32>,
      %parallel_loop3A_56 = arith.index_cast %parallel_loop3A_52 : i32 to index
      %parallel_loop3A_57 = arith.constant 16 : index
      %parallel_loop3A_58 = tpu.vector_load %arg8[%parallel_loop3A_56, %parallel_loop3A_57] {strides = array<i32>} : memref<268x268xf32, #tpu.memory_space<vmem>>, vector<16xf32>,
      tpu.vector_store %arg8[%parallel_loop3A_56, %parallel_loop3A_57], %broadcast_in_dim3A_22 {strides = array<i32>} : memref<268x268xf32, #tpu.memory_space<vmem>>, vector<16xf32>,
      %parallel_loop3A_59 = arith.index_cast %parallel_loop3A_52 : i32 to index
      %parallel_loop3A_60 = arith.constant 32 : index
      %parallel_loop3A_61 = tpu.vector_load %arg8[%parallel_loop3A_59, %parallel_loop3A_60] {strides = array<i32>} : memref<268x268xf32, #tpu.memory_space<vmem>>, vector<16xf32>,
      tpu.vector_store %arg8[%parallel_loop3A_59, %parallel_loop3A_60], %broadcast_in_dim3A_22 {strides = array<i32>} : memref<268x268xf32, #tpu.memory_space<vmem>>, vector<16xf32>,
      %parallel_loop3A_62 = arith.index_cast %parallel_loop3A_52 : i32 to index
      %parallel_loop3A_63 = arith.constant 48 : index
      %parallel_loop3A_64 = tpu.vector_load %arg8[%parallel_loop3A_62, %parallel_loop3A_63] {strides = array<i32>} : memref<268x268xf32, #tpu.memory_space<vmem>>, vector<16xf32>,
      tpu.vector_store %arg8[%parallel_loop3A_62, %parallel_loop3A_63], %broadcast_in_dim3A_22 {strides = array<i32>} : memref<268x268xf32, #tpu.memory_space<vmem>>, vector<16xf32>,
      %parallel_loop3A_65 = arith.index_cast %parallel_loop3A_52 : i32 to index
      %parallel_loop3A_66 = arith.constant 64 : index
      %parallel_loop3A_67 = tpu.vector_load %arg8[%parallel_loop3A_65, %parallel_loop3A_66] {strides = array<i32>} : memref<268x268xf32, #tpu.memory_space<vmem>>, vector<16xf32>,
      tpu.vector_store %arg8[%parallel_loop3A_65, %parallel_loop3A_66], %broadcast_in_dim3A_22 {strides = array<i32>} : memref<268x268xf32, #tpu.memory_space<vmem>>, vector<16xf32>,
      %parallel_loop3A_68 = arith.index_cast %parallel_loop3A_52 : i32 to index
      %parallel_loop3A_69 = arith.constant 80 : index
      %parallel_loop3A_70 = tpu.vector_load %arg8[%parallel_loop3A_68, %parallel_loop3A_69] {strides = array<i32>} : memref<268x268xf32, #tpu.memory_space<vmem>>, vector<16xf32>,
      tpu.vector_store %arg8[%parallel_loop3A_68, %parallel_loop3A_69], %broadcast_in_dim3A_22 {strides = array<i32>} : memref<268x268xf32, #tpu.memory_space<vmem>>, vector<16xf32>,
      %parallel_loop3A_71 = arith.index_cast %parallel_loop3A_52 : i32 to index
      %parallel_loop3A_72 = arith.constant 96 : index
      %parallel_loop3A_73 = tpu.vector_load %arg8[%parallel_loop3A_71, %parallel_loop3A_72] {strides = array<i32>} : memref<268x268xf32, #tpu.memory_space<vmem>>, vector<16xf32>,
      tpu.vector_store %arg8[%parallel_loop3A_71, %parallel_loop3A_72], %broadcast_in_dim3A_22 {strides = array<i32>} : memref<268x268xf32, #tpu.memory_space<vmem>>, vector<16xf32>,
      %parallel_loop3A_74 = arith.index_cast %parallel_loop3A_52 : i32 to index
      %parallel_loop3A_75 = arith.constant 112 : index
      %parallel_loop3A_76 = tpu.vector_load %arg8[%parallel_loop3A_74, %parallel_loop3A_75] {strides = array<i32>} : memref<268x268xf32, #tpu.memory_space<vmem>>, vector<16xf32>,
      tpu.vector_store %arg8[%parallel_loop3A_74, %parallel_loop3A_75], %broadcast_in_dim3A_22 {strides = array<i32>} : memref<268x268xf32, #tpu.memory_space<vmem>>, vector<16xf32>,
      %parallel_loop3A_77 = arith.index_cast %parallel_loop3A_52 : i32 to index
      %parallel_loop3A_78 = arith.constant 128 : index
      %parallel_loop3A_79 = tpu.vector_load %arg8[%parallel_loop3A_77, %parallel_loop3A_78] {strides = array<i32>} : memref<268x268xf32, #tpu.memory_space<vmem>>, vector<16xf32>,
      tpu.vector_store %arg8[%parallel_loop3A_77, %parallel_loop3A_78], %broadcast_in_dim3A_22 {strides = array<i32>} : memref<268x268xf32, #tpu.memory_space<vmem>>, vector<16xf32>,
      %parallel_loop3A_80 = arith.index_cast %parallel_loop3A_52 : i32 to index
      %parallel_loop3A_81 = arith.constant 144 : index
      %parallel_loop3A_82 = tpu.vector_load %arg8[%parallel_loop3A_80, %parallel_loop3A_81] {strides = array<i32>} : memref<268x268xf32, #tpu.memory_space<vmem>>, vector<16xf32>,
      tpu.vector_store %arg8[%parallel_loop3A_80, %parallel_loop3A_81], %broadcast_in_dim3A_22 {strides = array<i32>} : memref<268x268xf32, #tpu.memory_space<vmem>>, vector<16xf32>,
      %parallel_loop3A_83 = arith.index_cast %parallel_loop3A_52 : i32 to index
      %parallel_loop3A_84 = arith.constant 160 : index
      %parallel_loop3A_85 = tpu.vector_load %arg8[%parallel_loop3A_83, %parallel_loop3A_84] {strides = array<i32>} : memref<268x268xf32, #tpu.memory_space<vmem>>, vector<16xf32>,
      tpu.vector_store %arg8[%parallel_loop3A_83, %parallel_loop3A_84], %broadcast_in_dim3A_22 {strides = array<i32>} : memref<268x268xf32, #tpu.memory_space<vmem>>, vector<16xf32>,
      %parallel_loop3A_86 = arith.index_cast %parallel_loop3A_52 : i32 to index
      %parallel_loop3A_87 = arith.constant 176 : index
      %parallel_loop3A_88 = tpu.vector_load %arg8[%parallel_loop3A_86, %parallel_loop3A_87] {strides = array<i32>} : memref<268x268xf32, #tpu.memory_space<vmem>>, vector<16xf32>,
      tpu.vector_store %arg8[%parallel_loop3A_86, %parallel_loop3A_87], %broadcast_in_dim3A_22 {strides = array<i32>} : memref<268x268xf32, #tpu.memory_space<vmem>>, vector<16xf32>,
      %parallel_loop3A_89 = arith.index_cast %parallel_loop3A_52 : i32 to index
      %parallel_loop3A_90 = arith.constant 192 : index
      %parallel_loop3A_91 = tpu.vector_load %arg8[%parallel_loop3A_89, %parallel_loop3A_90] {strides = array<i32>} : memref<268x268xf32, #tpu.memory_space<vmem>>, vector<16xf32>,
      tpu.vector_store %arg8[%parallel_loop3A_89, %parallel_loop3A_90], %broadcast_in_dim3A_22 {strides = array<i32>} : memref<268x268xf32, #tpu.memory_space<vmem>>, vector<16xf32>,
      %parallel_loop3A_92 = arith.index_cast %parallel_loop3A_52 : i32 to index
      %parallel_loop3A_93 = arith.constant 208 : index
      %parallel_loop3A_94 = tpu.vector_load %arg8[%parallel_loop3A_92, %parallel_loop3A_93] {strides = array<i32>} : memref<268x268xf32, #tpu.memory_space<vmem>>, vector<16xf32>,
      tpu.vector_store %arg8[%parallel_loop3A_92, %parallel_loop3A_93], %broadcast_in_dim3A_22 {strides = array<i32>} : memref<268x268xf32, #tpu.memory_space<vmem>>, vector<16xf32>,
      %parallel_loop3A_95 = arith.index_cast %parallel_loop3A_52 : i32 to index
      %parallel_loop3A_96 = arith.constant 224 : index
      %parallel_loop3A_97 = tpu.vector_load %arg8[%parallel_loop3A_95, %parallel_loop3A_96] {strides = array<i32>} : memref<268x268xf32, #tpu.memory_space<vmem>>, vector<16xf32>,
      tpu.vector_store %arg8[%parallel_loop3A_95, %parallel_loop3A_96], %broadcast_in_dim3A_22 {strides = array<i32>} : memref<268x268xf32, #tpu.memory_space<vmem>>, vector<16xf32>,
      %parallel_loop3A_98 = arith.index_cast %parallel_loop3A_52 : i32 to index
      %parallel_loop3A_99 = arith.constant 240 : index
      %parallel_loop3A_100 = tpu.vector_load %arg8[%parallel_loop3A_98, %parallel_loop3A_99] {strides = array<i32>} : memref<268x268xf32, #tpu.memory_space<vmem>>, vector<16xf32>,
      tpu.vector_store %arg8[%parallel_loop3A_98, %parallel_loop3A_99], %broadcast_in_dim3A_22 {strides = array<i32>} : memref<268x268xf32, #tpu.memory_space<vmem>>, vector<16xf32>,
      %parallel_loop3A_101 = vector.broadcast %parallel_loop3A_52 : i32 to vector<16xi32>
      tpu.vector_store_idx %arg8[%parallel_loop3A_101, %add3A_25], %broadcast_in_dim3A_22 : memref<268x268xf32, #tpu.memory_space<vmem>>[vector<16xi32>, vector<16xi32>], vector<16xf32>,
    } {sc.loop_unroll_factor = 4 : i64, sc.parallel_access}
    %dma_wait3A = arith.constant 0 : i32
    %dma_wait3A_28 = arith.constant 0 : i32
    %dma_wait3A_29 = tpu.memref_slice %arg2[%add3A_2, %dma_wait3A, %dma_wait3A_28] : memref<64x2x7168xi32, #tpu.memory_space<hbm>> -> memref<1x1x7168xi32, #tpu.memory_space<hbm>>
    %dma_wait3A_30 = tpu.memref_squeeze %dma_wait3A_29 : memref<1x1x7168xi32, #tpu.memory_space<hbm>> -> memref<7168xi32, #tpu.memory_space<hbm>>
    %dma_wait3A_31 = arith.constant 0 : i32
    %dma_wait3A_32 = tpu.memref_slice %arg2[%add3A_2, %dma_wait3A, %dma_wait3A_31] : memref<64x2x7168xi32, #tpu.memory_space<hbm>> -> memref<1x1x7168xi32, #tpu.memory_space<hbm>>
    %dma_wait3A_33 = tpu.memref_squeeze %dma_wait3A_32 : memref<1x1x7168xi32, #tpu.memory_space<hbm>> -> memref<7168xi32, #tpu.memory_space<hbm>>
    tpu.wait_dma2 semaphore(%arg9 : memref<!tpu.dma_semaphore, #tpu.memory_space<semaphore_mem>>) src(%dma_wait3A_33 : memref<7168xi32, #tpu.memory_space<hbm>>) dst(%arg5 : memref<7168xi32, #tpu.memory_space<vmem>>)
    %dma_wait3A_34 = arith.constant 1 : i32
    %dma_wait3A_35 = arith.constant 0 : i32
    %dma_wait3A_36 = tpu.memref_slice %arg2[%add3A_2, %dma_wait3A_34, %dma_wait3A_35] : memref<64x2x7168xi32, #tpu.memory_space<hbm>> -> memref<1x1x7168xi32, #tpu.memory_space<hbm>>
    %dma_wait3A_37 = tpu.memref_squeeze %dma_wait3A_36 : memref<1x1x7168xi32, #tpu.memory_space<hbm>> -> memref<7168xi32, #tpu.memory_space<hbm>>
    %dma_wait3A_38 = arith.constant 0 : i32
    %dma_wait3A_39 = tpu.memref_slice %arg2[%add3A_2, %dma_wait3A_34, %dma_wait3A_38] : memref<64x2x7168xi32, #tpu.memory_space<hbm>> -> memref<1x1x7168xi32, #tpu.memory_space<hbm>>
    %dma_wait3A_40 = tpu.memref_squeeze %dma_wait3A_39 : memref<1x1x7168xi32, #tpu.memory_space<hbm>> -> memref<7168xi32, #tpu.memory_space<hbm>>
    tpu.wait_dma2 semaphore(%arg9 : memref<!tpu.dma_semaphore, #tpu.memory_space<semaphore_mem>>) src(%dma_wait3A_40 : memref<7168xi32, #tpu.memory_space<hbm>>) dst(%arg6 : memref<7168xi32, #tpu.memory_space<vmem>>)
    %dma_wait3A_41 = arith.constant 0 : i32
    %dma_wait3A_42 = tpu.memref_slice %arg3[%add3A_2, %dma_wait3A_41] : memref<64x7168xf32, #tpu.memory_space<hbm>> -> memref<1x7168xf32, #tpu.memory_space<hbm>>
    %dma_wait3A_43 = tpu.memref_squeeze %dma_wait3A_42 : memref<1x7168xf32, #tpu.memory_space<hbm>> -> memref<7168xf32, #tpu.memory_space<hbm>>
    %dma_wait3A_44 = arith.constant 0 : i32
    %dma_wait3A_45 = tpu.memref_slice %arg3[%add3A_2, %dma_wait3A_44] : memref<64x7168xf32, #tpu.memory_space<hbm>> -> memref<1x7168xf32, #tpu.memory_space<hbm>>
    %dma_wait3A_46 = tpu.memref_squeeze %dma_wait3A_45 : memref<1x7168xf32, #tpu.memory_space<hbm>> -> memref<7168xf32, #tpu.memory_space<hbm>>
    tpu.wait_dma2 semaphore(%arg9 : memref<!tpu.dma_semaphore, #tpu.memory_space<semaphore_mem>>) src(%dma_wait3A_46 : memref<7168xf32, #tpu.memory_space<hbm>>) dst(%arg7 : memref<7168xf32, #tpu.memory_space<vmem>>)
    %scan3A = arith.constant 0 : i32
    %scan3A_47 = arith.constant 0 : i32
    %scan3A_48 = arith.constant 112 : i32
    %scan3A_49 = arith.addi %scan3A_47, %scan3A_48 : i32
    %scan3A_50 = arith.constant 1 : i32
    scf.for %scan3A_52 = %scan3A_47 to %scan3A_49 step %scan3A_50  : i32 {
      %mul3A_53 = arith.constant 64 : i32
      %mul3A_54 = arith.muli %scan3A_52, %mul3A_53 : i32
      %add3A_55 = arith.constant 0 : i32
      %add3A_56 = arith.addi %mul3A_54, %add3A_55 : i32
      %multiple_of3A = tpu.assume_multiple %add3A_56, 16 : i32
      %get3A = arith.index_cast %multiple_of3A : i32 to index
      %get3A_57 = tpu.vector_load %arg5[%get3A] {strides = array<i32>} : memref<7168xi32, #tpu.memory_space<vmem>>, vector<16xi32>,
      %get3A_58 = arith.index_cast %multiple_of3A : i32 to index
      %get3A_59 = tpu.vector_load %arg6[%get3A_58] {strides = array<i32>} : memref<7168xi32, #tpu.memory_space<vmem>>, vector<16xi32>,
      %get3A_60 = arith.index_cast %multiple_of3A : i32 to index
      %get3A_61 = tpu.vector_load %arg7[%get3A_60] {strides = array<i32>} : memref<7168xf32, #tpu.memory_space<vmem>>, vector<16xf32>,
      tpu.vector_store_idx %arg8[%get3A_57, %get3A_59], %get3A_61 {add = true} : memref<268x268xf32, #tpu.memory_space<vmem>>[vector<16xi32>, vector<16xi32>], vector<16xf32>,
      %mul3A_62 = arith.constant 64 : i32
      %mul3A_63 = arith.muli %scan3A_52, %mul3A_62 : i32
      %add3A_64 = arith.constant 16 : i32
      %add3A_65 = arith.addi %mul3A_63, %add3A_64 : i32
      %multiple_of3A_66 = tpu.assume_multiple %add3A_65, 16 : i32
      %get3A_67 = arith.index_cast %multiple_of3A_66 : i32 to index
      %get3A_68 = tpu.vector_load %arg5[%get3A_67] {strides = array<i32>} : memref<7168xi32, #tpu.memory_space<vmem>>, vector<16xi32>,
      %get3A_69 = arith.index_cast %multiple_of3A_66 : i32 to index
      %get3A_70 = tpu.vector_load %arg6[%get3A_69] {strides = array<i32>} : memref<7168xi32, #tpu.memory_space<vmem>>, vector<16xi32>,
      %get3A_71 = arith.index_cast %multiple_of3A_66 : i32 to index
      %get3A_72 = tpu.vector_load %arg7[%get3A_71] {strides = array<i32>} : memref<7168xf32, #tpu.memory_space<vmem>>, vector<16xf32>,
      tpu.vector_store_idx %arg8[%get3A_68, %get3A_70], %get3A_72 {add = true} : memref<268x268xf32, #tpu.memory_space<vmem>>[vector<16xi32>, vector<16xi32>], vector<16xf32>,
      %mul3A_73 = arith.constant 64 : i32
      %mul3A_74 = arith.muli %scan3A_52, %mul3A_73 : i32
      %add3A_75 = arith.constant 32 : i32
      %add3A_76 = arith.addi %mul3A_74, %add3A_75 : i32
      %multiple_of3A_77 = tpu.assume_multiple %add3A_76, 16 : i32
      %get3A_78 = arith.index_cast %multiple_of3A_77 : i32 to index
      %get3A_79 = tpu.vector_load %arg5[%get3A_78] {strides = array<i32>} : memref<7168xi32, #tpu.memory_space<vmem>>, vector<16xi32>,
      %get3A_80 = arith.index_cast %multiple_of3A_77 : i32 to index
      %get3A_81 = tpu.vector_load %arg6[%get3A_80] {strides = array<i32>} : memref<7168xi32, #tpu.memory_space<vmem>>, vector<16xi32>,
      %get3A_82 = arith.index_cast %multiple_of3A_77 : i32 to index
      %get3A_83 = tpu.vector_load %arg7[%get3A_82] {strides = array<i32>} : memref<7168xf32, #tpu.memory_space<vmem>>, vector<16xf32>,
      tpu.vector_store_idx %arg8[%get3A_79, %get3A_81], %get3A_83 {add = true} : memref<268x268xf32, #tpu.memory_space<vmem>>[vector<16xi32>, vector<16xi32>], vector<16xf32>,
      %mul3A_84 = arith.constant 64 : i32
      %mul3A_85 = arith.muli %scan3A_52, %mul3A_84 : i32
      %add3A_86 = arith.constant 48 : i32
      %add3A_87 = arith.addi %mul3A_85, %add3A_86 : i32
      %multiple_of3A_88 = tpu.assume_multiple %add3A_87, 16 : i32
      %get3A_89 = arith.index_cast %multiple_of3A_88 : i32 to index
      %get3A_90 = tpu.vector_load %arg5[%get3A_89] {strides = array<i32>} : memref<7168xi32, #tpu.memory_space<vmem>>, vector<16xi32>,
      %get3A_91 = arith.index_cast %multiple_of3A_88 : i32 to index
      %get3A_92 = tpu.vector_load %arg6[%get3A_91] {strides = array<i32>} : memref<7168xi32, #tpu.memory_space<vmem>>, vector<16xi32>,
      %get3A_93 = arith.index_cast %multiple_of3A_88 : i32 to index
      %get3A_94 = tpu.vector_load %arg7[%get3A_93] {strides = array<i32>} : memref<7168xf32, #tpu.memory_space<vmem>>, vector<16xf32>,
      tpu.vector_store_idx %arg8[%get3A_90, %get3A_92], %get3A_94 {add = true} : memref<268x268xf32, #tpu.memory_space<vmem>>[vector<16xi32>, vector<16xi32>], vector<16xf32>,
    }
    %scan3A_51 = arith.constant 112 : i32
    "tpu.region"() ({
      %run_scoped3A = tpu.sem_alloc : memref<!tpu.dma_semaphore, #tpu.memory_space<semaphore_mem>>
      %dma_start3A_52 = arith.constant 0 : i32
      %dma_start3A_53 = arith.constant 0 : i32
      %dma_start3A_54 = tpu.memref_slice %arg4[%add3A, %dma_start3A_52, %dma_start3A_53] : memref<32x268x268xf32, #tpu.memory_space<hbm>> -> memref<1x268x268xf32, #tpu.memory_space<hbm>>
      %dma_start3A_55 = tpu.memref_squeeze %dma_start3A_54 : memref<1x268x268xf32, #tpu.memory_space<hbm>> -> memref<268x268xf32, #tpu.memory_space<hbm>>
      %dma_start3A_56 = arith.constant 0 : i32
      %dma_start3A_57 = arith.constant 0 : i32
      %dma_start3A_58 = tpu.memref_slice %arg4[%add3A, %dma_start3A_56, %dma_start3A_57] : memref<32x268x268xf32, #tpu.memory_space<hbm>> -> memref<1x268x268xf32, #tpu.memory_space<hbm>>
      %dma_start3A_59 = tpu.memref_squeeze %dma_start3A_58 : memref<1x268x268xf32, #tpu.memory_space<hbm>> -> memref<268x268xf32, #tpu.memory_space<hbm>>
      tpu.enqueue_dma source(%arg8 : memref<268x268xf32, #tpu.memory_space<vmem>>) target(%dma_start3A_59 : memref<268x268xf32, #tpu.memory_space<hbm>>) target_semaphore(%run_scoped3A : memref<!tpu.dma_semaphore, #tpu.memory_space<semaphore_mem>>)
      %dma_wait3A_60 = arith.constant 0 : i32
      %dma_wait3A_61 = arith.constant 0 : i32
      %dma_wait3A_62 = tpu.memref_slice %arg4[%add3A, %dma_wait3A_60, %dma_wait3A_61] : memref<32x268x268xf32, #tpu.memory_space<hbm>> -> memref<1x268x268xf32, #tpu.memory_space<hbm>>
      %dma_wait3A_63 = tpu.memref_squeeze %dma_wait3A_62 : memref<1x268x268xf32, #tpu.memory_space<hbm>> -> memref<268x268xf32, #tpu.memory_space<hbm>>
      %dma_wait3A_64 = arith.constant 0 : i32
      %dma_wait3A_65 = arith.constant 0 : i32
      %dma_wait3A_66 = tpu.memref_slice %arg4[%add3A, %dma_wait3A_64, %dma_wait3A_65] : memref<32x268x268xf32, #tpu.memory_space<hbm>> -> memref<1x268x268xf32, #tpu.memory_space<hbm>>
      %dma_wait3A_67 = tpu.memref_squeeze %dma_wait3A_66 : memref<1x268x268xf32, #tpu.memory_space<hbm>> -> memref<268x268xf32, #tpu.memory_space<hbm>>
      tpu.wait_dma2 semaphore(%run_scoped3A : memref<!tpu.dma_semaphore, #tpu.memory_space<semaphore_mem>>) src(%arg8 : memref<268x268xf32, #tpu.memory_space<vmem>>) dst(%dma_wait3A_67 : memref<268x268xf32, #tpu.memory_space<hbm>>)
      tpu.yield
    }) : () -> ()
    return
  }
}

#map = affine_map<(d0, d1) -> (0, 0, 0)>
#map1 = affine_map<(d0, d1) -> (0, 0)>
module attributes {stable_mosaic.version = 14 : i64} {
  func.func @_sc_body(%arg0: i32, %arg1: i32, %arg2: memref<64x2x7168xi32, #tpu.memory_space<hbm>>, %arg3: memref<64x7168xf32, #tpu.memory_space<hbm>>, %arg4: memref<32x268x268xf32, #tpu.memory_space<hbm>>, %arg5: memref<7168xi32, #tpu.memory_space<vmem>>, %arg6: memref<7168xi32, #tpu.memory_space<vmem>>, %arg7: memref<7168xf32, #tpu.memory_space<vmem>>, %arg8: memref<268x268xf32, #tpu.memory_space<vmem>>, %arg9: memref<!tpu.dma_semaphore, #tpu.memory_space<semaphore_mem>>) attributes {dimension_semantics = [#tpu.dimension_semantics<core_parallel>, #tpu.dimension_semantics<subcore_parallel>], iteration_bounds = array<i64: 2, 16>, scalar_prefetch = 0 : i64, scratch_operands = 5 : i64, tpu.core_type = #tpu.core_type<sc_vector_subcore>, window_params = [{transform_indices = #map}, {transform_indices = #map1}, {transform_indices = #map}]} {
    %mul3A = arith.constant 2 : i32
    %mul3A_0 = arith.muli %arg1, %mul3A : i32
    %add3A = arith.addi %mul3A_0, %arg0 : i32
    %add3A_1 = arith.constant 0 : i32
    %add3A_2 = arith.addi %add3A_1, %add3A : i32
    %dma_start3A = arith.constant 0 : i32
    %dma_start3A_3 = arith.constant 0 : i32
    %dma_start3A_4 = tpu.memref_slice %arg2[%add3A_2, %dma_start3A, %dma_start3A_3] : memref<64x2x7168xi32, #tpu.memory_space<hbm>> -> memref<1x1x7168xi32, #tpu.memory_space<hbm>>
    %dma_start3A_5 = tpu.memref_squeeze %dma_start3A_4 : memref<1x1x7168xi32, #tpu.memory_space<hbm>> -> memref<7168xi32, #tpu.memory_space<hbm>>
    %dma_start3A_6 = arith.constant 0 : i32
    %dma_start3A_7 = tpu.memref_slice %arg2[%add3A_2, %dma_start3A, %dma_start3A_6] : memref<64x2x7168xi32, #tpu.memory_space<hbm>> -> memref<1x1x7168xi32, #tpu.memory_space<hbm>>
    %dma_start3A_8 = tpu.memref_squeeze %dma_start3A_7 : memref<1x1x7168xi32, #tpu.memory_space<hbm>> -> memref<7168xi32, #tpu.memory_space<hbm>>
    tpu.enqueue_dma source(%dma_start3A_8 : memref<7168xi32, #tpu.memory_space<hbm>>) target(%arg5 : memref<7168xi32, #tpu.memory_space<vmem>>) target_semaphore(%arg9 : memref<!tpu.dma_semaphore, #tpu.memory_space<semaphore_mem>>)
    %dma_start3A_9 = arith.constant 1 : i32
    %dma_start3A_10 = arith.constant 0 : i32
    %dma_start3A_11 = tpu.memref_slice %arg2[%add3A_2, %dma_start3A_9, %dma_start3A_10] : memref<64x2x7168xi32, #tpu.memory_space<hbm>> -> memref<1x1x7168xi32, #tpu.memory_space<hbm>>
    %dma_start3A_12 = tpu.memref_squeeze %dma_start3A_11 : memref<1x1x7168xi32, #tpu.memory_space<hbm>> -> memref<7168xi32, #tpu.memory_space<hbm>>
    %dma_start3A_13 = arith.constant 0 : i32
    %dma_start3A_14 = tpu.memref_slice %arg2[%add3A_2, %dma_start3A_9, %dma_start3A_13] : memref<64x2x7168xi32, #tpu.memory_space<hbm>> -> memref<1x1x7168xi32, #tpu.memory_space<hbm>>
    %dma_start3A_15 = tpu.memref_squeeze %dma_start3A_14 : memref<1x1x7168xi32, #tpu.memory_space<hbm>> -> memref<7168xi32, #tpu.memory_space<hbm>>
    tpu.enqueue_dma source(%dma_start3A_15 : memref<7168xi32, #tpu.memory_space<hbm>>) target(%arg6 : memref<7168xi32, #tpu.memory_space<vmem>>) target_semaphore(%arg9 : memref<!tpu.dma_semaphore, #tpu.memory_space<semaphore_mem>>)
    %dma_start3A_16 = arith.constant 0 : i32
    %dma_start3A_17 = tpu.memref_slice %arg3[%add3A_2, %dma_start3A_16] : memref<64x7168xf32, #tpu.memory_space<hbm>> -> memref<1x7168xf32, #tpu.memory_space<hbm>>
    %dma_start3A_18 = tpu.memref_squeeze %dma_start3A_17 : memref<1x7168xf32, #tpu.memory_space<hbm>> -> memref<7168xf32, #tpu.memory_space<hbm>>
    %dma_start3A_19 = arith.constant 0 : i32
    %dma_start3A_20 = tpu.memref_slice %arg3[%add3A_2, %dma_start3A_19] : memref<64x7168xf32, #tpu.memory_space<hbm>> -> memref<1x7168xf32, #tpu.memory_space<hbm>>
    %dma_start3A_21 = tpu.memref_squeeze %dma_start3A_20 : memref<1x7168xf32, #tpu.memory_space<hbm>> -> memref<7168xf32, #tpu.memory_space<hbm>>
    tpu.enqueue_dma source(%dma_start3A_21 : memref<7168xf32, #tpu.memory_space<hbm>>) target(%arg7 : memref<7168xf32, #tpu.memory_space<vmem>>) target_semaphore(%arg9 : memref<!tpu.dma_semaphore, #tpu.memory_space<semaphore_mem>>)
    %broadcast_in_dim3A = arith.constant 0.000000e+00 : f32
    %broadcast_in_dim3A_22 = vector.broadcast %broadcast_in_dim3A : f32 to vector<16xf32>
    %iota3A = tpu.iota {dimensions = array<i32: 0>} : vector<16xi32>
    %add3A_23 = arith.constant 252 : i32
    %add3A_24 = vector.broadcast %add3A_23 : i32 to vector<16xi32>
    %add3A_25 = arith.addi %iota3A, %add3A_24 : vector<16xi32>
    %parallel_loop3A = arith.constant 0 : i32
    %parallel_loop3A_26 = arith.constant 268 : i32
    %parallel_loop3A_27 = arith.constant 1 : i32
    scf.for %parallel_loop3A_52 = %parallel_loop3A to %parallel_loop3A_26 step %parallel_loop3A_27  : i32 {
      %parallel_loop3A_53 = arith.index_cast %parallel_loop3A_52 : i32 to index
      %parallel_loop3A_54 = arith.constant 0 : index
      %parallel_loop3A_55 = tpu.vector_load %arg8[%parallel_loop3A_53, %parallel_loop3A_54] {strides = array<i32>} : memref<268x268xf32, #tpu.memory_space<vmem>>, vector<16xf32>,
      tpu.vector_store %arg8[%parallel_loop3A_53, %parallel_loop3A_54], %broadcast_in_dim3A_22 {strides = array<i32>} : memref<268x268xf32, #tpu.memory_space<vmem>>, vector<16xf32>,
      %parallel_loop3A_56 = arith.index_cast %parallel_loop3A_52 : i32 to index
      %parallel_loop3A_57 = arith.constant 16 : index
      %parallel_loop3A_58 = tpu.vector_load %arg8[%parallel_loop3A_56, %parallel_loop3A_57] {strides = array<i32>} : memref<268x268xf32, #tpu.memory_space<vmem>>, vector<16xf32>,
      tpu.vector_store %arg8[%parallel_loop3A_56, %parallel_loop3A_57], %broadcast_in_dim3A_22 {strides = array<i32>} : memref<268x268xf32, #tpu.memory_space<vmem>>, vector<16xf32>,
      %parallel_loop3A_59 = arith.index_cast %parallel_loop3A_52 : i32 to index
      %parallel_loop3A_60 = arith.constant 32 : index
      %parallel_loop3A_61 = tpu.vector_load %arg8[%parallel_loop3A_59, %parallel_loop3A_60] {strides = array<i32>} : memref<268x268xf32, #tpu.memory_space<vmem>>, vector<16xf32>,
      tpu.vector_store %arg8[%parallel_loop3A_59, %parallel_loop3A_60], %broadcast_in_dim3A_22 {strides = array<i32>} : memref<268x268xf32, #tpu.memory_space<vmem>>, vector<16xf32>,
      %parallel_loop3A_62 = arith.index_cast %parallel_loop3A_52 : i32 to index
      %parallel_loop3A_63 = arith.constant 48 : index
      %parallel_loop3A_64 = tpu.vector_load %arg8[%parallel_loop3A_62, %parallel_loop3A_63] {strides = array<i32>} : memref<268x268xf32, #tpu.memory_space<vmem>>, vector<16xf32>,
      tpu.vector_store %arg8[%parallel_loop3A_62, %parallel_loop3A_63], %broadcast_in_dim3A_22 {strides = array<i32>} : memref<268x268xf32, #tpu.memory_space<vmem>>, vector<16xf32>,
      %parallel_loop3A_65 = arith.index_cast %parallel_loop3A_52 : i32 to index
      %parallel_loop3A_66 = arith.constant 64 : index
      %parallel_loop3A_67 = tpu.vector_load %arg8[%parallel_loop3A_65, %parallel_loop3A_66] {strides = array<i32>} : memref<268x268xf32, #tpu.memory_space<vmem>>, vector<16xf32>,
      tpu.vector_store %arg8[%parallel_loop3A_65, %parallel_loop3A_66], %broadcast_in_dim3A_22 {strides = array<i32>} : memref<268x268xf32, #tpu.memory_space<vmem>>, vector<16xf32>,
      %parallel_loop3A_68 = arith.index_cast %parallel_loop3A_52 : i32 to index
      %parallel_loop3A_69 = arith.constant 80 : index
      %parallel_loop3A_70 = tpu.vector_load %arg8[%parallel_loop3A_68, %parallel_loop3A_69] {strides = array<i32>} : memref<268x268xf32, #tpu.memory_space<vmem>>, vector<16xf32>,
      tpu.vector_store %arg8[%parallel_loop3A_68, %parallel_loop3A_69], %broadcast_in_dim3A_22 {strides = array<i32>} : memref<268x268xf32, #tpu.memory_space<vmem>>, vector<16xf32>,
      %parallel_loop3A_71 = arith.index_cast %parallel_loop3A_52 : i32 to index
      %parallel_loop3A_72 = arith.constant 96 : index
      %parallel_loop3A_73 = tpu.vector_load %arg8[%parallel_loop3A_71, %parallel_loop3A_72] {strides = array<i32>} : memref<268x268xf32, #tpu.memory_space<vmem>>, vector<16xf32>,
      tpu.vector_store %arg8[%parallel_loop3A_71, %parallel_loop3A_72], %broadcast_in_dim3A_22 {strides = array<i32>} : memref<268x268xf32, #tpu.memory_space<vmem>>, vector<16xf32>,
      %parallel_loop3A_74 = arith.index_cast %parallel_loop3A_52 : i32 to index
      %parallel_loop3A_75 = arith.constant 112 : index
      %parallel_loop3A_76 = tpu.vector_load %arg8[%parallel_loop3A_74, %parallel_loop3A_75] {strides = array<i32>} : memref<268x268xf32, #tpu.memory_space<vmem>>, vector<16xf32>,
      tpu.vector_store %arg8[%parallel_loop3A_74, %parallel_loop3A_75], %broadcast_in_dim3A_22 {strides = array<i32>} : memref<268x268xf32, #tpu.memory_space<vmem>>, vector<16xf32>,
      %parallel_loop3A_77 = arith.index_cast %parallel_loop3A_52 : i32 to index
      %parallel_loop3A_78 = arith.constant 128 : index
      %parallel_loop3A_79 = tpu.vector_load %arg8[%parallel_loop3A_77, %parallel_loop3A_78] {strides = array<i32>} : memref<268x268xf32, #tpu.memory_space<vmem>>, vector<16xf32>,
      tpu.vector_store %arg8[%parallel_loop3A_77, %parallel_loop3A_78], %broadcast_in_dim3A_22 {strides = array<i32>} : memref<268x268xf32, #tpu.memory_space<vmem>>, vector<16xf32>,
      %parallel_loop3A_80 = arith.index_cast %parallel_loop3A_52 : i32 to index
      %parallel_loop3A_81 = arith.constant 144 : index
      %parallel_loop3A_82 = tpu.vector_load %arg8[%parallel_loop3A_80, %parallel_loop3A_81] {strides = array<i32>} : memref<268x268xf32, #tpu.memory_space<vmem>>, vector<16xf32>,
      tpu.vector_store %arg8[%parallel_loop3A_80, %parallel_loop3A_81], %broadcast_in_dim3A_22 {strides = array<i32>} : memref<268x268xf32, #tpu.memory_space<vmem>>, vector<16xf32>,
      %parallel_loop3A_83 = arith.index_cast %parallel_loop3A_52 : i32 to index
      %parallel_loop3A_84 = arith.constant 160 : index
      %parallel_loop3A_85 = tpu.vector_load %arg8[%parallel_loop3A_83, %parallel_loop3A_84] {strides = array<i32>} : memref<268x268xf32, #tpu.memory_space<vmem>>, vector<16xf32>,
      tpu.vector_store %arg8[%parallel_loop3A_83, %parallel_loop3A_84], %broadcast_in_dim3A_22 {strides = array<i32>} : memref<268x268xf32, #tpu.memory_space<vmem>>, vector<16xf32>,
      %parallel_loop3A_86 = arith.index_cast %parallel_loop3A_52 : i32 to index
      %parallel_loop3A_87 = arith.constant 176 : index
      %parallel_loop3A_88 = tpu.vector_load %arg8[%parallel_loop3A_86, %parallel_loop3A_87] {strides = array<i32>} : memref<268x268xf32, #tpu.memory_space<vmem>>, vector<16xf32>,
      tpu.vector_store %arg8[%parallel_loop3A_86, %parallel_loop3A_87], %broadcast_in_dim3A_22 {strides = array<i32>} : memref<268x268xf32, #tpu.memory_space<vmem>>, vector<16xf32>,
      %parallel_loop3A_89 = arith.index_cast %parallel_loop3A_52 : i32 to index
      %parallel_loop3A_90 = arith.constant 192 : index
      %parallel_loop3A_91 = tpu.vector_load %arg8[%parallel_loop3A_89, %parallel_loop3A_90] {strides = array<i32>} : memref<268x268xf32, #tpu.memory_space<vmem>>, vector<16xf32>,
      tpu.vector_store %arg8[%parallel_loop3A_89, %parallel_loop3A_90], %broadcast_in_dim3A_22 {strides = array<i32>} : memref<268x268xf32, #tpu.memory_space<vmem>>, vector<16xf32>,
      %parallel_loop3A_92 = arith.index_cast %parallel_loop3A_52 : i32 to index
      %parallel_loop3A_93 = arith.constant 208 : index
      %parallel_loop3A_94 = tpu.vector_load %arg8[%parallel_loop3A_92, %parallel_loop3A_93] {strides = array<i32>} : memref<268x268xf32, #tpu.memory_space<vmem>>, vector<16xf32>,
      tpu.vector_store %arg8[%parallel_loop3A_92, %parallel_loop3A_93], %broadcast_in_dim3A_22 {strides = array<i32>} : memref<268x268xf32, #tpu.memory_space<vmem>>, vector<16xf32>,
      %parallel_loop3A_95 = arith.index_cast %parallel_loop3A_52 : i32 to index
      %parallel_loop3A_96 = arith.constant 224 : index
      %parallel_loop3A_97 = tpu.vector_load %arg8[%parallel_loop3A_95, %parallel_loop3A_96] {strides = array<i32>} : memref<268x268xf32, #tpu.memory_space<vmem>>, vector<16xf32>,
      tpu.vector_store %arg8[%parallel_loop3A_95, %parallel_loop3A_96], %broadcast_in_dim3A_22 {strides = array<i32>} : memref<268x268xf32, #tpu.memory_space<vmem>>, vector<16xf32>,
      %parallel_loop3A_98 = arith.index_cast %parallel_loop3A_52 : i32 to index
      %parallel_loop3A_99 = arith.constant 240 : index
      %parallel_loop3A_100 = tpu.vector_load %arg8[%parallel_loop3A_98, %parallel_loop3A_99] {strides = array<i32>} : memref<268x268xf32, #tpu.memory_space<vmem>>, vector<16xf32>,
      tpu.vector_store %arg8[%parallel_loop3A_98, %parallel_loop3A_99], %broadcast_in_dim3A_22 {strides = array<i32>} : memref<268x268xf32, #tpu.memory_space<vmem>>, vector<16xf32>,
      %parallel_loop3A_101 = vector.broadcast %parallel_loop3A_52 : i32 to vector<16xi32>
      tpu.vector_store_idx %arg8[%parallel_loop3A_101, %add3A_25], %broadcast_in_dim3A_22 : memref<268x268xf32, #tpu.memory_space<vmem>>[vector<16xi32>, vector<16xi32>], vector<16xf32>,
    } {sc.loop_unroll_factor = 4 : i64, sc.parallel_access}
    %dma_wait3A = arith.constant 0 : i32
    %dma_wait3A_28 = arith.constant 0 : i32
    %dma_wait3A_29 = tpu.memref_slice %arg2[%add3A_2, %dma_wait3A, %dma_wait3A_28] : memref<64x2x7168xi32, #tpu.memory_space<hbm>> -> memref<1x1x7168xi32, #tpu.memory_space<hbm>>
    %dma_wait3A_30 = tpu.memref_squeeze %dma_wait3A_29 : memref<1x1x7168xi32, #tpu.memory_space<hbm>> -> memref<7168xi32, #tpu.memory_space<hbm>>
    %dma_wait3A_31 = arith.constant 0 : i32
    %dma_wait3A_32 = tpu.memref_slice %arg2[%add3A_2, %dma_wait3A, %dma_wait3A_31] : memref<64x2x7168xi32, #tpu.memory_space<hbm>> -> memref<1x1x7168xi32, #tpu.memory_space<hbm>>
    %dma_wait3A_33 = tpu.memref_squeeze %dma_wait3A_32 : memref<1x1x7168xi32, #tpu.memory_space<hbm>> -> memref<7168xi32, #tpu.memory_space<hbm>>
    tpu.wait_dma2 semaphore(%arg9 : memref<!tpu.dma_semaphore, #tpu.memory_space<semaphore_mem>>) src(%dma_wait3A_33 : memref<7168xi32, #tpu.memory_space<hbm>>) dst(%arg5 : memref<7168xi32, #tpu.memory_space<vmem>>)
    %dma_wait3A_34 = arith.constant 1 : i32
    %dma_wait3A_35 = arith.constant 0 : i32
    %dma_wait3A_36 = tpu.memref_slice %arg2[%add3A_2, %dma_wait3A_34, %dma_wait3A_35] : memref<64x2x7168xi32, #tpu.memory_space<hbm>> -> memref<1x1x7168xi32, #tpu.memory_space<hbm>>
    %dma_wait3A_37 = tpu.memref_squeeze %dma_wait3A_36 : memref<1x1x7168xi32, #tpu.memory_space<hbm>> -> memref<7168xi32, #tpu.memory_space<hbm>>
    %dma_wait3A_38 = arith.constant 0 : i32
    %dma_wait3A_39 = tpu.memref_slice %arg2[%add3A_2, %dma_wait3A_34, %dma_wait3A_38] : memref<64x2x7168xi32, #tpu.memory_space<hbm>> -> memref<1x1x7168xi32, #tpu.memory_space<hbm>>
    %dma_wait3A_40 = tpu.memref_squeeze %dma_wait3A_39 : memref<1x1x7168xi32, #tpu.memory_space<hbm>> -> memref<7168xi32, #tpu.memory_space<hbm>>
    tpu.wait_dma2 semaphore(%arg9 : memref<!tpu.dma_semaphore, #tpu.memory_space<semaphore_mem>>) src(%dma_wait3A_40 : memref<7168xi32, #tpu.memory_space<hbm>>) dst(%arg6 : memref<7168xi32, #tpu.memory_space<vmem>>)
    %dma_wait3A_41 = arith.constant 0 : i32
    %dma_wait3A_42 = tpu.memref_slice %arg3[%add3A_2, %dma_wait3A_41] : memref<64x7168xf32, #tpu.memory_space<hbm>> -> memref<1x7168xf32, #tpu.memory_space<hbm>>
    %dma_wait3A_43 = tpu.memref_squeeze %dma_wait3A_42 : memref<1x7168xf32, #tpu.memory_space<hbm>> -> memref<7168xf32, #tpu.memory_space<hbm>>
    %dma_wait3A_44 = arith.constant 0 : i32
    %dma_wait3A_45 = tpu.memref_slice %arg3[%add3A_2, %dma_wait3A_44] : memref<64x7168xf32, #tpu.memory_space<hbm>> -> memref<1x7168xf32, #tpu.memory_space<hbm>>
    %dma_wait3A_46 = tpu.memref_squeeze %dma_wait3A_45 : memref<1x7168xf32, #tpu.memory_space<hbm>> -> memref<7168xf32, #tpu.memory_space<hbm>>
    tpu.wait_dma2 semaphore(%arg9 : memref<!tpu.dma_semaphore, #tpu.memory_space<semaphore_mem>>) src(%dma_wait3A_46 : memref<7168xf32, #tpu.memory_space<hbm>>) dst(%arg7 : memref<7168xf32, #tpu.memory_space<vmem>>)
    %scan3A = arith.constant 0 : i32
    %scan3A_47 = arith.constant 0 : i32
    %scan3A_48 = arith.constant 112 : i32
    %scan3A_49 = arith.addi %scan3A_47, %scan3A_48 : i32
    %scan3A_50 = arith.constant 1 : i32
    scf.for %scan3A_52 = %scan3A_47 to %scan3A_49 step %scan3A_50  : i32 {
      %mul3A_53 = arith.constant 64 : i32
      %mul3A_54 = arith.muli %scan3A_52, %mul3A_53 : i32
      %add3A_55 = arith.constant 0 : i32
      %add3A_56 = arith.addi %mul3A_54, %add3A_55 : i32
      %multiple_of3A = tpu.assume_multiple %add3A_56, 16 : i32
      %get3A = arith.index_cast %multiple_of3A : i32 to index
      %get3A_57 = tpu.vector_load %arg5[%get3A] {strides = array<i32>} : memref<7168xi32, #tpu.memory_space<vmem>>, vector<16xi32>,
      %get3A_58 = arith.index_cast %multiple_of3A : i32 to index
      %get3A_59 = tpu.vector_load %arg6[%get3A_58] {strides = array<i32>} : memref<7168xi32, #tpu.memory_space<vmem>>, vector<16xi32>,
      %get3A_60 = arith.index_cast %multiple_of3A : i32 to index
      %get3A_61 = tpu.vector_load %arg7[%get3A_60] {strides = array<i32>} : memref<7168xf32, #tpu.memory_space<vmem>>, vector<16xf32>,
      tpu.vector_store_idx %arg8[%get3A_57, %get3A_59], %get3A_61 {add = true} : memref<268x268xf32, #tpu.memory_space<vmem>>[vector<16xi32>, vector<16xi32>], vector<16xf32>,
      %mul3A_62 = arith.constant 64 : i32
      %mul3A_63 = arith.muli %scan3A_52, %mul3A_62 : i32
      %add3A_64 = arith.constant 16 : i32
      %add3A_65 = arith.addi %mul3A_63, %add3A_64 : i32
      %multiple_of3A_66 = tpu.assume_multiple %add3A_65, 16 : i32
      %get3A_67 = arith.index_cast %multiple_of3A_66 : i32 to index
      %get3A_68 = tpu.vector_load %arg5[%get3A_67] {strides = array<i32>} : memref<7168xi32, #tpu.memory_space<vmem>>, vector<16xi32>,
      %get3A_69 = arith.index_cast %multiple_of3A_66 : i32 to index
      %get3A_70 = tpu.vector_load %arg6[%get3A_69] {strides = array<i32>} : memref<7168xi32, #tpu.memory_space<vmem>>, vector<16xi32>,
      %get3A_71 = arith.index_cast %multiple_of3A_66 : i32 to index
      %get3A_72 = tpu.vector_load %arg7[%get3A_71] {strides = array<i32>} : memref<7168xf32, #tpu.memory_space<vmem>>, vector<16xf32>,
      tpu.vector_store_idx %arg8[%get3A_68, %get3A_70], %get3A_72 {add = true} : memref<268x268xf32, #tpu.memory_space<vmem>>[vector<16xi32>, vector<16xi32>], vector<16xf32>,
      %mul3A_73 = arith.constant 64 : i32
      %mul3A_74 = arith.muli %scan3A_52, %mul3A_73 : i32
      %add3A_75 = arith.constant 32 : i32
      %add3A_76 = arith.addi %mul3A_74, %add3A_75 : i32
      %multiple_of3A_77 = tpu.assume_multiple %add3A_76, 16 : i32
      %get3A_78 = arith.index_cast %multiple_of3A_77 : i32 to index
      %get3A_79 = tpu.vector_load %arg5[%get3A_78] {strides = array<i32>} : memref<7168xi32, #tpu.memory_space<vmem>>, vector<16xi32>,
      %get3A_80 = arith.index_cast %multiple_of3A_77 : i32 to index
      %get3A_81 = tpu.vector_load %arg6[%get3A_80] {strides = array<i32>} : memref<7168xi32, #tpu.memory_space<vmem>>, vector<16xi32>,
      %get3A_82 = arith.index_cast %multiple_of3A_77 : i32 to index
      %get3A_83 = tpu.vector_load %arg7[%get3A_82] {strides = array<i32>} : memref<7168xf32, #tpu.memory_space<vmem>>, vector<16xf32>,
      tpu.vector_store_idx %arg8[%get3A_79, %get3A_81], %get3A_83 {add = true} : memref<268x268xf32, #tpu.memory_space<vmem>>[vector<16xi32>, vector<16xi32>], vector<16xf32>,
      %mul3A_84 = arith.constant 64 : i32
      %mul3A_85 = arith.muli %scan3A_52, %mul3A_84 : i32
      %add3A_86 = arith.constant 48 : i32
      %add3A_87 = arith.addi %mul3A_85, %add3A_86 : i32
      %multiple_of3A_88 = tpu.assume_multiple %add3A_87, 16 : i32
      %get3A_89 = arith.index_cast %multiple_of3A_88 : i32 to index
      %get3A_90 = tpu.vector_load %arg5[%get3A_89] {strides = array<i32>} : memref<7168xi32, #tpu.memory_space<vmem>>, vector<16xi32>,
      %get3A_91 = arith.index_cast %multiple_of3A_88 : i32 to index
      %get3A_92 = tpu.vector_load %arg6[%get3A_91] {strides = array<i32>} : memref<7168xi32, #tpu.memory_space<vmem>>, vector<16xi32>,
      %get3A_93 = arith.index_cast %multiple_of3A_88 : i32 to index
      %get3A_94 = tpu.vector_load %arg7[%get3A_93] {strides = array<i32>} : memref<7168xf32, #tpu.memory_space<vmem>>, vector<16xf32>,
      tpu.vector_store_idx %arg8[%get3A_90, %get3A_92], %get3A_94 {add = true} : memref<268x268xf32, #tpu.memory_space<vmem>>[vector<16xi32>, vector<16xi32>], vector<16xf32>,
    }
    %scan3A_51 = arith.constant 112 : i32
    "tpu.region"() ({
      %run_scoped3A = tpu.sem_alloc : memref<!tpu.dma_semaphore, #tpu.memory_space<semaphore_mem>>
      %dma_start3A_52 = arith.constant 0 : i32
      %dma_start3A_53 = arith.constant 0 : i32
      %dma_start3A_54 = tpu.memref_slice %arg4[%add3A, %dma_start3A_52, %dma_start3A_53] : memref<32x268x268xf32, #tpu.memory_space<hbm>> -> memref<1x268x268xf32, #tpu.memory_space<hbm>>
      %dma_start3A_55 = tpu.memref_squeeze %dma_start3A_54 : memref<1x268x268xf32, #tpu.memory_space<hbm>> -> memref<268x268xf32, #tpu.memory_space<hbm>>
      %dma_start3A_56 = arith.constant 0 : i32
      %dma_start3A_57 = arith.constant 0 : i32
      %dma_start3A_58 = tpu.memref_slice %arg4[%add3A, %dma_start3A_56, %dma_start3A_57] : memref<32x268x268xf32, #tpu.memory_space<hbm>> -> memref<1x268x268xf32, #tpu.memory_space<hbm>>
      %dma_start3A_59 = tpu.memref_squeeze %dma_start3A_58 : memref<1x268x268xf32, #tpu.memory_space<hbm>> -> memref<268x268xf32, #tpu.memory_space<hbm>>
      tpu.enqueue_dma source(%arg8 : memref<268x268xf32, #tpu.memory_space<vmem>>) target(%dma_start3A_59 : memref<268x268xf32, #tpu.memory_space<hbm>>) target_semaphore(%run_scoped3A : memref<!tpu.dma_semaphore, #tpu.memory_space<semaphore_mem>>)
      %dma_wait3A_60 = arith.constant 0 : i32
      %dma_wait3A_61 = arith.constant 0 : i32
      %dma_wait3A_62 = tpu.memref_slice %arg4[%add3A, %dma_wait3A_60, %dma_wait3A_61] : memref<32x268x268xf32, #tpu.memory_space<hbm>> -> memref<1x268x268xf32, #tpu.memory_space<hbm>>
      %dma_wait3A_63 = tpu.memref_squeeze %dma_wait3A_62 : memref<1x268x268xf32, #tpu.memory_space<hbm>> -> memref<268x268xf32, #tpu.memory_space<hbm>>
      %dma_wait3A_64 = arith.constant 0 : i32
      %dma_wait3A_65 = arith.constant 0 : i32
      %dma_wait3A_66 = tpu.memref_slice %arg4[%add3A, %dma_wait3A_64, %dma_wait3A_65] : memref<32x268x268xf32, #tpu.memory_space<hbm>> -> memref<1x268x268xf32, #tpu.memory_space<hbm>>
      %dma_wait3A_67 = tpu.memref_squeeze %dma_wait3A_66 : memref<1x268x268xf32, #tpu.memory_space<hbm>> -> memref<268x268xf32, #tpu.memory_space<hbm>>
      tpu.wait_dma2 semaphore(%run_scoped3A : memref<!tpu.dma_semaphore, #tpu.memory_space<semaphore_mem>>) src(%arg8 : memref<268x268xf32, #tpu.memory_space<vmem>>) dst(%dma_wait3A_67 : memref<268x268xf32, #tpu.memory_space<hbm>>)
      tpu.yield
    }) : () -> ()
    return
  }
}

module attributes {stable_mosaic.version = 14 : i64} {
  func.func @_tc_body(%arg0: i32, %arg1: memref<8x268x268xf32, #tpu.memory_space<vmem>>, %arg2: memref<8x268x268xf32, #tpu.memory_space<vmem>>, %arg3: memref<268x48xf32, #tpu.memory_space<vmem>>, %arg4: memref<1x16xf32, #tpu.memory_space<vmem>>, %arg5: memref<16x6xf32, #tpu.memory_space<vmem>>, %arg6: memref<1x2xf32, #tpu.memory_space<vmem>>, %arg7: memref<268x50xf32, #tpu.memory_space<vmem>>, %arg8: memref<1x50xf32, #tpu.memory_space<vmem>>, %arg9: memref<50x1xf32, #tpu.memory_space<vmem>>, %arg10: memref<1x1xf32, #tpu.memory_space<vmem>>, %arg11: memref<8x1x2xf32, #tpu.memory_space<vmem>>) attributes {dimension_semantics = [#tpu.dimension_semantics<arbitrary>], iteration_bounds = array<i64: 4>, scalar_prefetch = 0 : i64, scratch_operands = 0 : i64, tpu.core_type = #tpu.core_type<tc>, window_params = [{transform_indices = @transform_0, window_bounds = array<i64: 8, 268, 268>}, {transform_indices = @transform_1, window_bounds = array<i64: 8, 268, 268>}, {pipeline_mode = #tpu.pipeline_mode<synchronous>, transform_indices = @transform_2, window_bounds = array<i64: 268, 48>}, {pipeline_mode = #tpu.pipeline_mode<synchronous>, transform_indices = @transform_3, window_bounds = array<i64: 1, 16>}, {pipeline_mode = #tpu.pipeline_mode<synchronous>, transform_indices = @transform_4, window_bounds = array<i64: 16, 6>}, {pipeline_mode = #tpu.pipeline_mode<synchronous>, transform_indices = @transform_5, window_bounds = array<i64: 1, 2>}, {pipeline_mode = #tpu.pipeline_mode<synchronous>, transform_indices = @transform_6, window_bounds = array<i64: 268, 50>}, {pipeline_mode = #tpu.pipeline_mode<synchronous>, transform_indices = @transform_7, window_bounds = array<i64: 1, 50>}, {pipeline_mode = #tpu.pipeline_mode<synchronous>, transform_indices = @transform_8, window_bounds = array<i64: 50, 1>}, {pipeline_mode = #tpu.pipeline_mode<synchronous>, transform_indices = @transform_9, window_bounds = array<i64: 1, 1>}, {transform_indices = @transform_10, window_bounds = array<i64: 8, 1, 2>}]} {
    %get3A = arith.constant 0 : index
    %get3A_0 = arith.constant 0 : index
    %get3A_1 = arith.constant 0 : index
    %get3A_2 = vector.load %arg1[%get3A, %get3A_0, %get3A_1] : memref<8x268x268xf32, #tpu.memory_space<vmem>>, vector<1x268x268xf32>
    %get3A_3 = vector.shape_cast %get3A_2 : vector<1x268x268xf32> to vector<268x268xf32>
    %get3A_4 = arith.constant 1 : index
    %get3A_5 = arith.constant 0 : index
    %get3A_6 = arith.constant 0 : index
    %get3A_7 = vector.load %arg1[%get3A_4, %get3A_5, %get3A_6] : memref<8x268x268xf32, #tpu.memory_space<vmem>>, vector<1x268x268xf32>
    %get3A_8 = vector.shape_cast %get3A_7 : vector<1x268x268xf32> to vector<268x268xf32>
    %get3A_9 = arith.constant 2 : index
    %get3A_10 = arith.constant 0 : index
    %get3A_11 = arith.constant 0 : index
    %get3A_12 = vector.load %arg1[%get3A_9, %get3A_10, %get3A_11] : memref<8x268x268xf32, #tpu.memory_space<vmem>>, vector<1x268x268xf32>
    %get3A_13 = vector.shape_cast %get3A_12 : vector<1x268x268xf32> to vector<268x268xf32>
    %get3A_14 = arith.constant 3 : index
    %get3A_15 = arith.constant 0 : index
    %get3A_16 = arith.constant 0 : index
    %get3A_17 = vector.load %arg1[%get3A_14, %get3A_15, %get3A_16] : memref<8x268x268xf32, #tpu.memory_space<vmem>>, vector<1x268x268xf32>
    %get3A_18 = vector.shape_cast %get3A_17 : vector<1x268x268xf32> to vector<268x268xf32>
    %get3A_19 = arith.constant 4 : index
    %get3A_20 = arith.constant 0 : index
    %get3A_21 = arith.constant 0 : index
    %get3A_22 = vector.load %arg1[%get3A_19, %get3A_20, %get3A_21] : memref<8x268x268xf32, #tpu.memory_space<vmem>>, vector<1x268x268xf32>
    %get3A_23 = vector.shape_cast %get3A_22 : vector<1x268x268xf32> to vector<268x268xf32>
    %get3A_24 = arith.constant 5 : index
    %get3A_25 = arith.constant 0 : index
    %get3A_26 = arith.constant 0 : index
    %get3A_27 = vector.load %arg1[%get3A_24, %get3A_25, %get3A_26] : memref<8x268x268xf32, #tpu.memory_space<vmem>>, vector<1x268x268xf32>
    %get3A_28 = vector.shape_cast %get3A_27 : vector<1x268x268xf32> to vector<268x268xf32>
    %get3A_29 = arith.constant 6 : index
    %get3A_30 = arith.constant 0 : index
    %get3A_31 = arith.constant 0 : index
    %get3A_32 = vector.load %arg1[%get3A_29, %get3A_30, %get3A_31] : memref<8x268x268xf32, #tpu.memory_space<vmem>>, vector<1x268x268xf32>
    %get3A_33 = vector.shape_cast %get3A_32 : vector<1x268x268xf32> to vector<268x268xf32>
    %get3A_34 = arith.constant 7 : index
    %get3A_35 = arith.constant 0 : index
    %get3A_36 = arith.constant 0 : index
    %get3A_37 = vector.load %arg1[%get3A_34, %get3A_35, %get3A_36] : memref<8x268x268xf32, #tpu.memory_space<vmem>>, vector<1x268x268xf32>
    %get3A_38 = vector.shape_cast %get3A_37 : vector<1x268x268xf32> to vector<268x268xf32>
    %get3A_39 = arith.constant 0 : index
    %get3A_40 = arith.constant 0 : index
    %get3A_41 = arith.constant 0 : index
    %get3A_42 = vector.load %arg2[%get3A_39, %get3A_40, %get3A_41] : memref<8x268x268xf32, #tpu.memory_space<vmem>>, vector<1x268x268xf32>
    %get3A_43 = vector.shape_cast %get3A_42 : vector<1x268x268xf32> to vector<268x268xf32>
    %get3A_44 = arith.constant 1 : index
    %get3A_45 = arith.constant 0 : index
    %get3A_46 = arith.constant 0 : index
    %get3A_47 = vector.load %arg2[%get3A_44, %get3A_45, %get3A_46] : memref<8x268x268xf32, #tpu.memory_space<vmem>>, vector<1x268x268xf32>
    %get3A_48 = vector.shape_cast %get3A_47 : vector<1x268x268xf32> to vector<268x268xf32>
    %get3A_49 = arith.constant 2 : index
    %get3A_50 = arith.constant 0 : index
    %get3A_51 = arith.constant 0 : index
    %get3A_52 = vector.load %arg2[%get3A_49, %get3A_50, %get3A_51] : memref<8x268x268xf32, #tpu.memory_space<vmem>>, vector<1x268x268xf32>
    %get3A_53 = vector.shape_cast %get3A_52 : vector<1x268x268xf32> to vector<268x268xf32>
    %get3A_54 = arith.constant 3 : index
    %get3A_55 = arith.constant 0 : index
    %get3A_56 = arith.constant 0 : index
    %get3A_57 = vector.load %arg2[%get3A_54, %get3A_55, %get3A_56] : memref<8x268x268xf32, #tpu.memory_space<vmem>>, vector<1x268x268xf32>
    %get3A_58 = vector.shape_cast %get3A_57 : vector<1x268x268xf32> to vector<268x268xf32>
    %get3A_59 = arith.constant 4 : index
    %get3A_60 = arith.constant 0 : index
    %get3A_61 = arith.constant 0 : index
    %get3A_62 = vector.load %arg2[%get3A_59, %get3A_60, %get3A_61] : memref<8x268x268xf32, #tpu.memory_space<vmem>>, vector<1x268x268xf32>
    %get3A_63 = vector.shape_cast %get3A_62 : vector<1x268x268xf32> to vector<268x268xf32>
    %get3A_64 = arith.constant 5 : index
    %get3A_65 = arith.constant 0 : index
    %get3A_66 = arith.constant 0 : index
    %get3A_67 = vector.load %arg2[%get3A_64, %get3A_65, %get3A_66] : memref<8x268x268xf32, #tpu.memory_space<vmem>>, vector<1x268x268xf32>
    %get3A_68 = vector.shape_cast %get3A_67 : vector<1x268x268xf32> to vector<268x268xf32>
    %get3A_69 = arith.constant 6 : index
    %get3A_70 = arith.constant 0 : index
    %get3A_71 = arith.constant 0 : index
    %get3A_72 = vector.load %arg2[%get3A_69, %get3A_70, %get3A_71] : memref<8x268x268xf32, #tpu.memory_space<vmem>>, vector<1x268x268xf32>
    %get3A_73 = vector.shape_cast %get3A_72 : vector<1x268x268xf32> to vector<268x268xf32>
    %get3A_74 = arith.constant 7 : index
    %get3A_75 = arith.constant 0 : index
    %get3A_76 = arith.constant 0 : index
    %get3A_77 = vector.load %arg2[%get3A_74, %get3A_75, %get3A_76] : memref<8x268x268xf32, #tpu.memory_space<vmem>>, vector<1x268x268xf32>
    %get3A_78 = vector.shape_cast %get3A_77 : vector<1x268x268xf32> to vector<268x268xf32>
    %reduce_sum3A = arith.constant dense<0.000000e+00> : vector<268xf32>
    %reduce_sum3A_79 = vector.multi_reduction <add>, %get3A_3, %reduce_sum3A [1] : vector<268x268xf32> to vector<268xf32>
    %broadcast_in_dim3A = vector.shape_cast %reduce_sum3A_79 : vector<268xf32> to vector<268x1xf32>
    %gt3A = arith.constant 0.000000e+00 : f32
    %gt3A_80 = vector.broadcast %gt3A : f32 to vector<268x1xf32>
    %gt3A_81 = arith.cmpf ogt, %broadcast_in_dim3A, %gt3A_80 : vector<268x1xf32>
    %jit3A = arith.constant 1.000000e+00 : f32
    %broadcast_in_dim3A_82 = vector.broadcast %jit3A : f32 to vector<268x1xf32>
    %select_n3A = arith.select %gt3A_81, %broadcast_in_dim3A, %broadcast_in_dim3A_82 : vector<268x1xi1>, vector<268x1xf32>
    %rsqrt3A = math.rsqrt %select_n3A : vector<268x1xf32>
    %jit3A_83 = arith.constant 0.000000e+00 : f32
    %broadcast_in_dim3A_84 = vector.broadcast %jit3A_83 : f32 to vector<268x1xf32>
    %select_n3A_85 = arith.select %gt3A_81, %rsqrt3A, %broadcast_in_dim3A_84 : vector<268x1xi1>, vector<268x1xf32>
    %reduce_sum3A_86 = arith.constant dense<0.000000e+00> : vector<268xf32>
    %reduce_sum3A_87 = vector.multi_reduction <add>, %get3A_8, %reduce_sum3A_86 [1] : vector<268x268xf32> to vector<268xf32>
    %broadcast_in_dim3A_88 = vector.shape_cast %reduce_sum3A_87 : vector<268xf32> to vector<268x1xf32>
    %gt3A_89 = arith.constant 0.000000e+00 : f32
    %gt3A_90 = vector.broadcast %gt3A_89 : f32 to vector<268x1xf32>
    %gt3A_91 = arith.cmpf ogt, %broadcast_in_dim3A_88, %gt3A_90 : vector<268x1xf32>
    %jit3A_92 = arith.constant 1.000000e+00 : f32
    %broadcast_in_dim3A_93 = vector.broadcast %jit3A_92 : f32 to vector<268x1xf32>
    %select_n3A_94 = arith.select %gt3A_91, %broadcast_in_dim3A_88, %broadcast_in_dim3A_93 : vector<268x1xi1>, vector<268x1xf32>
    %rsqrt3A_95 = math.rsqrt %select_n3A_94 : vector<268x1xf32>
    %jit3A_96 = arith.constant 0.000000e+00 : f32
    %broadcast_in_dim3A_97 = vector.broadcast %jit3A_96 : f32 to vector<268x1xf32>
    %select_n3A_98 = arith.select %gt3A_91, %rsqrt3A_95, %broadcast_in_dim3A_97 : vector<268x1xi1>, vector<268x1xf32>
    %reduce_sum3A_99 = arith.constant dense<0.000000e+00> : vector<268xf32>
    %reduce_sum3A_100 = vector.multi_reduction <add>, %get3A_13, %reduce_sum3A_99 [1] : vector<268x268xf32> to vector<268xf32>
    %broadcast_in_dim3A_101 = vector.shape_cast %reduce_sum3A_100 : vector<268xf32> to vector<268x1xf32>
    %gt3A_102 = arith.constant 0.000000e+00 : f32
    %gt3A_103 = vector.broadcast %gt3A_102 : f32 to vector<268x1xf32>
    %gt3A_104 = arith.cmpf ogt, %broadcast_in_dim3A_101, %gt3A_103 : vector<268x1xf32>
    %jit3A_105 = arith.constant 1.000000e+00 : f32
    %broadcast_in_dim3A_106 = vector.broadcast %jit3A_105 : f32 to vector<268x1xf32>
    %select_n3A_107 = arith.select %gt3A_104, %broadcast_in_dim3A_101, %broadcast_in_dim3A_106 : vector<268x1xi1>, vector<268x1xf32>
    %rsqrt3A_108 = math.rsqrt %select_n3A_107 : vector<268x1xf32>
    %jit3A_109 = arith.constant 0.000000e+00 : f32
    %broadcast_in_dim3A_110 = vector.broadcast %jit3A_109 : f32 to vector<268x1xf32>
    %select_n3A_111 = arith.select %gt3A_104, %rsqrt3A_108, %broadcast_in_dim3A_110 : vector<268x1xi1>, vector<268x1xf32>
    %reduce_sum3A_112 = arith.constant dense<0.000000e+00> : vector<268xf32>
    %reduce_sum3A_113 = vector.multi_reduction <add>, %get3A_18, %reduce_sum3A_112 [1] : vector<268x268xf32> to vector<268xf32>
    %broadcast_in_dim3A_114 = vector.shape_cast %reduce_sum3A_113 : vector<268xf32> to vector<268x1xf32>
    %gt3A_115 = arith.constant 0.000000e+00 : f32
    %gt3A_116 = vector.broadcast %gt3A_115 : f32 to vector<268x1xf32>
    %gt3A_117 = arith.cmpf ogt, %broadcast_in_dim3A_114, %gt3A_116 : vector<268x1xf32>
    %jit3A_118 = arith.constant 1.000000e+00 : f32
    %broadcast_in_dim3A_119 = vector.broadcast %jit3A_118 : f32 to vector<268x1xf32>
    %select_n3A_120 = arith.select %gt3A_117, %broadcast_in_dim3A_114, %broadcast_in_dim3A_119 : vector<268x1xi1>, vector<268x1xf32>
    %rsqrt3A_121 = math.rsqrt %select_n3A_120 : vector<268x1xf32>
    %jit3A_122 = arith.constant 0.000000e+00 : f32
    %broadcast_in_dim3A_123 = vector.broadcast %jit3A_122 : f32 to vector<268x1xf32>
    %select_n3A_124 = arith.select %gt3A_117, %rsqrt3A_121, %broadcast_in_dim3A_123 : vector<268x1xi1>, vector<268x1xf32>
    %reduce_sum3A_125 = arith.constant dense<0.000000e+00> : vector<268xf32>
    %reduce_sum3A_126 = vector.multi_reduction <add>, %get3A_23, %reduce_sum3A_125 [1] : vector<268x268xf32> to vector<268xf32>
    %broadcast_in_dim3A_127 = vector.shape_cast %reduce_sum3A_126 : vector<268xf32> to vector<268x1xf32>
    %gt3A_128 = arith.constant 0.000000e+00 : f32
    %gt3A_129 = vector.broadcast %gt3A_128 : f32 to vector<268x1xf32>
    %gt3A_130 = arith.cmpf ogt, %broadcast_in_dim3A_127, %gt3A_129 : vector<268x1xf32>
    %jit3A_131 = arith.constant 1.000000e+00 : f32
    %broadcast_in_dim3A_132 = vector.broadcast %jit3A_131 : f32 to vector<268x1xf32>
    %select_n3A_133 = arith.select %gt3A_130, %broadcast_in_dim3A_127, %broadcast_in_dim3A_132 : vector<268x1xi1>, vector<268x1xf32>
    %rsqrt3A_134 = math.rsqrt %select_n3A_133 : vector<268x1xf32>
    %jit3A_135 = arith.constant 0.000000e+00 : f32
    %broadcast_in_dim3A_136 = vector.broadcast %jit3A_135 : f32 to vector<268x1xf32>
    %select_n3A_137 = arith.select %gt3A_130, %rsqrt3A_134, %broadcast_in_dim3A_136 : vector<268x1xi1>, vector<268x1xf32>
    %reduce_sum3A_138 = arith.constant dense<0.000000e+00> : vector<268xf32>
    %reduce_sum3A_139 = vector.multi_reduction <add>, %get3A_28, %reduce_sum3A_138 [1] : vector<268x268xf32> to vector<268xf32>
    %broadcast_in_dim3A_140 = vector.shape_cast %reduce_sum3A_139 : vector<268xf32> to vector<268x1xf32>
    %gt3A_141 = arith.constant 0.000000e+00 : f32
    %gt3A_142 = vector.broadcast %gt3A_141 : f32 to vector<268x1xf32>
    %gt3A_143 = arith.cmpf ogt, %broadcast_in_dim3A_140, %gt3A_142 : vector<268x1xf32>
    %jit3A_144 = arith.constant 1.000000e+00 : f32
    %broadcast_in_dim3A_145 = vector.broadcast %jit3A_144 : f32 to vector<268x1xf32>
    %select_n3A_146 = arith.select %gt3A_143, %broadcast_in_dim3A_140, %broadcast_in_dim3A_145 : vector<268x1xi1>, vector<268x1xf32>
    %rsqrt3A_147 = math.rsqrt %select_n3A_146 : vector<268x1xf32>
    %jit3A_148 = arith.constant 0.000000e+00 : f32
    %broadcast_in_dim3A_149 = vector.broadcast %jit3A_148 : f32 to vector<268x1xf32>
    %select_n3A_150 = arith.select %gt3A_143, %rsqrt3A_147, %broadcast_in_dim3A_149 : vector<268x1xi1>, vector<268x1xf32>
    %reduce_sum3A_151 = arith.constant dense<0.000000e+00> : vector<268xf32>
    %reduce_sum3A_152 = vector.multi_reduction <add>, %get3A_33, %reduce_sum3A_151 [1] : vector<268x268xf32> to vector<268xf32>
    %broadcast_in_dim3A_153 = vector.shape_cast %reduce_sum3A_152 : vector<268xf32> to vector<268x1xf32>
    %gt3A_154 = arith.constant 0.000000e+00 : f32
    %gt3A_155 = vector.broadcast %gt3A_154 : f32 to vector<268x1xf32>
    %gt3A_156 = arith.cmpf ogt, %broadcast_in_dim3A_153, %gt3A_155 : vector<268x1xf32>
    %jit3A_157 = arith.constant 1.000000e+00 : f32
    %broadcast_in_dim3A_158 = vector.broadcast %jit3A_157 : f32 to vector<268x1xf32>
    %select_n3A_159 = arith.select %gt3A_156, %broadcast_in_dim3A_153, %broadcast_in_dim3A_158 : vector<268x1xi1>, vector<268x1xf32>
    %rsqrt3A_160 = math.rsqrt %select_n3A_159 : vector<268x1xf32>
    %jit3A_161 = arith.constant 0.000000e+00 : f32
    %broadcast_in_dim3A_162 = vector.broadcast %jit3A_161 : f32 to vector<268x1xf32>
    %select_n3A_163 = arith.select %gt3A_156, %rsqrt3A_160, %broadcast_in_dim3A_162 : vector<268x1xi1>, vector<268x1xf32>
    %reduce_sum3A_164 = arith.constant dense<0.000000e+00> : vector<268xf32>
    %reduce_sum3A_165 = vector.multi_reduction <add>, %get3A_38, %reduce_sum3A_164 [1] : vector<268x268xf32> to vector<268xf32>
    %broadcast_in_dim3A_166 = vector.shape_cast %reduce_sum3A_165 : vector<268xf32> to vector<268x1xf32>
    %gt3A_167 = arith.constant 0.000000e+00 : f32
    %gt3A_168 = vector.broadcast %gt3A_167 : f32 to vector<268x1xf32>
    %gt3A_169 = arith.cmpf ogt, %broadcast_in_dim3A_166, %gt3A_168 : vector<268x1xf32>
    %jit3A_170 = arith.constant 1.000000e+00 : f32
    %broadcast_in_dim3A_171 = vector.broadcast %jit3A_170 : f32 to vector<268x1xf32>
    %select_n3A_172 = arith.select %gt3A_169, %broadcast_in_dim3A_166, %broadcast_in_dim3A_171 : vector<268x1xi1>, vector<268x1xf32>
    %rsqrt3A_173 = math.rsqrt %select_n3A_172 : vector<268x1xf32>
    %jit3A_174 = arith.constant 0.000000e+00 : f32
    %broadcast_in_dim3A_175 = vector.broadcast %jit3A_174 : f32 to vector<268x1xf32>
    %select_n3A_176 = arith.select %gt3A_169, %rsqrt3A_173, %broadcast_in_dim3A_175 : vector<268x1xi1>, vector<268x1xf32>
    %get3A_177 = arith.constant 0 : index
    %get3A_178 = arith.constant 0 : index
    %get3A_179 = vector.load %arg3[%get3A_177, %get3A_178] : memref<268x48xf32, #tpu.memory_space<vmem>>, vector<268x48xf32>
    %dot_general3A = arith.constant dense<0.000000e+00> : vector<268x48xf32>
    %dot_general3A_180 = tpu.matmul %get3A_43, %get3A_179, %dot_general3A {dimension_numbers = #tpu.dot_dimension_numbers<[1], [0], [0], [1], [0, 0, 1, 1], [], []>, transpose_lhs_hint = false} : vector<268x268xf32>, vector<268x48xf32>, vector<268x48xf32> -> vector<268x48xf32>
    %get3A_181 = arith.constant 0 : index
    %get3A_182 = arith.constant 0 : index
    %get3A_183 = vector.load %arg3[%get3A_181, %get3A_182] : memref<268x48xf32, #tpu.memory_space<vmem>>, vector<268x48xf32>
    %dot_general3A_184 = arith.constant dense<0.000000e+00> : vector<268x48xf32>
    %dot_general3A_185 = tpu.matmul %get3A_48, %get3A_183, %dot_general3A_184 {dimension_numbers = #tpu.dot_dimension_numbers<[1], [0], [0], [1], [0, 0, 1, 1], [], []>, transpose_lhs_hint = false} : vector<268x268xf32>, vector<268x48xf32>, vector<268x48xf32> -> vector<268x48xf32>
    %get3A_186 = arith.constant 0 : index
    %get3A_187 = arith.constant 0 : index
    %get3A_188 = vector.load %arg3[%get3A_186, %get3A_187] : memref<268x48xf32, #tpu.memory_space<vmem>>, vector<268x48xf32>
    %dot_general3A_189 = arith.constant dense<0.000000e+00> : vector<268x48xf32>
    %dot_general3A_190 = tpu.matmul %get3A_53, %get3A_188, %dot_general3A_189 {dimension_numbers = #tpu.dot_dimension_numbers<[1], [0], [0], [1], [0, 0, 1, 1], [], []>, transpose_lhs_hint = false} : vector<268x268xf32>, vector<268x48xf32>, vector<268x48xf32> -> vector<268x48xf32>
    %get3A_191 = arith.constant 0 : index
    %get3A_192 = arith.constant 0 : index
    %get3A_193 = vector.load %arg3[%get3A_191, %get3A_192] : memref<268x48xf32, #tpu.memory_space<vmem>>, vector<268x48xf32>
    %dot_general3A_194 = arith.constant dense<0.000000e+00> : vector<268x48xf32>
    %dot_general3A_195 = tpu.matmul %get3A_58, %get3A_193, %dot_general3A_194 {dimension_numbers = #tpu.dot_dimension_numbers<[1], [0], [0], [1], [0, 0, 1, 1], [], []>, transpose_lhs_hint = false} : vector<268x268xf32>, vector<268x48xf32>, vector<268x48xf32> -> vector<268x48xf32>
    %get3A_196 = arith.constant 0 : index
    %get3A_197 = arith.constant 0 : index
    %get3A_198 = vector.load %arg3[%get3A_196, %get3A_197] : memref<268x48xf32, #tpu.memory_space<vmem>>, vector<268x48xf32>
    %dot_general3A_199 = arith.constant dense<0.000000e+00> : vector<268x48xf32>
    %dot_general3A_200 = tpu.matmul %get3A_63, %get3A_198, %dot_general3A_199 {dimension_numbers = #tpu.dot_dimension_numbers<[1], [0], [0], [1], [0, 0, 1, 1], [], []>, transpose_lhs_hint = false} : vector<268x268xf32>, vector<268x48xf32>, vector<268x48xf32> -> vector<268x48xf32>
    %get3A_201 = arith.constant 0 : index
    %get3A_202 = arith.constant 0 : index
    %get3A_203 = vector.load %arg3[%get3A_201, %get3A_202] : memref<268x48xf32, #tpu.memory_space<vmem>>, vector<268x48xf32>
    %dot_general3A_204 = arith.constant dense<0.000000e+00> : vector<268x48xf32>
    %dot_general3A_205 = tpu.matmul %get3A_68, %get3A_203, %dot_general3A_204 {dimension_numbers = #tpu.dot_dimension_numbers<[1], [0], [0], [1], [0, 0, 1, 1], [], []>, transpose_lhs_hint = false} : vector<268x268xf32>, vector<268x48xf32>, vector<268x48xf32> -> vector<268x48xf32>
    %get3A_206 = arith.constant 0 : index
    %get3A_207 = arith.constant 0 : index
    %get3A_208 = vector.load %arg3[%get3A_206, %get3A_207] : memref<268x48xf32, #tpu.memory_space<vmem>>, vector<268x48xf32>
    %dot_general3A_209 = arith.constant dense<0.000000e+00> : vector<268x48xf32>
    %dot_general3A_210 = tpu.matmul %get3A_73, %get3A_208, %dot_general3A_209 {dimension_numbers = #tpu.dot_dimension_numbers<[1], [0], [0], [1], [0, 0, 1, 1], [], []>, transpose_lhs_hint = false} : vector<268x268xf32>, vector<268x48xf32>, vector<268x48xf32> -> vector<268x48xf32>
    %get3A_211 = arith.constant 0 : index
    %get3A_212 = arith.constant 0 : index
    %get3A_213 = vector.load %arg3[%get3A_211, %get3A_212] : memref<268x48xf32, #tpu.memory_space<vmem>>, vector<268x48xf32>
    %dot_general3A_214 = arith.constant dense<0.000000e+00> : vector<268x48xf32>
    %dot_general3A_215 = tpu.matmul %get3A_78, %get3A_213, %dot_general3A_214 {dimension_numbers = #tpu.dot_dimension_numbers<[1], [0], [0], [1], [0, 0, 1, 1], [], []>, transpose_lhs_hint = false} : vector<268x268xf32>, vector<268x48xf32>, vector<268x48xf32> -> vector<268x48xf32>
    %slice3A = vector.extract_strided_slice %dot_general3A_180 {offsets = [0, 32], sizes = [268, 16], strides = [1, 1]} : vector<268x48xf32> to vector<268x16xf32>
    %neg3A = arith.constant 0.000000e+00 : f32
    %neg3A_216 = vector.broadcast %neg3A : f32 to vector<268x1xf32>
    %neg3A_217 = arith.subf %neg3A_216, %select_n3A_85 : vector<268x1xf32>
    %mul3A = vector.broadcast %select_n3A_85 : vector<268x1xf32> to vector<268x16xf32>
    %mul3A_218 = arith.mulf %mul3A, %slice3A : vector<268x16xf32>
    %dot_general3A_219 = arith.constant dense<0.000000e+00> : vector<268x16xf32>
    %dot_general3A_220 = tpu.matmul %get3A_3, %mul3A_218, %dot_general3A_219 {dimension_numbers = #tpu.dot_dimension_numbers<[0], [0], [1], [1], [0, 1, 1, 1], [], []>, transpose_lhs_hint = false} : vector<268x268xf32>, vector<268x16xf32>, vector<268x16xf32> -> vector<268x16xf32>
    %mul3A_221 = vector.broadcast %neg3A_217 : vector<268x1xf32> to vector<268x16xf32>
    %mul3A_222 = arith.mulf %mul3A_221, %dot_general3A_220 : vector<268x16xf32>
    %slice3A_223 = vector.extract_strided_slice %dot_general3A_185 {offsets = [0, 32], sizes = [268, 16], strides = [1, 1]} : vector<268x48xf32> to vector<268x16xf32>
    %neg3A_224 = arith.constant 0.000000e+00 : f32
    %neg3A_225 = vector.broadcast %neg3A_224 : f32 to vector<268x1xf32>
    %neg3A_226 = arith.subf %neg3A_225, %select_n3A_98 : vector<268x1xf32>
    %mul3A_227 = vector.broadcast %select_n3A_98 : vector<268x1xf32> to vector<268x16xf32>
    %mul3A_228 = arith.mulf %mul3A_227, %slice3A_223 : vector<268x16xf32>
    %dot_general3A_229 = arith.constant dense<0.000000e+00> : vector<268x16xf32>
    %dot_general3A_230 = tpu.matmul %get3A_8, %mul3A_228, %dot_general3A_229 {dimension_numbers = #tpu.dot_dimension_numbers<[0], [0], [1], [1], [0, 1, 1, 1], [], []>, transpose_lhs_hint = false} : vector<268x268xf32>, vector<268x16xf32>, vector<268x16xf32> -> vector<268x16xf32>
    %mul3A_231 = vector.broadcast %neg3A_226 : vector<268x1xf32> to vector<268x16xf32>
    %mul3A_232 = arith.mulf %mul3A_231, %dot_general3A_230 : vector<268x16xf32>
    %slice3A_233 = vector.extract_strided_slice %dot_general3A_190 {offsets = [0, 32], sizes = [268, 16], strides = [1, 1]} : vector<268x48xf32> to vector<268x16xf32>
    %neg3A_234 = arith.constant 0.000000e+00 : f32
    %neg3A_235 = vector.broadcast %neg3A_234 : f32 to vector<268x1xf32>
    %neg3A_236 = arith.subf %neg3A_235, %select_n3A_111 : vector<268x1xf32>
    %mul3A_237 = vector.broadcast %select_n3A_111 : vector<268x1xf32> to vector<268x16xf32>
    %mul3A_238 = arith.mulf %mul3A_237, %slice3A_233 : vector<268x16xf32>
    %dot_general3A_239 = arith.constant dense<0.000000e+00> : vector<268x16xf32>
    %dot_general3A_240 = tpu.matmul %get3A_13, %mul3A_238, %dot_general3A_239 {dimension_numbers = #tpu.dot_dimension_numbers<[0], [0], [1], [1], [0, 1, 1, 1], [], []>, transpose_lhs_hint = false} : vector<268x268xf32>, vector<268x16xf32>, vector<268x16xf32> -> vector<268x16xf32>
    %mul3A_241 = vector.broadcast %neg3A_236 : vector<268x1xf32> to vector<268x16xf32>
    %mul3A_242 = arith.mulf %mul3A_241, %dot_general3A_240 : vector<268x16xf32>
    %slice3A_243 = vector.extract_strided_slice %dot_general3A_195 {offsets = [0, 32], sizes = [268, 16], strides = [1, 1]} : vector<268x48xf32> to vector<268x16xf32>
    %neg3A_244 = arith.constant 0.000000e+00 : f32
    %neg3A_245 = vector.broadcast %neg3A_244 : f32 to vector<268x1xf32>
    %neg3A_246 = arith.subf %neg3A_245, %select_n3A_124 : vector<268x1xf32>
    %mul3A_247 = vector.broadcast %select_n3A_124 : vector<268x1xf32> to vector<268x16xf32>
    %mul3A_248 = arith.mulf %mul3A_247, %slice3A_243 : vector<268x16xf32>
    %dot_general3A_249 = arith.constant dense<0.000000e+00> : vector<268x16xf32>
    %dot_general3A_250 = tpu.matmul %get3A_18, %mul3A_248, %dot_general3A_249 {dimension_numbers = #tpu.dot_dimension_numbers<[0], [0], [1], [1], [0, 1, 1, 1], [], []>, transpose_lhs_hint = false} : vector<268x268xf32>, vector<268x16xf32>, vector<268x16xf32> -> vector<268x16xf32>
    %mul3A_251 = vector.broadcast %neg3A_246 : vector<268x1xf32> to vector<268x16xf32>
    %mul3A_252 = arith.mulf %mul3A_251, %dot_general3A_250 : vector<268x16xf32>
    %slice3A_253 = vector.extract_strided_slice %dot_general3A_200 {offsets = [0, 32], sizes = [268, 16], strides = [1, 1]} : vector<268x48xf32> to vector<268x16xf32>
    %neg3A_254 = arith.constant 0.000000e+00 : f32
    %neg3A_255 = vector.broadcast %neg3A_254 : f32 to vector<268x1xf32>
    %neg3A_256 = arith.subf %neg3A_255, %select_n3A_137 : vector<268x1xf32>
    %mul3A_257 = vector.broadcast %select_n3A_137 : vector<268x1xf32> to vector<268x16xf32>
    %mul3A_258 = arith.mulf %mul3A_257, %slice3A_253 : vector<268x16xf32>
    %dot_general3A_259 = arith.constant dense<0.000000e+00> : vector<268x16xf32>
    %dot_general3A_260 = tpu.matmul %get3A_23, %mul3A_258, %dot_general3A_259 {dimension_numbers = #tpu.dot_dimension_numbers<[0], [0], [1], [1], [0, 1, 1, 1], [], []>, transpose_lhs_hint = false} : vector<268x268xf32>, vector<268x16xf32>, vector<268x16xf32> -> vector<268x16xf32>
    %mul3A_261 = vector.broadcast %neg3A_256 : vector<268x1xf32> to vector<268x16xf32>
    %mul3A_262 = arith.mulf %mul3A_261, %dot_general3A_260 : vector<268x16xf32>
    %slice3A_263 = vector.extract_strided_slice %dot_general3A_205 {offsets = [0, 32], sizes = [268, 16], strides = [1, 1]} : vector<268x48xf32> to vector<268x16xf32>
    %neg3A_264 = arith.constant 0.000000e+00 : f32
    %neg3A_265 = vector.broadcast %neg3A_264 : f32 to vector<268x1xf32>
    %neg3A_266 = arith.subf %neg3A_265, %select_n3A_150 : vector<268x1xf32>
    %mul3A_267 = vector.broadcast %select_n3A_150 : vector<268x1xf32> to vector<268x16xf32>
    %mul3A_268 = arith.mulf %mul3A_267, %slice3A_263 : vector<268x16xf32>
    %dot_general3A_269 = arith.constant dense<0.000000e+00> : vector<268x16xf32>
    %dot_general3A_270 = tpu.matmul %get3A_28, %mul3A_268, %dot_general3A_269 {dimension_numbers = #tpu.dot_dimension_numbers<[0], [0], [1], [1], [0, 1, 1, 1], [], []>, transpose_lhs_hint = false} : vector<268x268xf32>, vector<268x16xf32>, vector<268x16xf32> -> vector<268x16xf32>
    %mul3A_271 = vector.broadcast %neg3A_266 : vector<268x1xf32> to vector<268x16xf32>
    %mul3A_272 = arith.mulf %mul3A_271, %dot_general3A_270 : vector<268x16xf32>
    %slice3A_273 = vector.extract_strided_slice %dot_general3A_210 {offsets = [0, 32], sizes = [268, 16], strides = [1, 1]} : vector<268x48xf32> to vector<268x16xf32>
    %neg3A_274 = arith.constant 0.000000e+00 : f32
    %neg3A_275 = vector.broadcast %neg3A_274 : f32 to vector<268x1xf32>
    %neg3A_276 = arith.subf %neg3A_275, %select_n3A_163 : vector<268x1xf32>
    %mul3A_277 = vector.broadcast %select_n3A_163 : vector<268x1xf32> to vector<268x16xf32>
    %mul3A_278 = arith.mulf %mul3A_277, %slice3A_273 : vector<268x16xf32>
    %dot_general3A_279 = arith.constant dense<0.000000e+00> : vector<268x16xf32>
    %dot_general3A_280 = tpu.matmul %get3A_33, %mul3A_278, %dot_general3A_279 {dimension_numbers = #tpu.dot_dimension_numbers<[0], [0], [1], [1], [0, 1, 1, 1], [], []>, transpose_lhs_hint = false} : vector<268x268xf32>, vector<268x16xf32>, vector<268x16xf32> -> vector<268x16xf32>
    %mul3A_281 = vector.broadcast %neg3A_276 : vector<268x1xf32> to vector<268x16xf32>
    %mul3A_282 = arith.mulf %mul3A_281, %dot_general3A_280 : vector<268x16xf32>
    %slice3A_283 = vector.extract_strided_slice %dot_general3A_215 {offsets = [0, 32], sizes = [268, 16], strides = [1, 1]} : vector<268x48xf32> to vector<268x16xf32>
    %neg3A_284 = arith.constant 0.000000e+00 : f32
    %neg3A_285 = vector.broadcast %neg3A_284 : f32 to vector<268x1xf32>
    %neg3A_286 = arith.subf %neg3A_285, %select_n3A_176 : vector<268x1xf32>
    %mul3A_287 = vector.broadcast %select_n3A_176 : vector<268x1xf32> to vector<268x16xf32>
    %mul3A_288 = arith.mulf %mul3A_287, %slice3A_283 : vector<268x16xf32>
    %dot_general3A_289 = arith.constant dense<0.000000e+00> : vector<268x16xf32>
    %dot_general3A_290 = tpu.matmul %get3A_38, %mul3A_288, %dot_general3A_289 {dimension_numbers = #tpu.dot_dimension_numbers<[0], [0], [1], [1], [0, 1, 1, 1], [], []>, transpose_lhs_hint = false} : vector<268x268xf32>, vector<268x16xf32>, vector<268x16xf32> -> vector<268x16xf32>
    %mul3A_291 = vector.broadcast %neg3A_286 : vector<268x1xf32> to vector<268x16xf32>
    %mul3A_292 = arith.mulf %mul3A_291, %dot_general3A_290 : vector<268x16xf32>
    %slice3A_293 = vector.extract_strided_slice %dot_general3A_180 {offsets = [0, 16], sizes = [268, 16], strides = [1, 1]} : vector<268x48xf32> to vector<268x16xf32>
    %mul3A_294 = arith.constant 2.000000e+00 : f32
    %mul3A_295 = vector.broadcast %mul3A_294 : f32 to vector<268x16xf32>
    %mul3A_296 = arith.mulf %mul3A_295, %mul3A_222 : vector<268x16xf32>
    %add3A = arith.addf %slice3A_293, %mul3A_296 : vector<268x16xf32>
    %neg3A_297 = arith.constant 0.000000e+00 : f32
    %neg3A_298 = vector.broadcast %neg3A_297 : f32 to vector<268x1xf32>
    %neg3A_299 = arith.subf %neg3A_298, %select_n3A_85 : vector<268x1xf32>
    %mul3A_300 = vector.broadcast %select_n3A_85 : vector<268x1xf32> to vector<268x16xf32>
    %mul3A_301 = arith.mulf %mul3A_300, %add3A : vector<268x16xf32>
    %dot_general3A_302 = arith.constant dense<0.000000e+00> : vector<268x16xf32>
    %dot_general3A_303 = tpu.matmul %get3A_3, %mul3A_301, %dot_general3A_302 {dimension_numbers = #tpu.dot_dimension_numbers<[0], [0], [1], [1], [0, 1, 1, 1], [], []>, transpose_lhs_hint = false} : vector<268x268xf32>, vector<268x16xf32>, vector<268x16xf32> -> vector<268x16xf32>
    %mul3A_304 = vector.broadcast %neg3A_299 : vector<268x1xf32> to vector<268x16xf32>
    %mul3A_305 = arith.mulf %mul3A_304, %dot_general3A_303 : vector<268x16xf32>
    %slice3A_306 = vector.extract_strided_slice %dot_general3A_185 {offsets = [0, 16], sizes = [268, 16], strides = [1, 1]} : vector<268x48xf32> to vector<268x16xf32>
    %mul3A_307 = arith.constant 2.000000e+00 : f32
    %mul3A_308 = vector.broadcast %mul3A_307 : f32 to vector<268x16xf32>
    %mul3A_309 = arith.mulf %mul3A_308, %mul3A_232 : vector<268x16xf32>
    %add3A_310 = arith.addf %slice3A_306, %mul3A_309 : vector<268x16xf32>
    %neg3A_311 = arith.constant 0.000000e+00 : f32
    %neg3A_312 = vector.broadcast %neg3A_311 : f32 to vector<268x1xf32>
    %neg3A_313 = arith.subf %neg3A_312, %select_n3A_98 : vector<268x1xf32>
    %mul3A_314 = vector.broadcast %select_n3A_98 : vector<268x1xf32> to vector<268x16xf32>
    %mul3A_315 = arith.mulf %mul3A_314, %add3A_310 : vector<268x16xf32>
    %dot_general3A_316 = arith.constant dense<0.000000e+00> : vector<268x16xf32>
    %dot_general3A_317 = tpu.matmul %get3A_8, %mul3A_315, %dot_general3A_316 {dimension_numbers = #tpu.dot_dimension_numbers<[0], [0], [1], [1], [0, 1, 1, 1], [], []>, transpose_lhs_hint = false} : vector<268x268xf32>, vector<268x16xf32>, vector<268x16xf32> -> vector<268x16xf32>
    %mul3A_318 = vector.broadcast %neg3A_313 : vector<268x1xf32> to vector<268x16xf32>
    %mul3A_319 = arith.mulf %mul3A_318, %dot_general3A_317 : vector<268x16xf32>
    %slice3A_320 = vector.extract_strided_slice %dot_general3A_190 {offsets = [0, 16], sizes = [268, 16], strides = [1, 1]} : vector<268x48xf32> to vector<268x16xf32>
    %mul3A_321 = arith.constant 2.000000e+00 : f32
    %mul3A_322 = vector.broadcast %mul3A_321 : f32 to vector<268x16xf32>
    %mul3A_323 = arith.mulf %mul3A_322, %mul3A_242 : vector<268x16xf32>
    %add3A_324 = arith.addf %slice3A_320, %mul3A_323 : vector<268x16xf32>
    %neg3A_325 = arith.constant 0.000000e+00 : f32
    %neg3A_326 = vector.broadcast %neg3A_325 : f32 to vector<268x1xf32>
    %neg3A_327 = arith.subf %neg3A_326, %select_n3A_111 : vector<268x1xf32>
    %mul3A_328 = vector.broadcast %select_n3A_111 : vector<268x1xf32> to vector<268x16xf32>
    %mul3A_329 = arith.mulf %mul3A_328, %add3A_324 : vector<268x16xf32>
    %dot_general3A_330 = arith.constant dense<0.000000e+00> : vector<268x16xf32>
    %dot_general3A_331 = tpu.matmul %get3A_13, %mul3A_329, %dot_general3A_330 {dimension_numbers = #tpu.dot_dimension_numbers<[0], [0], [1], [1], [0, 1, 1, 1], [], []>, transpose_lhs_hint = false} : vector<268x268xf32>, vector<268x16xf32>, vector<268x16xf32> -> vector<268x16xf32>
    %mul3A_332 = vector.broadcast %neg3A_327 : vector<268x1xf32> to vector<268x16xf32>
    %mul3A_333 = arith.mulf %mul3A_332, %dot_general3A_331 : vector<268x16xf32>
    %slice3A_334 = vector.extract_strided_slice %dot_general3A_195 {offsets = [0, 16], sizes = [268, 16], strides = [1, 1]} : vector<268x48xf32> to vector<268x16xf32>
    %mul3A_335 = arith.constant 2.000000e+00 : f32
    %mul3A_336 = vector.broadcast %mul3A_335 : f32 to vector<268x16xf32>
    %mul3A_337 = arith.mulf %mul3A_336, %mul3A_252 : vector<268x16xf32>
    %add3A_338 = arith.addf %slice3A_334, %mul3A_337 : vector<268x16xf32>
    %neg3A_339 = arith.constant 0.000000e+00 : f32
    %neg3A_340 = vector.broadcast %neg3A_339 : f32 to vector<268x1xf32>
    %neg3A_341 = arith.subf %neg3A_340, %select_n3A_124 : vector<268x1xf32>
    %mul3A_342 = vector.broadcast %select_n3A_124 : vector<268x1xf32> to vector<268x16xf32>
    %mul3A_343 = arith.mulf %mul3A_342, %add3A_338 : vector<268x16xf32>
    %dot_general3A_344 = arith.constant dense<0.000000e+00> : vector<268x16xf32>
    %dot_general3A_345 = tpu.matmul %get3A_18, %mul3A_343, %dot_general3A_344 {dimension_numbers = #tpu.dot_dimension_numbers<[0], [0], [1], [1], [0, 1, 1, 1], [], []>, transpose_lhs_hint = false} : vector<268x268xf32>, vector<268x16xf32>, vector<268x16xf32> -> vector<268x16xf32>
    %mul3A_346 = vector.broadcast %neg3A_341 : vector<268x1xf32> to vector<268x16xf32>
    %mul3A_347 = arith.mulf %mul3A_346, %dot_general3A_345 : vector<268x16xf32>
    %slice3A_348 = vector.extract_strided_slice %dot_general3A_200 {offsets = [0, 16], sizes = [268, 16], strides = [1, 1]} : vector<268x48xf32> to vector<268x16xf32>
    %mul3A_349 = arith.constant 2.000000e+00 : f32
    %mul3A_350 = vector.broadcast %mul3A_349 : f32 to vector<268x16xf32>
    %mul3A_351 = arith.mulf %mul3A_350, %mul3A_262 : vector<268x16xf32>
    %add3A_352 = arith.addf %slice3A_348, %mul3A_351 : vector<268x16xf32>
    %neg3A_353 = arith.constant 0.000000e+00 : f32
    %neg3A_354 = vector.broadcast %neg3A_353 : f32 to vector<268x1xf32>
    %neg3A_355 = arith.subf %neg3A_354, %select_n3A_137 : vector<268x1xf32>
    %mul3A_356 = vector.broadcast %select_n3A_137 : vector<268x1xf32> to vector<268x16xf32>
    %mul3A_357 = arith.mulf %mul3A_356, %add3A_352 : vector<268x16xf32>
    %dot_general3A_358 = arith.constant dense<0.000000e+00> : vector<268x16xf32>
    %dot_general3A_359 = tpu.matmul %get3A_23, %mul3A_357, %dot_general3A_358 {dimension_numbers = #tpu.dot_dimension_numbers<[0], [0], [1], [1], [0, 1, 1, 1], [], []>, transpose_lhs_hint = false} : vector<268x268xf32>, vector<268x16xf32>, vector<268x16xf32> -> vector<268x16xf32>
    %mul3A_360 = vector.broadcast %neg3A_355 : vector<268x1xf32> to vector<268x16xf32>
    %mul3A_361 = arith.mulf %mul3A_360, %dot_general3A_359 : vector<268x16xf32>
    %slice3A_362 = vector.extract_strided_slice %dot_general3A_205 {offsets = [0, 16], sizes = [268, 16], strides = [1, 1]} : vector<268x48xf32> to vector<268x16xf32>
    %mul3A_363 = arith.constant 2.000000e+00 : f32
    %mul3A_364 = vector.broadcast %mul3A_363 : f32 to vector<268x16xf32>
    %mul3A_365 = arith.mulf %mul3A_364, %mul3A_272 : vector<268x16xf32>
    %add3A_366 = arith.addf %slice3A_362, %mul3A_365 : vector<268x16xf32>
    %neg3A_367 = arith.constant 0.000000e+00 : f32
    %neg3A_368 = vector.broadcast %neg3A_367 : f32 to vector<268x1xf32>
    %neg3A_369 = arith.subf %neg3A_368, %select_n3A_150 : vector<268x1xf32>
    %mul3A_370 = vector.broadcast %select_n3A_150 : vector<268x1xf32> to vector<268x16xf32>
    %mul3A_371 = arith.mulf %mul3A_370, %add3A_366 : vector<268x16xf32>
    %dot_general3A_372 = arith.constant dense<0.000000e+00> : vector<268x16xf32>
    %dot_general3A_373 = tpu.matmul %get3A_28, %mul3A_371, %dot_general3A_372 {dimension_numbers = #tpu.dot_dimension_numbers<[0], [0], [1], [1], [0, 1, 1, 1], [], []>, transpose_lhs_hint = false} : vector<268x268xf32>, vector<268x16xf32>, vector<268x16xf32> -> vector<268x16xf32>
    %mul3A_374 = vector.broadcast %neg3A_369 : vector<268x1xf32> to vector<268x16xf32>
    %mul3A_375 = arith.mulf %mul3A_374, %dot_general3A_373 : vector<268x16xf32>
    %slice3A_376 = vector.extract_strided_slice %dot_general3A_210 {offsets = [0, 16], sizes = [268, 16], strides = [1, 1]} : vector<268x48xf32> to vector<268x16xf32>
    %mul3A_377 = arith.constant 2.000000e+00 : f32
    %mul3A_378 = vector.broadcast %mul3A_377 : f32 to vector<268x16xf32>
    %mul3A_379 = arith.mulf %mul3A_378, %mul3A_282 : vector<268x16xf32>
    %add3A_380 = arith.addf %slice3A_376, %mul3A_379 : vector<268x16xf32>
    %neg3A_381 = arith.constant 0.000000e+00 : f32
    %neg3A_382 = vector.broadcast %neg3A_381 : f32 to vector<268x1xf32>
    %neg3A_383 = arith.subf %neg3A_382, %select_n3A_163 : vector<268x1xf32>
    %mul3A_384 = vector.broadcast %select_n3A_163 : vector<268x1xf32> to vector<268x16xf32>
    %mul3A_385 = arith.mulf %mul3A_384, %add3A_380 : vector<268x16xf32>
    %dot_general3A_386 = arith.constant dense<0.000000e+00> : vector<268x16xf32>
    %dot_general3A_387 = tpu.matmul %get3A_33, %mul3A_385, %dot_general3A_386 {dimension_numbers = #tpu.dot_dimension_numbers<[0], [0], [1], [1], [0, 1, 1, 1], [], []>, transpose_lhs_hint = false} : vector<268x268xf32>, vector<268x16xf32>, vector<268x16xf32> -> vector<268x16xf32>
    %mul3A_388 = vector.broadcast %neg3A_383 : vector<268x1xf32> to vector<268x16xf32>
    %mul3A_389 = arith.mulf %mul3A_388, %dot_general3A_387 : vector<268x16xf32>
    %slice3A_390 = vector.extract_strided_slice %dot_general3A_215 {offsets = [0, 16], sizes = [268, 16], strides = [1, 1]} : vector<268x48xf32> to vector<268x16xf32>
    %mul3A_391 = arith.constant 2.000000e+00 : f32
    %mul3A_392 = vector.broadcast %mul3A_391 : f32 to vector<268x16xf32>
    %mul3A_393 = arith.mulf %mul3A_392, %mul3A_292 : vector<268x16xf32>
    %add3A_394 = arith.addf %slice3A_390, %mul3A_393 : vector<268x16xf32>
    %neg3A_395 = arith.constant 0.000000e+00 : f32
    %neg3A_396 = vector.broadcast %neg3A_395 : f32 to vector<268x1xf32>
    %neg3A_397 = arith.subf %neg3A_396, %select_n3A_176 : vector<268x1xf32>
    %mul3A_398 = vector.broadcast %select_n3A_176 : vector<268x1xf32> to vector<268x16xf32>
    %mul3A_399 = arith.mulf %mul3A_398, %add3A_394 : vector<268x16xf32>
    %dot_general3A_400 = arith.constant dense<0.000000e+00> : vector<268x16xf32>
    %dot_general3A_401 = tpu.matmul %get3A_38, %mul3A_399, %dot_general3A_400 {dimension_numbers = #tpu.dot_dimension_numbers<[0], [0], [1], [1], [0, 1, 1, 1], [], []>, transpose_lhs_hint = false} : vector<268x268xf32>, vector<268x16xf32>, vector<268x16xf32> -> vector<268x16xf32>
    %mul3A_402 = vector.broadcast %neg3A_397 : vector<268x1xf32> to vector<268x16xf32>
    %mul3A_403 = arith.mulf %mul3A_402, %dot_general3A_401 : vector<268x16xf32>
    %slice3A_404 = vector.extract_strided_slice %dot_general3A_180 {offsets = [0, 0], sizes = [268, 16], strides = [1, 1]} : vector<268x48xf32> to vector<268x16xf32>
    %slice3A_405 = vector.extract_strided_slice %dot_general3A_180 {offsets = [0, 32], sizes = [268, 16], strides = [1, 1]} : vector<268x48xf32> to vector<268x16xf32>
    %sub3A = arith.subf %slice3A_404, %slice3A_405 : vector<268x16xf32>
    %add3A_406 = arith.addf %sub3A, %mul3A_305 : vector<268x16xf32>
    %get3A_407 = arith.constant 0 : index
    %get3A_408 = arith.constant 0 : index
    %get3A_409 = vector.load %arg4[%get3A_407, %get3A_408] : memref<1x16xf32, #tpu.memory_space<vmem>>, vector<1x16xf32>
    %add3A_410 = vector.broadcast %get3A_409 : vector<1x16xf32> to vector<268x16xf32>
    %add3A_411 = arith.addf %add3A_406, %add3A_410 : vector<268x16xf32>
    %max3A = arith.constant 0.000000e+00 : f32
    %max3A_412 = vector.broadcast %max3A : f32 to vector<268x16xf32>
    %max3A_413 = arith.maximumf %add3A_411, %max3A_412 : vector<268x16xf32>
    %slice3A_414 = vector.extract_strided_slice %dot_general3A_185 {offsets = [0, 0], sizes = [268, 16], strides = [1, 1]} : vector<268x48xf32> to vector<268x16xf32>
    %slice3A_415 = vector.extract_strided_slice %dot_general3A_185 {offsets = [0, 32], sizes = [268, 16], strides = [1, 1]} : vector<268x48xf32> to vector<268x16xf32>
    %sub3A_416 = arith.subf %slice3A_414, %slice3A_415 : vector<268x16xf32>
    %add3A_417 = arith.addf %sub3A_416, %mul3A_319 : vector<268x16xf32>
    %get3A_418 = arith.constant 0 : index
    %get3A_419 = arith.constant 0 : index
    %get3A_420 = vector.load %arg4[%get3A_418, %get3A_419] : memref<1x16xf32, #tpu.memory_space<vmem>>, vector<1x16xf32>
    %add3A_421 = vector.broadcast %get3A_420 : vector<1x16xf32> to vector<268x16xf32>
    %add3A_422 = arith.addf %add3A_417, %add3A_421 : vector<268x16xf32>
    %max3A_423 = arith.constant 0.000000e+00 : f32
    %max3A_424 = vector.broadcast %max3A_423 : f32 to vector<268x16xf32>
    %max3A_425 = arith.maximumf %add3A_422, %max3A_424 : vector<268x16xf32>
    %slice3A_426 = vector.extract_strided_slice %dot_general3A_190 {offsets = [0, 0], sizes = [268, 16], strides = [1, 1]} : vector<268x48xf32> to vector<268x16xf32>
    %slice3A_427 = vector.extract_strided_slice %dot_general3A_190 {offsets = [0, 32], sizes = [268, 16], strides = [1, 1]} : vector<268x48xf32> to vector<268x16xf32>
    %sub3A_428 = arith.subf %slice3A_426, %slice3A_427 : vector<268x16xf32>
    %add3A_429 = arith.addf %sub3A_428, %mul3A_333 : vector<268x16xf32>
    %get3A_430 = arith.constant 0 : index
    %get3A_431 = arith.constant 0 : index
    %get3A_432 = vector.load %arg4[%get3A_430, %get3A_431] : memref<1x16xf32, #tpu.memory_space<vmem>>, vector<1x16xf32>
    %add3A_433 = vector.broadcast %get3A_432 : vector<1x16xf32> to vector<268x16xf32>
    %add3A_434 = arith.addf %add3A_429, %add3A_433 : vector<268x16xf32>
    %max3A_435 = arith.constant 0.000000e+00 : f32
    %max3A_436 = vector.broadcast %max3A_435 : f32 to vector<268x16xf32>
    %max3A_437 = arith.maximumf %add3A_434, %max3A_436 : vector<268x16xf32>
    %slice3A_438 = vector.extract_strided_slice %dot_general3A_195 {offsets = [0, 0], sizes = [268, 16], strides = [1, 1]} : vector<268x48xf32> to vector<268x16xf32>
    %slice3A_439 = vector.extract_strided_slice %dot_general3A_195 {offsets = [0, 32], sizes = [268, 16], strides = [1, 1]} : vector<268x48xf32> to vector<268x16xf32>
    %sub3A_440 = arith.subf %slice3A_438, %slice3A_439 : vector<268x16xf32>
    %add3A_441 = arith.addf %sub3A_440, %mul3A_347 : vector<268x16xf32>
    %get3A_442 = arith.constant 0 : index
    %get3A_443 = arith.constant 0 : index
    %get3A_444 = vector.load %arg4[%get3A_442, %get3A_443] : memref<1x16xf32, #tpu.memory_space<vmem>>, vector<1x16xf32>
    %add3A_445 = vector.broadcast %get3A_444 : vector<1x16xf32> to vector<268x16xf32>
    %add3A_446 = arith.addf %add3A_441, %add3A_445 : vector<268x16xf32>
    %max3A_447 = arith.constant 0.000000e+00 : f32
    %max3A_448 = vector.broadcast %max3A_447 : f32 to vector<268x16xf32>
    %max3A_449 = arith.maximumf %add3A_446, %max3A_448 : vector<268x16xf32>
    %slice3A_450 = vector.extract_strided_slice %dot_general3A_200 {offsets = [0, 0], sizes = [268, 16], strides = [1, 1]} : vector<268x48xf32> to vector<268x16xf32>
    %slice3A_451 = vector.extract_strided_slice %dot_general3A_200 {offsets = [0, 32], sizes = [268, 16], strides = [1, 1]} : vector<268x48xf32> to vector<268x16xf32>
    %sub3A_452 = arith.subf %slice3A_450, %slice3A_451 : vector<268x16xf32>
    %add3A_453 = arith.addf %sub3A_452, %mul3A_361 : vector<268x16xf32>
    %get3A_454 = arith.constant 0 : index
    %get3A_455 = arith.constant 0 : index
    %get3A_456 = vector.load %arg4[%get3A_454, %get3A_455] : memref<1x16xf32, #tpu.memory_space<vmem>>, vector<1x16xf32>
    %add3A_457 = vector.broadcast %get3A_456 : vector<1x16xf32> to vector<268x16xf32>
    %add3A_458 = arith.addf %add3A_453, %add3A_457 : vector<268x16xf32>
    %max3A_459 = arith.constant 0.000000e+00 : f32
    %max3A_460 = vector.broadcast %max3A_459 : f32 to vector<268x16xf32>
    %max3A_461 = arith.maximumf %add3A_458, %max3A_460 : vector<268x16xf32>
    %slice3A_462 = vector.extract_strided_slice %dot_general3A_205 {offsets = [0, 0], sizes = [268, 16], strides = [1, 1]} : vector<268x48xf32> to vector<268x16xf32>
    %slice3A_463 = vector.extract_strided_slice %dot_general3A_205 {offsets = [0, 32], sizes = [268, 16], strides = [1, 1]} : vector<268x48xf32> to vector<268x16xf32>
    %sub3A_464 = arith.subf %slice3A_462, %slice3A_463 : vector<268x16xf32>
    %add3A_465 = arith.addf %sub3A_464, %mul3A_375 : vector<268x16xf32>
    %get3A_466 = arith.constant 0 : index
    %get3A_467 = arith.constant 0 : index
    %get3A_468 = vector.load %arg4[%get3A_466, %get3A_467] : memref<1x16xf32, #tpu.memory_space<vmem>>, vector<1x16xf32>
    %add3A_469 = vector.broadcast %get3A_468 : vector<1x16xf32> to vector<268x16xf32>
    %add3A_470 = arith.addf %add3A_465, %add3A_469 : vector<268x16xf32>
    %max3A_471 = arith.constant 0.000000e+00 : f32
    %max3A_472 = vector.broadcast %max3A_471 : f32 to vector<268x16xf32>
    %max3A_473 = arith.maximumf %add3A_470, %max3A_472 : vector<268x16xf32>
    %slice3A_474 = vector.extract_strided_slice %dot_general3A_210 {offsets = [0, 0], sizes = [268, 16], strides = [1, 1]} : vector<268x48xf32> to vector<268x16xf32>
    %slice3A_475 = vector.extract_strided_slice %dot_general3A_210 {offsets = [0, 32], sizes = [268, 16], strides = [1, 1]} : vector<268x48xf32> to vector<268x16xf32>
    %sub3A_476 = arith.subf %slice3A_474, %slice3A_475 : vector<268x16xf32>
    %add3A_477 = arith.addf %sub3A_476, %mul3A_389 : vector<268x16xf32>
    %get3A_478 = arith.constant 0 : index
    %get3A_479 = arith.constant 0 : index
    %get3A_480 = vector.load %arg4[%get3A_478, %get3A_479] : memref<1x16xf32, #tpu.memory_space<vmem>>, vector<1x16xf32>
    %add3A_481 = vector.broadcast %get3A_480 : vector<1x16xf32> to vector<268x16xf32>
    %add3A_482 = arith.addf %add3A_477, %add3A_481 : vector<268x16xf32>
    %max3A_483 = arith.constant 0.000000e+00 : f32
    %max3A_484 = vector.broadcast %max3A_483 : f32 to vector<268x16xf32>
    %max3A_485 = arith.maximumf %add3A_482, %max3A_484 : vector<268x16xf32>
    %slice3A_486 = vector.extract_strided_slice %dot_general3A_215 {offsets = [0, 0], sizes = [268, 16], strides = [1, 1]} : vector<268x48xf32> to vector<268x16xf32>
    %slice3A_487 = vector.extract_strided_slice %dot_general3A_215 {offsets = [0, 32], sizes = [268, 16], strides = [1, 1]} : vector<268x48xf32> to vector<268x16xf32>
    %sub3A_488 = arith.subf %slice3A_486, %slice3A_487 : vector<268x16xf32>
    %add3A_489 = arith.addf %sub3A_488, %mul3A_403 : vector<268x16xf32>
    %get3A_490 = arith.constant 0 : index
    %get3A_491 = arith.constant 0 : index
    %get3A_492 = vector.load %arg4[%get3A_490, %get3A_491] : memref<1x16xf32, #tpu.memory_space<vmem>>, vector<1x16xf32>
    %add3A_493 = vector.broadcast %get3A_492 : vector<1x16xf32> to vector<268x16xf32>
    %add3A_494 = arith.addf %add3A_489, %add3A_493 : vector<268x16xf32>
    %max3A_495 = arith.constant 0.000000e+00 : f32
    %max3A_496 = vector.broadcast %max3A_495 : f32 to vector<268x16xf32>
    %max3A_497 = arith.maximumf %add3A_494, %max3A_496 : vector<268x16xf32>
    %get3A_498 = arith.constant 0 : index
    %get3A_499 = arith.constant 0 : index
    %get3A_500 = vector.load %arg5[%get3A_498, %get3A_499] : memref<16x6xf32, #tpu.memory_space<vmem>>, vector<16x6xf32>
    %dot_general3A_501 = arith.constant dense<0.000000e+00> : vector<268x6xf32>
    %dot_general3A_502 = tpu.matmul %max3A_413, %get3A_500, %dot_general3A_501 {dimension_numbers = #tpu.dot_dimension_numbers<[1], [0], [0], [1], [0, 0, 1, 1], [], []>, transpose_lhs_hint = false} : vector<268x16xf32>, vector<16x6xf32>, vector<268x6xf32> -> vector<268x6xf32>
    %get3A_503 = arith.constant 0 : index
    %get3A_504 = arith.constant 0 : index
    %get3A_505 = vector.load %arg5[%get3A_503, %get3A_504] : memref<16x6xf32, #tpu.memory_space<vmem>>, vector<16x6xf32>
    %dot_general3A_506 = arith.constant dense<0.000000e+00> : vector<268x6xf32>
    %dot_general3A_507 = tpu.matmul %max3A_425, %get3A_505, %dot_general3A_506 {dimension_numbers = #tpu.dot_dimension_numbers<[1], [0], [0], [1], [0, 0, 1, 1], [], []>, transpose_lhs_hint = false} : vector<268x16xf32>, vector<16x6xf32>, vector<268x6xf32> -> vector<268x6xf32>
    %get3A_508 = arith.constant 0 : index
    %get3A_509 = arith.constant 0 : index
    %get3A_510 = vector.load %arg5[%get3A_508, %get3A_509] : memref<16x6xf32, #tpu.memory_space<vmem>>, vector<16x6xf32>
    %dot_general3A_511 = arith.constant dense<0.000000e+00> : vector<268x6xf32>
    %dot_general3A_512 = tpu.matmul %max3A_437, %get3A_510, %dot_general3A_511 {dimension_numbers = #tpu.dot_dimension_numbers<[1], [0], [0], [1], [0, 0, 1, 1], [], []>, transpose_lhs_hint = false} : vector<268x16xf32>, vector<16x6xf32>, vector<268x6xf32> -> vector<268x6xf32>
    %get3A_513 = arith.constant 0 : index
    %get3A_514 = arith.constant 0 : index
    %get3A_515 = vector.load %arg5[%get3A_513, %get3A_514] : memref<16x6xf32, #tpu.memory_space<vmem>>, vector<16x6xf32>
    %dot_general3A_516 = arith.constant dense<0.000000e+00> : vector<268x6xf32>
    %dot_general3A_517 = tpu.matmul %max3A_449, %get3A_515, %dot_general3A_516 {dimension_numbers = #tpu.dot_dimension_numbers<[1], [0], [0], [1], [0, 0, 1, 1], [], []>, transpose_lhs_hint = false} : vector<268x16xf32>, vector<16x6xf32>, vector<268x6xf32> -> vector<268x6xf32>
    %get3A_518 = arith.constant 0 : index
    %get3A_519 = arith.constant 0 : index
    %get3A_520 = vector.load %arg5[%get3A_518, %get3A_519] : memref<16x6xf32, #tpu.memory_space<vmem>>, vector<16x6xf32>
    %dot_general3A_521 = arith.constant dense<0.000000e+00> : vector<268x6xf32>
    %dot_general3A_522 = tpu.matmul %max3A_461, %get3A_520, %dot_general3A_521 {dimension_numbers = #tpu.dot_dimension_numbers<[1], [0], [0], [1], [0, 0, 1, 1], [], []>, transpose_lhs_hint = false} : vector<268x16xf32>, vector<16x6xf32>, vector<268x6xf32> -> vector<268x6xf32>
    %get3A_523 = arith.constant 0 : index
    %get3A_524 = arith.constant 0 : index
    %get3A_525 = vector.load %arg5[%get3A_523, %get3A_524] : memref<16x6xf32, #tpu.memory_space<vmem>>, vector<16x6xf32>
    %dot_general3A_526 = arith.constant dense<0.000000e+00> : vector<268x6xf32>
    %dot_general3A_527 = tpu.matmul %max3A_473, %get3A_525, %dot_general3A_526 {dimension_numbers = #tpu.dot_dimension_numbers<[1], [0], [0], [1], [0, 0, 1, 1], [], []>, transpose_lhs_hint = false} : vector<268x16xf32>, vector<16x6xf32>, vector<268x6xf32> -> vector<268x6xf32>
    %get3A_528 = arith.constant 0 : index
    %get3A_529 = arith.constant 0 : index
    %get3A_530 = vector.load %arg5[%get3A_528, %get3A_529] : memref<16x6xf32, #tpu.memory_space<vmem>>, vector<16x6xf32>
    %dot_general3A_531 = arith.constant dense<0.000000e+00> : vector<268x6xf32>
    %dot_general3A_532 = tpu.matmul %max3A_485, %get3A_530, %dot_general3A_531 {dimension_numbers = #tpu.dot_dimension_numbers<[1], [0], [0], [1], [0, 0, 1, 1], [], []>, transpose_lhs_hint = false} : vector<268x16xf32>, vector<16x6xf32>, vector<268x6xf32> -> vector<268x6xf32>
    %get3A_533 = arith.constant 0 : index
    %get3A_534 = arith.constant 0 : index
    %get3A_535 = vector.load %arg5[%get3A_533, %get3A_534] : memref<16x6xf32, #tpu.memory_space<vmem>>, vector<16x6xf32>
    %dot_general3A_536 = arith.constant dense<0.000000e+00> : vector<268x6xf32>
    %dot_general3A_537 = tpu.matmul %max3A_497, %get3A_535, %dot_general3A_536 {dimension_numbers = #tpu.dot_dimension_numbers<[1], [0], [0], [1], [0, 0, 1, 1], [], []>, transpose_lhs_hint = false} : vector<268x16xf32>, vector<16x6xf32>, vector<268x6xf32> -> vector<268x6xf32>
    %slice3A_538 = vector.extract_strided_slice %dot_general3A_502 {offsets = [0, 4], sizes = [268, 2], strides = [1, 1]} : vector<268x6xf32> to vector<268x2xf32>
    %neg3A_539 = arith.constant 0.000000e+00 : f32
    %neg3A_540 = vector.broadcast %neg3A_539 : f32 to vector<268x1xf32>
    %neg3A_541 = arith.subf %neg3A_540, %select_n3A_85 : vector<268x1xf32>
    %mul3A_542 = vector.broadcast %select_n3A_85 : vector<268x1xf32> to vector<268x2xf32>
    %mul3A_543 = arith.mulf %mul3A_542, %slice3A_538 : vector<268x2xf32>
    %dot_general3A_544 = arith.constant dense<0.000000e+00> : vector<268x2xf32>
    %dot_general3A_545 = tpu.matmul %get3A_3, %mul3A_543, %dot_general3A_544 {dimension_numbers = #tpu.dot_dimension_numbers<[0], [0], [1], [1], [0, 1, 1, 1], [], []>, transpose_lhs_hint = false} : vector<268x268xf32>, vector<268x2xf32>, vector<268x2xf32> -> vector<268x2xf32>
    %mul3A_546 = vector.broadcast %neg3A_541 : vector<268x1xf32> to vector<268x2xf32>
    %mul3A_547 = arith.mulf %mul3A_546, %dot_general3A_545 : vector<268x2xf32>
    %slice3A_548 = vector.extract_strided_slice %dot_general3A_507 {offsets = [0, 4], sizes = [268, 2], strides = [1, 1]} : vector<268x6xf32> to vector<268x2xf32>
    %neg3A_549 = arith.constant 0.000000e+00 : f32
    %neg3A_550 = vector.broadcast %neg3A_549 : f32 to vector<268x1xf32>
    %neg3A_551 = arith.subf %neg3A_550, %select_n3A_98 : vector<268x1xf32>
    %mul3A_552 = vector.broadcast %select_n3A_98 : vector<268x1xf32> to vector<268x2xf32>
    %mul3A_553 = arith.mulf %mul3A_552, %slice3A_548 : vector<268x2xf32>
    %dot_general3A_554 = arith.constant dense<0.000000e+00> : vector<268x2xf32>
    %dot_general3A_555 = tpu.matmul %get3A_8, %mul3A_553, %dot_general3A_554 {dimension_numbers = #tpu.dot_dimension_numbers<[0], [0], [1], [1], [0, 1, 1, 1], [], []>, transpose_lhs_hint = false} : vector<268x268xf32>, vector<268x2xf32>, vector<268x2xf32> -> vector<268x2xf32>
    %mul3A_556 = vector.broadcast %neg3A_551 : vector<268x1xf32> to vector<268x2xf32>
    %mul3A_557 = arith.mulf %mul3A_556, %dot_general3A_555 : vector<268x2xf32>
    %slice3A_558 = vector.extract_strided_slice %dot_general3A_512 {offsets = [0, 4], sizes = [268, 2], strides = [1, 1]} : vector<268x6xf32> to vector<268x2xf32>
    %neg3A_559 = arith.constant 0.000000e+00 : f32
    %neg3A_560 = vector.broadcast %neg3A_559 : f32 to vector<268x1xf32>
    %neg3A_561 = arith.subf %neg3A_560, %select_n3A_111 : vector<268x1xf32>
    %mul3A_562 = vector.broadcast %select_n3A_111 : vector<268x1xf32> to vector<268x2xf32>
    %mul3A_563 = arith.mulf %mul3A_562, %slice3A_558 : vector<268x2xf32>
    %dot_general3A_564 = arith.constant dense<0.000000e+00> : vector<268x2xf32>
    %dot_general3A_565 = tpu.matmul %get3A_13, %mul3A_563, %dot_general3A_564 {dimension_numbers = #tpu.dot_dimension_numbers<[0], [0], [1], [1], [0, 1, 1, 1], [], []>, transpose_lhs_hint = false} : vector<268x268xf32>, vector<268x2xf32>, vector<268x2xf32> -> vector<268x2xf32>
    %mul3A_566 = vector.broadcast %neg3A_561 : vector<268x1xf32> to vector<268x2xf32>
    %mul3A_567 = arith.mulf %mul3A_566, %dot_general3A_565 : vector<268x2xf32>
    %slice3A_568 = vector.extract_strided_slice %dot_general3A_517 {offsets = [0, 4], sizes = [268, 2], strides = [1, 1]} : vector<268x6xf32> to vector<268x2xf32>
    %neg3A_569 = arith.constant 0.000000e+00 : f32
    %neg3A_570 = vector.broadcast %neg3A_569 : f32 to vector<268x1xf32>
    %neg3A_571 = arith.subf %neg3A_570, %select_n3A_124 : vector<268x1xf32>
    %mul3A_572 = vector.broadcast %select_n3A_124 : vector<268x1xf32> to vector<268x2xf32>
    %mul3A_573 = arith.mulf %mul3A_572, %slice3A_568 : vector<268x2xf32>
    %dot_general3A_574 = arith.constant dense<0.000000e+00> : vector<268x2xf32>
    %dot_general3A_575 = tpu.matmul %get3A_18, %mul3A_573, %dot_general3A_574 {dimension_numbers = #tpu.dot_dimension_numbers<[0], [0], [1], [1], [0, 1, 1, 1], [], []>, transpose_lhs_hint = false} : vector<268x268xf32>, vector<268x2xf32>, vector<268x2xf32> -> vector<268x2xf32>
    %mul3A_576 = vector.broadcast %neg3A_571 : vector<268x1xf32> to vector<268x2xf32>
    %mul3A_577 = arith.mulf %mul3A_576, %dot_general3A_575 : vector<268x2xf32>
    %slice3A_578 = vector.extract_strided_slice %dot_general3A_522 {offsets = [0, 4], sizes = [268, 2], strides = [1, 1]} : vector<268x6xf32> to vector<268x2xf32>
    %neg3A_579 = arith.constant 0.000000e+00 : f32
    %neg3A_580 = vector.broadcast %neg3A_579 : f32 to vector<268x1xf32>
    %neg3A_581 = arith.subf %neg3A_580, %select_n3A_137 : vector<268x1xf32>
    %mul3A_582 = vector.broadcast %select_n3A_137 : vector<268x1xf32> to vector<268x2xf32>
    %mul3A_583 = arith.mulf %mul3A_582, %slice3A_578 : vector<268x2xf32>
    %dot_general3A_584 = arith.constant dense<0.000000e+00> : vector<268x2xf32>
    %dot_general3A_585 = tpu.matmul %get3A_23, %mul3A_583, %dot_general3A_584 {dimension_numbers = #tpu.dot_dimension_numbers<[0], [0], [1], [1], [0, 1, 1, 1], [], []>, transpose_lhs_hint = false} : vector<268x268xf32>, vector<268x2xf32>, vector<268x2xf32> -> vector<268x2xf32>
    %mul3A_586 = vector.broadcast %neg3A_581 : vector<268x1xf32> to vector<268x2xf32>
    %mul3A_587 = arith.mulf %mul3A_586, %dot_general3A_585 : vector<268x2xf32>
    %slice3A_588 = vector.extract_strided_slice %dot_general3A_527 {offsets = [0, 4], sizes = [268, 2], strides = [1, 1]} : vector<268x6xf32> to vector<268x2xf32>
    %neg3A_589 = arith.constant 0.000000e+00 : f32
    %neg3A_590 = vector.broadcast %neg3A_589 : f32 to vector<268x1xf32>
    %neg3A_591 = arith.subf %neg3A_590, %select_n3A_150 : vector<268x1xf32>
    %mul3A_592 = vector.broadcast %select_n3A_150 : vector<268x1xf32> to vector<268x2xf32>
    %mul3A_593 = arith.mulf %mul3A_592, %slice3A_588 : vector<268x2xf32>
    %dot_general3A_594 = arith.constant dense<0.000000e+00> : vector<268x2xf32>
    %dot_general3A_595 = tpu.matmul %get3A_28, %mul3A_593, %dot_general3A_594 {dimension_numbers = #tpu.dot_dimension_numbers<[0], [0], [1], [1], [0, 1, 1, 1], [], []>, transpose_lhs_hint = false} : vector<268x268xf32>, vector<268x2xf32>, vector<268x2xf32> -> vector<268x2xf32>
    %mul3A_596 = vector.broadcast %neg3A_591 : vector<268x1xf32> to vector<268x2xf32>
    %mul3A_597 = arith.mulf %mul3A_596, %dot_general3A_595 : vector<268x2xf32>
    %slice3A_598 = vector.extract_strided_slice %dot_general3A_532 {offsets = [0, 4], sizes = [268, 2], strides = [1, 1]} : vector<268x6xf32> to vector<268x2xf32>
    %neg3A_599 = arith.constant 0.000000e+00 : f32
    %neg3A_600 = vector.broadcast %neg3A_599 : f32 to vector<268x1xf32>
    %neg3A_601 = arith.subf %neg3A_600, %select_n3A_163 : vector<268x1xf32>
    %mul3A_602 = vector.broadcast %select_n3A_163 : vector<268x1xf32> to vector<268x2xf32>
    %mul3A_603 = arith.mulf %mul3A_602, %slice3A_598 : vector<268x2xf32>
    %dot_general3A_604 = arith.constant dense<0.000000e+00> : vector<268x2xf32>
    %dot_general3A_605 = tpu.matmul %get3A_33, %mul3A_603, %dot_general3A_604 {dimension_numbers = #tpu.dot_dimension_numbers<[0], [0], [1], [1], [0, 1, 1, 1], [], []>, transpose_lhs_hint = false} : vector<268x268xf32>, vector<268x2xf32>, vector<268x2xf32> -> vector<268x2xf32>
    %mul3A_606 = vector.broadcast %neg3A_601 : vector<268x1xf32> to vector<268x2xf32>
    %mul3A_607 = arith.mulf %mul3A_606, %dot_general3A_605 : vector<268x2xf32>
    %slice3A_608 = vector.extract_strided_slice %dot_general3A_537 {offsets = [0, 4], sizes = [268, 2], strides = [1, 1]} : vector<268x6xf32> to vector<268x2xf32>
    %neg3A_609 = arith.constant 0.000000e+00 : f32
    %neg3A_610 = vector.broadcast %neg3A_609 : f32 to vector<268x1xf32>
    %neg3A_611 = arith.subf %neg3A_610, %select_n3A_176 : vector<268x1xf32>
    %mul3A_612 = vector.broadcast %select_n3A_176 : vector<268x1xf32> to vector<268x2xf32>
    %mul3A_613 = arith.mulf %mul3A_612, %slice3A_608 : vector<268x2xf32>
    %dot_general3A_614 = arith.constant dense<0.000000e+00> : vector<268x2xf32>
    %dot_general3A_615 = tpu.matmul %get3A_38, %mul3A_613, %dot_general3A_614 {dimension_numbers = #tpu.dot_dimension_numbers<[0], [0], [1], [1], [0, 1, 1, 1], [], []>, transpose_lhs_hint = false} : vector<268x268xf32>, vector<268x2xf32>, vector<268x2xf32> -> vector<268x2xf32>
    %mul3A_616 = vector.broadcast %neg3A_611 : vector<268x1xf32> to vector<268x2xf32>
    %mul3A_617 = arith.mulf %mul3A_616, %dot_general3A_615 : vector<268x2xf32>
    %slice3A_618 = vector.extract_strided_slice %dot_general3A_502 {offsets = [0, 2], sizes = [268, 2], strides = [1, 1]} : vector<268x6xf32> to vector<268x2xf32>
    %mul3A_619 = arith.constant 2.000000e+00 : f32
    %mul3A_620 = vector.broadcast %mul3A_619 : f32 to vector<268x2xf32>
    %mul3A_621 = arith.mulf %mul3A_620, %mul3A_547 : vector<268x2xf32>
    %add3A_622 = arith.addf %slice3A_618, %mul3A_621 : vector<268x2xf32>
    %neg3A_623 = arith.constant 0.000000e+00 : f32
    %neg3A_624 = vector.broadcast %neg3A_623 : f32 to vector<268x1xf32>
    %neg3A_625 = arith.subf %neg3A_624, %select_n3A_85 : vector<268x1xf32>
    %mul3A_626 = vector.broadcast %select_n3A_85 : vector<268x1xf32> to vector<268x2xf32>
    %mul3A_627 = arith.mulf %mul3A_626, %add3A_622 : vector<268x2xf32>
    %dot_general3A_628 = arith.constant dense<0.000000e+00> : vector<268x2xf32>
    %dot_general3A_629 = tpu.matmul %get3A_3, %mul3A_627, %dot_general3A_628 {dimension_numbers = #tpu.dot_dimension_numbers<[0], [0], [1], [1], [0, 1, 1, 1], [], []>, transpose_lhs_hint = false} : vector<268x268xf32>, vector<268x2xf32>, vector<268x2xf32> -> vector<268x2xf32>
    %mul3A_630 = vector.broadcast %neg3A_625 : vector<268x1xf32> to vector<268x2xf32>
    %mul3A_631 = arith.mulf %mul3A_630, %dot_general3A_629 : vector<268x2xf32>
    %slice3A_632 = vector.extract_strided_slice %dot_general3A_507 {offsets = [0, 2], sizes = [268, 2], strides = [1, 1]} : vector<268x6xf32> to vector<268x2xf32>
    %mul3A_633 = arith.constant 2.000000e+00 : f32
    %mul3A_634 = vector.broadcast %mul3A_633 : f32 to vector<268x2xf32>
    %mul3A_635 = arith.mulf %mul3A_634, %mul3A_557 : vector<268x2xf32>
    %add3A_636 = arith.addf %slice3A_632, %mul3A_635 : vector<268x2xf32>
    %neg3A_637 = arith.constant 0.000000e+00 : f32
    %neg3A_638 = vector.broadcast %neg3A_637 : f32 to vector<268x1xf32>
    %neg3A_639 = arith.subf %neg3A_638, %select_n3A_98 : vector<268x1xf32>
    %mul3A_640 = vector.broadcast %select_n3A_98 : vector<268x1xf32> to vector<268x2xf32>
    %mul3A_641 = arith.mulf %mul3A_640, %add3A_636 : vector<268x2xf32>
    %dot_general3A_642 = arith.constant dense<0.000000e+00> : vector<268x2xf32>
    %dot_general3A_643 = tpu.matmul %get3A_8, %mul3A_641, %dot_general3A_642 {dimension_numbers = #tpu.dot_dimension_numbers<[0], [0], [1], [1], [0, 1, 1, 1], [], []>, transpose_lhs_hint = false} : vector<268x268xf32>, vector<268x2xf32>, vector<268x2xf32> -> vector<268x2xf32>
    %mul3A_644 = vector.broadcast %neg3A_639 : vector<268x1xf32> to vector<268x2xf32>
    %mul3A_645 = arith.mulf %mul3A_644, %dot_general3A_643 : vector<268x2xf32>
    %slice3A_646 = vector.extract_strided_slice %dot_general3A_512 {offsets = [0, 2], sizes = [268, 2], strides = [1, 1]} : vector<268x6xf32> to vector<268x2xf32>
    %mul3A_647 = arith.constant 2.000000e+00 : f32
    %mul3A_648 = vector.broadcast %mul3A_647 : f32 to vector<268x2xf32>
    %mul3A_649 = arith.mulf %mul3A_648, %mul3A_567 : vector<268x2xf32>
    %add3A_650 = arith.addf %slice3A_646, %mul3A_649 : vector<268x2xf32>
    %neg3A_651 = arith.constant 0.000000e+00 : f32
    %neg3A_652 = vector.broadcast %neg3A_651 : f32 to vector<268x1xf32>
    %neg3A_653 = arith.subf %neg3A_652, %select_n3A_111 : vector<268x1xf32>
    %mul3A_654 = vector.broadcast %select_n3A_111 : vector<268x1xf32> to vector<268x2xf32>
    %mul3A_655 = arith.mulf %mul3A_654, %add3A_650 : vector<268x2xf32>
    %dot_general3A_656 = arith.constant dense<0.000000e+00> : vector<268x2xf32>
    %dot_general3A_657 = tpu.matmul %get3A_13, %mul3A_655, %dot_general3A_656 {dimension_numbers = #tpu.dot_dimension_numbers<[0], [0], [1], [1], [0, 1, 1, 1], [], []>, transpose_lhs_hint = false} : vector<268x268xf32>, vector<268x2xf32>, vector<268x2xf32> -> vector<268x2xf32>
    %mul3A_658 = vector.broadcast %neg3A_653 : vector<268x1xf32> to vector<268x2xf32>
    %mul3A_659 = arith.mulf %mul3A_658, %dot_general3A_657 : vector<268x2xf32>
    %slice3A_660 = vector.extract_strided_slice %dot_general3A_517 {offsets = [0, 2], sizes = [268, 2], strides = [1, 1]} : vector<268x6xf32> to vector<268x2xf32>
    %mul3A_661 = arith.constant 2.000000e+00 : f32
    %mul3A_662 = vector.broadcast %mul3A_661 : f32 to vector<268x2xf32>
    %mul3A_663 = arith.mulf %mul3A_662, %mul3A_577 : vector<268x2xf32>
    %add3A_664 = arith.addf %slice3A_660, %mul3A_663 : vector<268x2xf32>
    %neg3A_665 = arith.constant 0.000000e+00 : f32
    %neg3A_666 = vector.broadcast %neg3A_665 : f32 to vector<268x1xf32>
    %neg3A_667 = arith.subf %neg3A_666, %select_n3A_124 : vector<268x1xf32>
    %mul3A_668 = vector.broadcast %select_n3A_124 : vector<268x1xf32> to vector<268x2xf32>
    %mul3A_669 = arith.mulf %mul3A_668, %add3A_664 : vector<268x2xf32>
    %dot_general3A_670 = arith.constant dense<0.000000e+00> : vector<268x2xf32>
    %dot_general3A_671 = tpu.matmul %get3A_18, %mul3A_669, %dot_general3A_670 {dimension_numbers = #tpu.dot_dimension_numbers<[0], [0], [1], [1], [0, 1, 1, 1], [], []>, transpose_lhs_hint = false} : vector<268x268xf32>, vector<268x2xf32>, vector<268x2xf32> -> vector<268x2xf32>
    %mul3A_672 = vector.broadcast %neg3A_667 : vector<268x1xf32> to vector<268x2xf32>
    %mul3A_673 = arith.mulf %mul3A_672, %dot_general3A_671 : vector<268x2xf32>
    %slice3A_674 = vector.extract_strided_slice %dot_general3A_522 {offsets = [0, 2], sizes = [268, 2], strides = [1, 1]} : vector<268x6xf32> to vector<268x2xf32>
    %mul3A_675 = arith.constant 2.000000e+00 : f32
    %mul3A_676 = vector.broadcast %mul3A_675 : f32 to vector<268x2xf32>
    %mul3A_677 = arith.mulf %mul3A_676, %mul3A_587 : vector<268x2xf32>
    %add3A_678 = arith.addf %slice3A_674, %mul3A_677 : vector<268x2xf32>
    %neg3A_679 = arith.constant 0.000000e+00 : f32
    %neg3A_680 = vector.broadcast %neg3A_679 : f32 to vector<268x1xf32>
    %neg3A_681 = arith.subf %neg3A_680, %select_n3A_137 : vector<268x1xf32>
    %mul3A_682 = vector.broadcast %select_n3A_137 : vector<268x1xf32> to vector<268x2xf32>
    %mul3A_683 = arith.mulf %mul3A_682, %add3A_678 : vector<268x2xf32>
    %dot_general3A_684 = arith.constant dense<0.000000e+00> : vector<268x2xf32>
    %dot_general3A_685 = tpu.matmul %get3A_23, %mul3A_683, %dot_general3A_684 {dimension_numbers = #tpu.dot_dimension_numbers<[0], [0], [1], [1], [0, 1, 1, 1], [], []>, transpose_lhs_hint = false} : vector<268x268xf32>, vector<268x2xf32>, vector<268x2xf32> -> vector<268x2xf32>
    %mul3A_686 = vector.broadcast %neg3A_681 : vector<268x1xf32> to vector<268x2xf32>
    %mul3A_687 = arith.mulf %mul3A_686, %dot_general3A_685 : vector<268x2xf32>
    %slice3A_688 = vector.extract_strided_slice %dot_general3A_527 {offsets = [0, 2], sizes = [268, 2], strides = [1, 1]} : vector<268x6xf32> to vector<268x2xf32>
    %mul3A_689 = arith.constant 2.000000e+00 : f32
    %mul3A_690 = vector.broadcast %mul3A_689 : f32 to vector<268x2xf32>
    %mul3A_691 = arith.mulf %mul3A_690, %mul3A_597 : vector<268x2xf32>
    %add3A_692 = arith.addf %slice3A_688, %mul3A_691 : vector<268x2xf32>
    %neg3A_693 = arith.constant 0.000000e+00 : f32
    %neg3A_694 = vector.broadcast %neg3A_693 : f32 to vector<268x1xf32>
    %neg3A_695 = arith.subf %neg3A_694, %select_n3A_150 : vector<268x1xf32>
    %mul3A_696 = vector.broadcast %select_n3A_150 : vector<268x1xf32> to vector<268x2xf32>
    %mul3A_697 = arith.mulf %mul3A_696, %add3A_692 : vector<268x2xf32>
    %dot_general3A_698 = arith.constant dense<0.000000e+00> : vector<268x2xf32>
    %dot_general3A_699 = tpu.matmul %get3A_28, %mul3A_697, %dot_general3A_698 {dimension_numbers = #tpu.dot_dimension_numbers<[0], [0], [1], [1], [0, 1, 1, 1], [], []>, transpose_lhs_hint = false} : vector<268x268xf32>, vector<268x2xf32>, vector<268x2xf32> -> vector<268x2xf32>
    %mul3A_700 = vector.broadcast %neg3A_695 : vector<268x1xf32> to vector<268x2xf32>
    %mul3A_701 = arith.mulf %mul3A_700, %dot_general3A_699 : vector<268x2xf32>
    %slice3A_702 = vector.extract_strided_slice %dot_general3A_532 {offsets = [0, 2], sizes = [268, 2], strides = [1, 1]} : vector<268x6xf32> to vector<268x2xf32>
    %mul3A_703 = arith.constant 2.000000e+00 : f32
    %mul3A_704 = vector.broadcast %mul3A_703 : f32 to vector<268x2xf32>
    %mul3A_705 = arith.mulf %mul3A_704, %mul3A_607 : vector<268x2xf32>
    %add3A_706 = arith.addf %slice3A_702, %mul3A_705 : vector<268x2xf32>
    %neg3A_707 = arith.constant 0.000000e+00 : f32
    %neg3A_708 = vector.broadcast %neg3A_707 : f32 to vector<268x1xf32>
    %neg3A_709 = arith.subf %neg3A_708, %select_n3A_163 : vector<268x1xf32>
    %mul3A_710 = vector.broadcast %select_n3A_163 : vector<268x1xf32> to vector<268x2xf32>
    %mul3A_711 = arith.mulf %mul3A_710, %add3A_706 : vector<268x2xf32>
    %dot_general3A_712 = arith.constant dense<0.000000e+00> : vector<268x2xf32>
    %dot_general3A_713 = tpu.matmul %get3A_33, %mul3A_711, %dot_general3A_712 {dimension_numbers = #tpu.dot_dimension_numbers<[0], [0], [1], [1], [0, 1, 1, 1], [], []>, transpose_lhs_hint = false} : vector<268x268xf32>, vector<268x2xf32>, vector<268x2xf32> -> vector<268x2xf32>
    %mul3A_714 = vector.broadcast %neg3A_709 : vector<268x1xf32> to vector<268x2xf32>
    %mul3A_715 = arith.mulf %mul3A_714, %dot_general3A_713 : vector<268x2xf32>
    %slice3A_716 = vector.extract_strided_slice %dot_general3A_537 {offsets = [0, 2], sizes = [268, 2], strides = [1, 1]} : vector<268x6xf32> to vector<268x2xf32>
    %mul3A_717 = arith.constant 2.000000e+00 : f32
    %mul3A_718 = vector.broadcast %mul3A_717 : f32 to vector<268x2xf32>
    %mul3A_719 = arith.mulf %mul3A_718, %mul3A_617 : vector<268x2xf32>
    %add3A_720 = arith.addf %slice3A_716, %mul3A_719 : vector<268x2xf32>
    %neg3A_721 = arith.constant 0.000000e+00 : f32
    %neg3A_722 = vector.broadcast %neg3A_721 : f32 to vector<268x1xf32>
    %neg3A_723 = arith.subf %neg3A_722, %select_n3A_176 : vector<268x1xf32>
    %mul3A_724 = vector.broadcast %select_n3A_176 : vector<268x1xf32> to vector<268x2xf32>
    %mul3A_725 = arith.mulf %mul3A_724, %add3A_720 : vector<268x2xf32>
    %dot_general3A_726 = arith.constant dense<0.000000e+00> : vector<268x2xf32>
    %dot_general3A_727 = tpu.matmul %get3A_38, %mul3A_725, %dot_general3A_726 {dimension_numbers = #tpu.dot_dimension_numbers<[0], [0], [1], [1], [0, 1, 1, 1], [], []>, transpose_lhs_hint = false} : vector<268x268xf32>, vector<268x2xf32>, vector<268x2xf32> -> vector<268x2xf32>
    %mul3A_728 = vector.broadcast %neg3A_723 : vector<268x1xf32> to vector<268x2xf32>
    %mul3A_729 = arith.mulf %mul3A_728, %dot_general3A_727 : vector<268x2xf32>
    %slice3A_730 = vector.extract_strided_slice %dot_general3A_502 {offsets = [0, 0], sizes = [268, 2], strides = [1, 1]} : vector<268x6xf32> to vector<268x2xf32>
    %slice3A_731 = vector.extract_strided_slice %dot_general3A_502 {offsets = [0, 4], sizes = [268, 2], strides = [1, 1]} : vector<268x6xf32> to vector<268x2xf32>
    %sub3A_732 = arith.subf %slice3A_730, %slice3A_731 : vector<268x2xf32>
    %add3A_733 = arith.addf %sub3A_732, %mul3A_631 : vector<268x2xf32>
    %get3A_734 = arith.constant 0 : index
    %get3A_735 = arith.constant 0 : index
    %get3A_736 = vector.load %arg6[%get3A_734, %get3A_735] : memref<1x2xf32, #tpu.memory_space<vmem>>, vector<1x2xf32>
    %add3A_737 = vector.broadcast %get3A_736 : vector<1x2xf32> to vector<268x2xf32>
    %add3A_738 = arith.addf %add3A_733, %add3A_737 : vector<268x2xf32>
    %slice3A_739 = vector.extract_strided_slice %dot_general3A_507 {offsets = [0, 0], sizes = [268, 2], strides = [1, 1]} : vector<268x6xf32> to vector<268x2xf32>
    %slice3A_740 = vector.extract_strided_slice %dot_general3A_507 {offsets = [0, 4], sizes = [268, 2], strides = [1, 1]} : vector<268x6xf32> to vector<268x2xf32>
    %sub3A_741 = arith.subf %slice3A_739, %slice3A_740 : vector<268x2xf32>
    %add3A_742 = arith.addf %sub3A_741, %mul3A_645 : vector<268x2xf32>
    %get3A_743 = arith.constant 0 : index
    %get3A_744 = arith.constant 0 : index
    %get3A_745 = vector.load %arg6[%get3A_743, %get3A_744] : memref<1x2xf32, #tpu.memory_space<vmem>>, vector<1x2xf32>
    %add3A_746 = vector.broadcast %get3A_745 : vector<1x2xf32> to vector<268x2xf32>
    %add3A_747 = arith.addf %add3A_742, %add3A_746 : vector<268x2xf32>
    %slice3A_748 = vector.extract_strided_slice %dot_general3A_512 {offsets = [0, 0], sizes = [268, 2], strides = [1, 1]} : vector<268x6xf32> to vector<268x2xf32>
    %slice3A_749 = vector.extract_strided_slice %dot_general3A_512 {offsets = [0, 4], sizes = [268, 2], strides = [1, 1]} : vector<268x6xf32> to vector<268x2xf32>
    %sub3A_750 = arith.subf %slice3A_748, %slice3A_749 : vector<268x2xf32>
    %add3A_751 = arith.addf %sub3A_750, %mul3A_659 : vector<268x2xf32>
    %get3A_752 = arith.constant 0 : index
    %get3A_753 = arith.constant 0 : index
    %get3A_754 = vector.load %arg6[%get3A_752, %get3A_753] : memref<1x2xf32, #tpu.memory_space<vmem>>, vector<1x2xf32>
    %add3A_755 = vector.broadcast %get3A_754 : vector<1x2xf32> to vector<268x2xf32>
    %add3A_756 = arith.addf %add3A_751, %add3A_755 : vector<268x2xf32>
    %slice3A_757 = vector.extract_strided_slice %dot_general3A_517 {offsets = [0, 0], sizes = [268, 2], strides = [1, 1]} : vector<268x6xf32> to vector<268x2xf32>
    %slice3A_758 = vector.extract_strided_slice %dot_general3A_517 {offsets = [0, 4], sizes = [268, 2], strides = [1, 1]} : vector<268x6xf32> to vector<268x2xf32>
    %sub3A_759 = arith.subf %slice3A_757, %slice3A_758 : vector<268x2xf32>
    %add3A_760 = arith.addf %sub3A_759, %mul3A_673 : vector<268x2xf32>
    %get3A_761 = arith.constant 0 : index
    %get3A_762 = arith.constant 0 : index
    %get3A_763 = vector.load %arg6[%get3A_761, %get3A_762] : memref<1x2xf32, #tpu.memory_space<vmem>>, vector<1x2xf32>
    %add3A_764 = vector.broadcast %get3A_763 : vector<1x2xf32> to vector<268x2xf32>
    %add3A_765 = arith.addf %add3A_760, %add3A_764 : vector<268x2xf32>
    %slice3A_766 = vector.extract_strided_slice %dot_general3A_522 {offsets = [0, 0], sizes = [268, 2], strides = [1, 1]} : vector<268x6xf32> to vector<268x2xf32>
    %slice3A_767 = vector.extract_strided_slice %dot_general3A_522 {offsets = [0, 4], sizes = [268, 2], strides = [1, 1]} : vector<268x6xf32> to vector<268x2xf32>
    %sub3A_768 = arith.subf %slice3A_766, %slice3A_767 : vector<268x2xf32>
    %add3A_769 = arith.addf %sub3A_768, %mul3A_687 : vector<268x2xf32>
    %get3A_770 = arith.constant 0 : index
    %get3A_771 = arith.constant 0 : index
    %get3A_772 = vector.load %arg6[%get3A_770, %get3A_771] : memref<1x2xf32, #tpu.memory_space<vmem>>, vector<1x2xf32>
    %add3A_773 = vector.broadcast %get3A_772 : vector<1x2xf32> to vector<268x2xf32>
    %add3A_774 = arith.addf %add3A_769, %add3A_773 : vector<268x2xf32>
    %slice3A_775 = vector.extract_strided_slice %dot_general3A_527 {offsets = [0, 0], sizes = [268, 2], strides = [1, 1]} : vector<268x6xf32> to vector<268x2xf32>
    %slice3A_776 = vector.extract_strided_slice %dot_general3A_527 {offsets = [0, 4], sizes = [268, 2], strides = [1, 1]} : vector<268x6xf32> to vector<268x2xf32>
    %sub3A_777 = arith.subf %slice3A_775, %slice3A_776 : vector<268x2xf32>
    %add3A_778 = arith.addf %sub3A_777, %mul3A_701 : vector<268x2xf32>
    %get3A_779 = arith.constant 0 : index
    %get3A_780 = arith.constant 0 : index
    %get3A_781 = vector.load %arg6[%get3A_779, %get3A_780] : memref<1x2xf32, #tpu.memory_space<vmem>>, vector<1x2xf32>
    %add3A_782 = vector.broadcast %get3A_781 : vector<1x2xf32> to vector<268x2xf32>
    %add3A_783 = arith.addf %add3A_778, %add3A_782 : vector<268x2xf32>
    %slice3A_784 = vector.extract_strided_slice %dot_general3A_532 {offsets = [0, 0], sizes = [268, 2], strides = [1, 1]} : vector<268x6xf32> to vector<268x2xf32>
    %slice3A_785 = vector.extract_strided_slice %dot_general3A_532 {offsets = [0, 4], sizes = [268, 2], strides = [1, 1]} : vector<268x6xf32> to vector<268x2xf32>
    %sub3A_786 = arith.subf %slice3A_784, %slice3A_785 : vector<268x2xf32>
    %add3A_787 = arith.addf %sub3A_786, %mul3A_715 : vector<268x2xf32>
    %get3A_788 = arith.constant 0 : index
    %get3A_789 = arith.constant 0 : index
    %get3A_790 = vector.load %arg6[%get3A_788, %get3A_789] : memref<1x2xf32, #tpu.memory_space<vmem>>, vector<1x2xf32>
    %add3A_791 = vector.broadcast %get3A_790 : vector<1x2xf32> to vector<268x2xf32>
    %add3A_792 = arith.addf %add3A_787, %add3A_791 : vector<268x2xf32>
    %slice3A_793 = vector.extract_strided_slice %dot_general3A_537 {offsets = [0, 0], sizes = [268, 2], strides = [1, 1]} : vector<268x6xf32> to vector<268x2xf32>
    %slice3A_794 = vector.extract_strided_slice %dot_general3A_537 {offsets = [0, 4], sizes = [268, 2], strides = [1, 1]} : vector<268x6xf32> to vector<268x2xf32>
    %sub3A_795 = arith.subf %slice3A_793, %slice3A_794 : vector<268x2xf32>
    %add3A_796 = arith.addf %sub3A_795, %mul3A_729 : vector<268x2xf32>
    %get3A_797 = arith.constant 0 : index
    %get3A_798 = arith.constant 0 : index
    %get3A_799 = vector.load %arg6[%get3A_797, %get3A_798] : memref<1x2xf32, #tpu.memory_space<vmem>>, vector<1x2xf32>
    %add3A_800 = vector.broadcast %get3A_799 : vector<1x2xf32> to vector<268x2xf32>
    %add3A_801 = arith.addf %add3A_796, %add3A_800 : vector<268x2xf32>
    %get3A_802 = arith.constant 0 : index
    %get3A_803 = arith.constant 0 : index
    %get3A_804 = vector.load %arg7[%get3A_802, %get3A_803] : memref<268x50xf32, #tpu.memory_space<vmem>>, vector<268x50xf32>
    %dot_general3A_805 = arith.constant dense<0.000000e+00> : vector<2x50xf32>
    %dot_general3A_806 = tpu.matmul %add3A_738, %get3A_804, %dot_general3A_805 {dimension_numbers = #tpu.dot_dimension_numbers<[0], [0], [1], [1], [0, 1, 1, 1], [], []>, transpose_lhs_hint = false} : vector<268x2xf32>, vector<268x50xf32>, vector<2x50xf32> -> vector<2x50xf32>
    %get3A_807 = arith.constant 0 : index
    %get3A_808 = arith.constant 0 : index
    %get3A_809 = vector.load %arg8[%get3A_807, %get3A_808] : memref<1x50xf32, #tpu.memory_space<vmem>>, vector<1x50xf32>
    %add3A_810 = vector.broadcast %get3A_809 : vector<1x50xf32> to vector<2x50xf32>
    %add3A_811 = arith.addf %dot_general3A_806, %add3A_810 : vector<2x50xf32>
    %max3A_812 = arith.constant 0.000000e+00 : f32
    %max3A_813 = vector.broadcast %max3A_812 : f32 to vector<2x50xf32>
    %max3A_814 = arith.maximumf %add3A_811, %max3A_813 : vector<2x50xf32>
    %get3A_815 = arith.constant 0 : index
    %get3A_816 = arith.constant 0 : index
    %get3A_817 = vector.load %arg7[%get3A_815, %get3A_816] : memref<268x50xf32, #tpu.memory_space<vmem>>, vector<268x50xf32>
    %dot_general3A_818 = arith.constant dense<0.000000e+00> : vector<2x50xf32>
    %dot_general3A_819 = tpu.matmul %add3A_747, %get3A_817, %dot_general3A_818 {dimension_numbers = #tpu.dot_dimension_numbers<[0], [0], [1], [1], [0, 1, 1, 1], [], []>, transpose_lhs_hint = false} : vector<268x2xf32>, vector<268x50xf32>, vector<2x50xf32> -> vector<2x50xf32>
    %get3A_820 = arith.constant 0 : index
    %get3A_821 = arith.constant 0 : index
    %get3A_822 = vector.load %arg8[%get3A_820, %get3A_821] : memref<1x50xf32, #tpu.memory_space<vmem>>, vector<1x50xf32>
    %add3A_823 = vector.broadcast %get3A_822 : vector<1x50xf32> to vector<2x50xf32>
    %add3A_824 = arith.addf %dot_general3A_819, %add3A_823 : vector<2x50xf32>
    %max3A_825 = arith.constant 0.000000e+00 : f32
    %max3A_826 = vector.broadcast %max3A_825 : f32 to vector<2x50xf32>
    %max3A_827 = arith.maximumf %add3A_824, %max3A_826 : vector<2x50xf32>
    %get3A_828 = arith.constant 0 : index
    %get3A_829 = arith.constant 0 : index
    %get3A_830 = vector.load %arg7[%get3A_828, %get3A_829] : memref<268x50xf32, #tpu.memory_space<vmem>>, vector<268x50xf32>
    %dot_general3A_831 = arith.constant dense<0.000000e+00> : vector<2x50xf32>
    %dot_general3A_832 = tpu.matmul %add3A_756, %get3A_830, %dot_general3A_831 {dimension_numbers = #tpu.dot_dimension_numbers<[0], [0], [1], [1], [0, 1, 1, 1], [], []>, transpose_lhs_hint = false} : vector<268x2xf32>, vector<268x50xf32>, vector<2x50xf32> -> vector<2x50xf32>
    %get3A_833 = arith.constant 0 : index
    %get3A_834 = arith.constant 0 : index
    %get3A_835 = vector.load %arg8[%get3A_833, %get3A_834] : memref<1x50xf32, #tpu.memory_space<vmem>>, vector<1x50xf32>
    %add3A_836 = vector.broadcast %get3A_835 : vector<1x50xf32> to vector<2x50xf32>
    %add3A_837 = arith.addf %dot_general3A_832, %add3A_836 : vector<2x50xf32>
    %max3A_838 = arith.constant 0.000000e+00 : f32
    %max3A_839 = vector.broadcast %max3A_838 : f32 to vector<2x50xf32>
    %max3A_840 = arith.maximumf %add3A_837, %max3A_839 : vector<2x50xf32>
    %get3A_841 = arith.constant 0 : index
    %get3A_842 = arith.constant 0 : index
    %get3A_843 = vector.load %arg7[%get3A_841, %get3A_842] : memref<268x50xf32, #tpu.memory_space<vmem>>, vector<268x50xf32>
    %dot_general3A_844 = arith.constant dense<0.000000e+00> : vector<2x50xf32>
    %dot_general3A_845 = tpu.matmul %add3A_765, %get3A_843, %dot_general3A_844 {dimension_numbers = #tpu.dot_dimension_numbers<[0], [0], [1], [1], [0, 1, 1, 1], [], []>, transpose_lhs_hint = false} : vector<268x2xf32>, vector<268x50xf32>, vector<2x50xf32> -> vector<2x50xf32>
    %get3A_846 = arith.constant 0 : index
    %get3A_847 = arith.constant 0 : index
    %get3A_848 = vector.load %arg8[%get3A_846, %get3A_847] : memref<1x50xf32, #tpu.memory_space<vmem>>, vector<1x50xf32>
    %add3A_849 = vector.broadcast %get3A_848 : vector<1x50xf32> to vector<2x50xf32>
    %add3A_850 = arith.addf %dot_general3A_845, %add3A_849 : vector<2x50xf32>
    %max3A_851 = arith.constant 0.000000e+00 : f32
    %max3A_852 = vector.broadcast %max3A_851 : f32 to vector<2x50xf32>
    %max3A_853 = arith.maximumf %add3A_850, %max3A_852 : vector<2x50xf32>
    %get3A_854 = arith.constant 0 : index
    %get3A_855 = arith.constant 0 : index
    %get3A_856 = vector.load %arg7[%get3A_854, %get3A_855] : memref<268x50xf32, #tpu.memory_space<vmem>>, vector<268x50xf32>
    %dot_general3A_857 = arith.constant dense<0.000000e+00> : vector<2x50xf32>
    %dot_general3A_858 = tpu.matmul %add3A_774, %get3A_856, %dot_general3A_857 {dimension_numbers = #tpu.dot_dimension_numbers<[0], [0], [1], [1], [0, 1, 1, 1], [], []>, transpose_lhs_hint = false} : vector<268x2xf32>, vector<268x50xf32>, vector<2x50xf32> -> vector<2x50xf32>
    %get3A_859 = arith.constant 0 : index
    %get3A_860 = arith.constant 0 : index
    %get3A_861 = vector.load %arg8[%get3A_859, %get3A_860] : memref<1x50xf32, #tpu.memory_space<vmem>>, vector<1x50xf32>
    %add3A_862 = vector.broadcast %get3A_861 : vector<1x50xf32> to vector<2x50xf32>
    %add3A_863 = arith.addf %dot_general3A_858, %add3A_862 : vector<2x50xf32>
    %max3A_864 = arith.constant 0.000000e+00 : f32
    %max3A_865 = vector.broadcast %max3A_864 : f32 to vector<2x50xf32>
    %max3A_866 = arith.maximumf %add3A_863, %max3A_865 : vector<2x50xf32>
    %get3A_867 = arith.constant 0 : index
    %get3A_868 = arith.constant 0 : index
    %get3A_869 = vector.load %arg7[%get3A_867, %get3A_868] : memref<268x50xf32, #tpu.memory_space<vmem>>, vector<268x50xf32>
    %dot_general3A_870 = arith.constant dense<0.000000e+00> : vector<2x50xf32>
    %dot_general3A_871 = tpu.matmul %add3A_783, %get3A_869, %dot_general3A_870 {dimension_numbers = #tpu.dot_dimension_numbers<[0], [0], [1], [1], [0, 1, 1, 1], [], []>, transpose_lhs_hint = false} : vector<268x2xf32>, vector<268x50xf32>, vector<2x50xf32> -> vector<2x50xf32>
    %get3A_872 = arith.constant 0 : index
    %get3A_873 = arith.constant 0 : index
    %get3A_874 = vector.load %arg8[%get3A_872, %get3A_873] : memref<1x50xf32, #tpu.memory_space<vmem>>, vector<1x50xf32>
    %add3A_875 = vector.broadcast %get3A_874 : vector<1x50xf32> to vector<2x50xf32>
    %add3A_876 = arith.addf %dot_general3A_871, %add3A_875 : vector<2x50xf32>
    %max3A_877 = arith.constant 0.000000e+00 : f32
    %max3A_878 = vector.broadcast %max3A_877 : f32 to vector<2x50xf32>
    %max3A_879 = arith.maximumf %add3A_876, %max3A_878 : vector<2x50xf32>
    %get3A_880 = arith.constant 0 : index
    %get3A_881 = arith.constant 0 : index
    %get3A_882 = vector.load %arg7[%get3A_880, %get3A_881] : memref<268x50xf32, #tpu.memory_space<vmem>>, vector<268x50xf32>
    %dot_general3A_883 = arith.constant dense<0.000000e+00> : vector<2x50xf32>
    %dot_general3A_884 = tpu.matmul %add3A_792, %get3A_882, %dot_general3A_883 {dimension_numbers = #tpu.dot_dimension_numbers<[0], [0], [1], [1], [0, 1, 1, 1], [], []>, transpose_lhs_hint = false} : vector<268x2xf32>, vector<268x50xf32>, vector<2x50xf32> -> vector<2x50xf32>
    %get3A_885 = arith.constant 0 : index
    %get3A_886 = arith.constant 0 : index
    %get3A_887 = vector.load %arg8[%get3A_885, %get3A_886] : memref<1x50xf32, #tpu.memory_space<vmem>>, vector<1x50xf32>
    %add3A_888 = vector.broadcast %get3A_887 : vector<1x50xf32> to vector<2x50xf32>
    %add3A_889 = arith.addf %dot_general3A_884, %add3A_888 : vector<2x50xf32>
    %max3A_890 = arith.constant 0.000000e+00 : f32
    %max3A_891 = vector.broadcast %max3A_890 : f32 to vector<2x50xf32>
    %max3A_892 = arith.maximumf %add3A_889, %max3A_891 : vector<2x50xf32>
    %get3A_893 = arith.constant 0 : index
    %get3A_894 = arith.constant 0 : index
    %get3A_895 = vector.load %arg7[%get3A_893, %get3A_894] : memref<268x50xf32, #tpu.memory_space<vmem>>, vector<268x50xf32>
    %dot_general3A_896 = arith.constant dense<0.000000e+00> : vector<2x50xf32>
    %dot_general3A_897 = tpu.matmul %add3A_801, %get3A_895, %dot_general3A_896 {dimension_numbers = #tpu.dot_dimension_numbers<[0], [0], [1], [1], [0, 1, 1, 1], [], []>, transpose_lhs_hint = false} : vector<268x2xf32>, vector<268x50xf32>, vector<2x50xf32> -> vector<2x50xf32>
    %get3A_898 = arith.constant 0 : index
    %get3A_899 = arith.constant 0 : index
    %get3A_900 = vector.load %arg8[%get3A_898, %get3A_899] : memref<1x50xf32, #tpu.memory_space<vmem>>, vector<1x50xf32>
    %add3A_901 = vector.broadcast %get3A_900 : vector<1x50xf32> to vector<2x50xf32>
    %add3A_902 = arith.addf %dot_general3A_897, %add3A_901 : vector<2x50xf32>
    %max3A_903 = arith.constant 0.000000e+00 : f32
    %max3A_904 = vector.broadcast %max3A_903 : f32 to vector<2x50xf32>
    %max3A_905 = arith.maximumf %add3A_902, %max3A_904 : vector<2x50xf32>
    %get3A_906 = arith.constant 0 : index
    %get3A_907 = arith.constant 0 : index
    %get3A_908 = vector.load %arg9[%get3A_906, %get3A_907] : memref<50x1xf32, #tpu.memory_space<vmem>>, vector<50x1xf32>
    %dot_general3A_909 = arith.constant dense<0.000000e+00> : vector<1x2xf32>
    %dot_general3A_910 = tpu.matmul %get3A_908, %max3A_814, %dot_general3A_909 {dimension_numbers = #tpu.dot_dimension_numbers<[0], [1], [1], [0], [0, 1, 1, 0], [], []>, transpose_lhs_hint = false} : vector<50x1xf32>, vector<2x50xf32>, vector<1x2xf32> -> vector<1x2xf32>
    %get3A_911 = arith.constant 0 : index
    %get3A_912 = arith.constant 0 : index
    %get3A_913 = vector.load %arg9[%get3A_911, %get3A_912] : memref<50x1xf32, #tpu.memory_space<vmem>>, vector<50x1xf32>
    %dot_general3A_914 = arith.constant dense<0.000000e+00> : vector<1x2xf32>
    %dot_general3A_915 = tpu.matmul %get3A_913, %max3A_827, %dot_general3A_914 {dimension_numbers = #tpu.dot_dimension_numbers<[0], [1], [1], [0], [0, 1, 1, 0], [], []>, transpose_lhs_hint = false} : vector<50x1xf32>, vector<2x50xf32>, vector<1x2xf32> -> vector<1x2xf32>
    %get3A_916 = arith.constant 0 : index
    %get3A_917 = arith.constant 0 : index
    %get3A_918 = vector.load %arg9[%get3A_916, %get3A_917] : memref<50x1xf32, #tpu.memory_space<vmem>>, vector<50x1xf32>
    %dot_general3A_919 = arith.constant dense<0.000000e+00> : vector<1x2xf32>
    %dot_general3A_920 = tpu.matmul %get3A_918, %max3A_840, %dot_general3A_919 {dimension_numbers = #tpu.dot_dimension_numbers<[0], [1], [1], [0], [0, 1, 1, 0], [], []>, transpose_lhs_hint = false} : vector<50x1xf32>, vector<2x50xf32>, vector<1x2xf32> -> vector<1x2xf32>
    %get3A_921 = arith.constant 0 : index
    %get3A_922 = arith.constant 0 : index
    %get3A_923 = vector.load %arg9[%get3A_921, %get3A_922] : memref<50x1xf32, #tpu.memory_space<vmem>>, vector<50x1xf32>
    %dot_general3A_924 = arith.constant dense<0.000000e+00> : vector<1x2xf32>
    %dot_general3A_925 = tpu.matmul %get3A_923, %max3A_853, %dot_general3A_924 {dimension_numbers = #tpu.dot_dimension_numbers<[0], [1], [1], [0], [0, 1, 1, 0], [], []>, transpose_lhs_hint = false} : vector<50x1xf32>, vector<2x50xf32>, vector<1x2xf32> -> vector<1x2xf32>
    %get3A_926 = arith.constant 0 : index
    %get3A_927 = arith.constant 0 : index
    %get3A_928 = vector.load %arg9[%get3A_926, %get3A_927] : memref<50x1xf32, #tpu.memory_space<vmem>>, vector<50x1xf32>
    %dot_general3A_929 = arith.constant dense<0.000000e+00> : vector<1x2xf32>
    %dot_general3A_930 = tpu.matmul %get3A_928, %max3A_866, %dot_general3A_929 {dimension_numbers = #tpu.dot_dimension_numbers<[0], [1], [1], [0], [0, 1, 1, 0], [], []>, transpose_lhs_hint = false} : vector<50x1xf32>, vector<2x50xf32>, vector<1x2xf32> -> vector<1x2xf32>
    %get3A_931 = arith.constant 0 : index
    %get3A_932 = arith.constant 0 : index
    %get3A_933 = vector.load %arg9[%get3A_931, %get3A_932] : memref<50x1xf32, #tpu.memory_space<vmem>>, vector<50x1xf32>
    %dot_general3A_934 = arith.constant dense<0.000000e+00> : vector<1x2xf32>
    %dot_general3A_935 = tpu.matmul %get3A_933, %max3A_879, %dot_general3A_934 {dimension_numbers = #tpu.dot_dimension_numbers<[0], [1], [1], [0], [0, 1, 1, 0], [], []>, transpose_lhs_hint = false} : vector<50x1xf32>, vector<2x50xf32>, vector<1x2xf32> -> vector<1x2xf32>
    %get3A_936 = arith.constant 0 : index
    %get3A_937 = arith.constant 0 : index
    %get3A_938 = vector.load %arg9[%get3A_936, %get3A_937] : memref<50x1xf32, #tpu.memory_space<vmem>>, vector<50x1xf32>
    %dot_general3A_939 = arith.constant dense<0.000000e+00> : vector<1x2xf32>
    %dot_general3A_940 = tpu.matmul %get3A_938, %max3A_892, %dot_general3A_939 {dimension_numbers = #tpu.dot_dimension_numbers<[0], [1], [1], [0], [0, 1, 1, 0], [], []>, transpose_lhs_hint = false} : vector<50x1xf32>, vector<2x50xf32>, vector<1x2xf32> -> vector<1x2xf32>
    %get3A_941 = arith.constant 0 : index
    %get3A_942 = arith.constant 0 : index
    %get3A_943 = vector.load %arg9[%get3A_941, %get3A_942] : memref<50x1xf32, #tpu.memory_space<vmem>>, vector<50x1xf32>
    %dot_general3A_944 = arith.constant dense<0.000000e+00> : vector<1x2xf32>
    %dot_general3A_945 = tpu.matmul %get3A_943, %max3A_905, %dot_general3A_944 {dimension_numbers = #tpu.dot_dimension_numbers<[0], [1], [1], [0], [0, 1, 1, 0], [], []>, transpose_lhs_hint = false} : vector<50x1xf32>, vector<2x50xf32>, vector<1x2xf32> -> vector<1x2xf32>
    %get3A_946 = arith.constant 0 : index
    %get3A_947 = arith.constant 0 : index
    %get3A_948 = vector.load %arg10[%get3A_946, %get3A_947] : memref<1x1xf32, #tpu.memory_space<vmem>>, vector<1x1xf32>
    %add3A_949 = vector.broadcast %get3A_948 : vector<1x1xf32> to vector<1x2xf32>
    %add3A_950 = arith.addf %dot_general3A_910, %add3A_949 : vector<1x2xf32>
    %swap3A = arith.constant 0 : index
    %swap3A_951 = arith.constant 0 : index
    %swap3A_952 = arith.constant 0 : index
    %swap3A_953 = vector.load %arg11[%swap3A, %swap3A_951, %swap3A_952] : memref<8x1x2xf32, #tpu.memory_space<vmem>>, vector<1x1x2xf32>
    %swap3A_954 = vector.shape_cast %swap3A_953 : vector<1x1x2xf32> to vector<1x2xf32>
    %swap3A_955 = vector.shape_cast %add3A_950 : vector<1x2xf32> to vector<1x1x2xf32>
    tpu.vector_store %arg11[%swap3A, %swap3A_951, %swap3A_952], %swap3A_955 {strides = array<i32>} : memref<8x1x2xf32, #tpu.memory_space<vmem>>, vector<1x1x2xf32>,
    %get3A_956 = arith.constant 0 : index
    %get3A_957 = arith.constant 0 : index
    %get3A_958 = vector.load %arg10[%get3A_956, %get3A_957] : memref<1x1xf32, #tpu.memory_space<vmem>>, vector<1x1xf32>
    %add3A_959 = vector.broadcast %get3A_958 : vector<1x1xf32> to vector<1x2xf32>
    %add3A_960 = arith.addf %dot_general3A_915, %add3A_959 : vector<1x2xf32>
    %swap3A_961 = arith.constant 1 : index
    %swap3A_962 = arith.constant 0 : index
    %swap3A_963 = arith.constant 0 : index
    %swap3A_964 = vector.load %arg11[%swap3A_961, %swap3A_962, %swap3A_963] : memref<8x1x2xf32, #tpu.memory_space<vmem>>, vector<1x1x2xf32>
    %swap3A_965 = vector.shape_cast %swap3A_964 : vector<1x1x2xf32> to vector<1x2xf32>
    %swap3A_966 = vector.shape_cast %add3A_960 : vector<1x2xf32> to vector<1x1x2xf32>
    tpu.vector_store %arg11[%swap3A_961, %swap3A_962, %swap3A_963], %swap3A_966 {strides = array<i32>} : memref<8x1x2xf32, #tpu.memory_space<vmem>>, vector<1x1x2xf32>,
    %get3A_967 = arith.constant 0 : index
    %get3A_968 = arith.constant 0 : index
    %get3A_969 = vector.load %arg10[%get3A_967, %get3A_968] : memref<1x1xf32, #tpu.memory_space<vmem>>, vector<1x1xf32>
    %add3A_970 = vector.broadcast %get3A_969 : vector<1x1xf32> to vector<1x2xf32>
    %add3A_971 = arith.addf %dot_general3A_920, %add3A_970 : vector<1x2xf32>
    %swap3A_972 = arith.constant 2 : index
    %swap3A_973 = arith.constant 0 : index
    %swap3A_974 = arith.constant 0 : index
    %swap3A_975 = vector.load %arg11[%swap3A_972, %swap3A_973, %swap3A_974] : memref<8x1x2xf32, #tpu.memory_space<vmem>>, vector<1x1x2xf32>
    %swap3A_976 = vector.shape_cast %swap3A_975 : vector<1x1x2xf32> to vector<1x2xf32>
    %swap3A_977 = vector.shape_cast %add3A_971 : vector<1x2xf32> to vector<1x1x2xf32>
    tpu.vector_store %arg11[%swap3A_972, %swap3A_973, %swap3A_974], %swap3A_977 {strides = array<i32>} : memref<8x1x2xf32, #tpu.memory_space<vmem>>, vector<1x1x2xf32>,
    %get3A_978 = arith.constant 0 : index
    %get3A_979 = arith.constant 0 : index
    %get3A_980 = vector.load %arg10[%get3A_978, %get3A_979] : memref<1x1xf32, #tpu.memory_space<vmem>>, vector<1x1xf32>
    %add3A_981 = vector.broadcast %get3A_980 : vector<1x1xf32> to vector<1x2xf32>
    %add3A_982 = arith.addf %dot_general3A_925, %add3A_981 : vector<1x2xf32>
    %swap3A_983 = arith.constant 3 : index
    %swap3A_984 = arith.constant 0 : index
    %swap3A_985 = arith.constant 0 : index
    %swap3A_986 = vector.load %arg11[%swap3A_983, %swap3A_984, %swap3A_985] : memref<8x1x2xf32, #tpu.memory_space<vmem>>, vector<1x1x2xf32>
    %swap3A_987 = vector.shape_cast %swap3A_986 : vector<1x1x2xf32> to vector<1x2xf32>
    %swap3A_988 = vector.shape_cast %add3A_982 : vector<1x2xf32> to vector<1x1x2xf32>
    tpu.vector_store %arg11[%swap3A_983, %swap3A_984, %swap3A_985], %swap3A_988 {strides = array<i32>} : memref<8x1x2xf32, #tpu.memory_space<vmem>>, vector<1x1x2xf32>,
    %get3A_989 = arith.constant 0 : index
    %get3A_990 = arith.constant 0 : index
    %get3A_991 = vector.load %arg10[%get3A_989, %get3A_990] : memref<1x1xf32, #tpu.memory_space<vmem>>, vector<1x1xf32>
    %add3A_992 = vector.broadcast %get3A_991 : vector<1x1xf32> to vector<1x2xf32>
    %add3A_993 = arith.addf %dot_general3A_930, %add3A_992 : vector<1x2xf32>
    %swap3A_994 = arith.constant 4 : index
    %swap3A_995 = arith.constant 0 : index
    %swap3A_996 = arith.constant 0 : index
    %swap3A_997 = vector.load %arg11[%swap3A_994, %swap3A_995, %swap3A_996] : memref<8x1x2xf32, #tpu.memory_space<vmem>>, vector<1x1x2xf32>
    %swap3A_998 = vector.shape_cast %swap3A_997 : vector<1x1x2xf32> to vector<1x2xf32>
    %swap3A_999 = vector.shape_cast %add3A_993 : vector<1x2xf32> to vector<1x1x2xf32>
    tpu.vector_store %arg11[%swap3A_994, %swap3A_995, %swap3A_996], %swap3A_999 {strides = array<i32>} : memref<8x1x2xf32, #tpu.memory_space<vmem>>, vector<1x1x2xf32>,
    %get3A_1000 = arith.constant 0 : index
    %get3A_1001 = arith.constant 0 : index
    %get3A_1002 = vector.load %arg10[%get3A_1000, %get3A_1001] : memref<1x1xf32, #tpu.memory_space<vmem>>, vector<1x1xf32>
    %add3A_1003 = vector.broadcast %get3A_1002 : vector<1x1xf32> to vector<1x2xf32>
    %add3A_1004 = arith.addf %dot_general3A_935, %add3A_1003 : vector<1x2xf32>
    %swap3A_1005 = arith.constant 5 : index
    %swap3A_1006 = arith.constant 0 : index
    %swap3A_1007 = arith.constant 0 : index
    %swap3A_1008 = vector.load %arg11[%swap3A_1005, %swap3A_1006, %swap3A_1007] : memref<8x1x2xf32, #tpu.memory_space<vmem>>, vector<1x1x2xf32>
    %swap3A_1009 = vector.shape_cast %swap3A_1008 : vector<1x1x2xf32> to vector<1x2xf32>
    %swap3A_1010 = vector.shape_cast %add3A_1004 : vector<1x2xf32> to vector<1x1x2xf32>
    tpu.vector_store %arg11[%swap3A_1005, %swap3A_1006, %swap3A_1007], %swap3A_1010 {strides = array<i32>} : memref<8x1x2xf32, #tpu.memory_space<vmem>>, vector<1x1x2xf32>,
    %get3A_1011 = arith.constant 0 : index
    %get3A_1012 = arith.constant 0 : index
    %get3A_1013 = vector.load %arg10[%get3A_1011, %get3A_1012] : memref<1x1xf32, #tpu.memory_space<vmem>>, vector<1x1xf32>
    %add3A_1014 = vector.broadcast %get3A_1013 : vector<1x1xf32> to vector<1x2xf32>
    %add3A_1015 = arith.addf %dot_general3A_940, %add3A_1014 : vector<1x2xf32>
    %swap3A_1016 = arith.constant 6 : index
    %swap3A_1017 = arith.constant 0 : index
    %swap3A_1018 = arith.constant 0 : index
    %swap3A_1019 = vector.load %arg11[%swap3A_1016, %swap3A_1017, %swap3A_1018] : memref<8x1x2xf32, #tpu.memory_space<vmem>>, vector<1x1x2xf32>
    %swap3A_1020 = vector.shape_cast %swap3A_1019 : vector<1x1x2xf32> to vector<1x2xf32>
    %swap3A_1021 = vector.shape_cast %add3A_1015 : vector<1x2xf32> to vector<1x1x2xf32>
    tpu.vector_store %arg11[%swap3A_1016, %swap3A_1017, %swap3A_1018], %swap3A_1021 {strides = array<i32>} : memref<8x1x2xf32, #tpu.memory_space<vmem>>, vector<1x1x2xf32>,
    %get3A_1022 = arith.constant 0 : index
    %get3A_1023 = arith.constant 0 : index
    %get3A_1024 = vector.load %arg10[%get3A_1022, %get3A_1023] : memref<1x1xf32, #tpu.memory_space<vmem>>, vector<1x1xf32>
    %add3A_1025 = vector.broadcast %get3A_1024 : vector<1x1xf32> to vector<1x2xf32>
    %add3A_1026 = arith.addf %dot_general3A_945, %add3A_1025 : vector<1x2xf32>
    %swap3A_1027 = arith.constant 7 : index
    %swap3A_1028 = arith.constant 0 : index
    %swap3A_1029 = arith.constant 0 : index
    %swap3A_1030 = vector.load %arg11[%swap3A_1027, %swap3A_1028, %swap3A_1029] : memref<8x1x2xf32, #tpu.memory_space<vmem>>, vector<1x1x2xf32>
    %swap3A_1031 = vector.shape_cast %swap3A_1030 : vector<1x1x2xf32> to vector<1x2xf32>
    %swap3A_1032 = vector.shape_cast %add3A_1026 : vector<1x2xf32> to vector<1x1x2xf32>
    tpu.vector_store %arg11[%swap3A_1027, %swap3A_1028, %swap3A_1029], %swap3A_1032 {strides = array<i32>} : memref<8x1x2xf32, #tpu.memory_space<vmem>>, vector<1x1x2xf32>,
    return
  }
  func.func @transform_0(%arg0: i32) -> (i32, i32, i32) {
    %c0_i32 = arith.constant 0 : i32
    %c0_i32_0 = arith.constant 0 : i32
    %c0_i32_1 = arith.constant 0 : i32
    return %arg0, %c0_i32, %c0_i32_0 : i32, i32, i32
  }
  func.func @transform_1(%arg0: i32) -> (i32, i32, i32) {
    %add3A = arith.constant 0 : i32
    %add3A_0 = arith.addi %arg0, %add3A : i32
    %c0_i32 = arith.constant 0 : i32
    %c0_i32_1 = arith.constant 0 : i32
    %c0_i32_2 = arith.constant 0 : i32
    return %add3A_0, %c0_i32, %c0_i32_1 : i32, i32, i32
  }
  func.func @transform_2(%arg0: i32) -> (i32, i32) {
    %c0_i32 = arith.constant 0 : i32
    %c0_i32_0 = arith.constant 0 : i32
    %c0_i32_1 = arith.constant 0 : i32
    return %c0_i32, %c0_i32_0 : i32, i32
  }
  func.func @transform_3(%arg0: i32) -> (i32, i32) {
    %c0_i32 = arith.constant 0 : i32
    %c0_i32_0 = arith.constant 0 : i32
    %c0_i32_1 = arith.constant 0 : i32
    return %c0_i32, %c0_i32_0 : i32, i32
  }
  func.func @transform_4(%arg0: i32) -> (i32, i32) {
    %c0_i32 = arith.constant 0 : i32
    %c0_i32_0 = arith.constant 0 : i32
    %c0_i32_1 = arith.constant 0 : i32
    return %c0_i32, %c0_i32_0 : i32, i32
  }
  func.func @transform_5(%arg0: i32) -> (i32, i32) {
    %c0_i32 = arith.constant 0 : i32
    %c0_i32_0 = arith.constant 0 : i32
    %c0_i32_1 = arith.constant 0 : i32
    return %c0_i32, %c0_i32_0 : i32, i32
  }
  func.func @transform_6(%arg0: i32) -> (i32, i32) {
    %c0_i32 = arith.constant 0 : i32
    %c0_i32_0 = arith.constant 0 : i32
    %c0_i32_1 = arith.constant 0 : i32
    return %c0_i32, %c0_i32_0 : i32, i32
  }
  func.func @transform_7(%arg0: i32) -> (i32, i32) {
    %c0_i32 = arith.constant 0 : i32
    %c0_i32_0 = arith.constant 0 : i32
    %c0_i32_1 = arith.constant 0 : i32
    return %c0_i32, %c0_i32_0 : i32, i32
  }
  func.func @transform_8(%arg0: i32) -> (i32, i32) {
    %c0_i32 = arith.constant 0 : i32
    %c0_i32_0 = arith.constant 0 : i32
    %c0_i32_1 = arith.constant 0 : i32
    return %c0_i32, %c0_i32_0 : i32, i32
  }
  func.func @transform_9(%arg0: i32) -> (i32, i32) {
    %c0_i32 = arith.constant 0 : i32
    %c0_i32_0 = arith.constant 0 : i32
    %c0_i32_1 = arith.constant 0 : i32
    return %c0_i32, %c0_i32_0 : i32, i32
  }
  func.func @transform_10(%arg0: i32) -> (i32, i32, i32) {
    %c0_i32 = arith.constant 0 : i32
    %c0_i32_0 = arith.constant 0 : i32
    %c0_i32_1 = arith.constant 0 : i32
    return %arg0, %c0_i32, %c0_i32_0 : i32, i32, i32
  }
}

module attributes {stable_mosaic.version = 14 : i64} {
  func.func @_tc_body(%arg0: i32, %arg1: memref<8x268x268xf32, #tpu.memory_space<vmem>>, %arg2: memref<8x268x268xf32, #tpu.memory_space<vmem>>, %arg3: memref<268x48xf32, #tpu.memory_space<vmem>>, %arg4: memref<1x16xf32, #tpu.memory_space<vmem>>, %arg5: memref<16x6xf32, #tpu.memory_space<vmem>>, %arg6: memref<1x2xf32, #tpu.memory_space<vmem>>, %arg7: memref<268x50xf32, #tpu.memory_space<vmem>>, %arg8: memref<1x50xf32, #tpu.memory_space<vmem>>, %arg9: memref<50x1xf32, #tpu.memory_space<vmem>>, %arg10: memref<1x1xf32, #tpu.memory_space<vmem>>, %arg11: memref<8x1x2xf32, #tpu.memory_space<vmem>>) attributes {dimension_semantics = [#tpu.dimension_semantics<arbitrary>], iteration_bounds = array<i64: 4>, scalar_prefetch = 0 : i64, scratch_operands = 0 : i64, tpu.core_type = #tpu.core_type<tc>, window_params = [{transform_indices = @transform_0, window_bounds = array<i64: 8, 268, 268>}, {transform_indices = @transform_1, window_bounds = array<i64: 8, 268, 268>}, {pipeline_mode = #tpu.pipeline_mode<synchronous>, transform_indices = @transform_2, window_bounds = array<i64: 268, 48>}, {pipeline_mode = #tpu.pipeline_mode<synchronous>, transform_indices = @transform_3, window_bounds = array<i64: 1, 16>}, {pipeline_mode = #tpu.pipeline_mode<synchronous>, transform_indices = @transform_4, window_bounds = array<i64: 16, 6>}, {pipeline_mode = #tpu.pipeline_mode<synchronous>, transform_indices = @transform_5, window_bounds = array<i64: 1, 2>}, {pipeline_mode = #tpu.pipeline_mode<synchronous>, transform_indices = @transform_6, window_bounds = array<i64: 268, 50>}, {pipeline_mode = #tpu.pipeline_mode<synchronous>, transform_indices = @transform_7, window_bounds = array<i64: 1, 50>}, {pipeline_mode = #tpu.pipeline_mode<synchronous>, transform_indices = @transform_8, window_bounds = array<i64: 50, 1>}, {pipeline_mode = #tpu.pipeline_mode<synchronous>, transform_indices = @transform_9, window_bounds = array<i64: 1, 1>}, {transform_indices = @transform_10, window_bounds = array<i64: 8, 1, 2>}]} {
    %get3A = arith.constant 0 : index
    %get3A_0 = arith.constant 0 : index
    %get3A_1 = arith.constant 0 : index
    %get3A_2 = vector.load %arg1[%get3A, %get3A_0, %get3A_1] : memref<8x268x268xf32, #tpu.memory_space<vmem>>, vector<1x268x268xf32>
    %get3A_3 = vector.shape_cast %get3A_2 : vector<1x268x268xf32> to vector<268x268xf32>
    %get3A_4 = arith.constant 1 : index
    %get3A_5 = arith.constant 0 : index
    %get3A_6 = arith.constant 0 : index
    %get3A_7 = vector.load %arg1[%get3A_4, %get3A_5, %get3A_6] : memref<8x268x268xf32, #tpu.memory_space<vmem>>, vector<1x268x268xf32>
    %get3A_8 = vector.shape_cast %get3A_7 : vector<1x268x268xf32> to vector<268x268xf32>
    %get3A_9 = arith.constant 2 : index
    %get3A_10 = arith.constant 0 : index
    %get3A_11 = arith.constant 0 : index
    %get3A_12 = vector.load %arg1[%get3A_9, %get3A_10, %get3A_11] : memref<8x268x268xf32, #tpu.memory_space<vmem>>, vector<1x268x268xf32>
    %get3A_13 = vector.shape_cast %get3A_12 : vector<1x268x268xf32> to vector<268x268xf32>
    %get3A_14 = arith.constant 3 : index
    %get3A_15 = arith.constant 0 : index
    %get3A_16 = arith.constant 0 : index
    %get3A_17 = vector.load %arg1[%get3A_14, %get3A_15, %get3A_16] : memref<8x268x268xf32, #tpu.memory_space<vmem>>, vector<1x268x268xf32>
    %get3A_18 = vector.shape_cast %get3A_17 : vector<1x268x268xf32> to vector<268x268xf32>
    %get3A_19 = arith.constant 4 : index
    %get3A_20 = arith.constant 0 : index
    %get3A_21 = arith.constant 0 : index
    %get3A_22 = vector.load %arg1[%get3A_19, %get3A_20, %get3A_21] : memref<8x268x268xf32, #tpu.memory_space<vmem>>, vector<1x268x268xf32>
    %get3A_23 = vector.shape_cast %get3A_22 : vector<1x268x268xf32> to vector<268x268xf32>
    %get3A_24 = arith.constant 5 : index
    %get3A_25 = arith.constant 0 : index
    %get3A_26 = arith.constant 0 : index
    %get3A_27 = vector.load %arg1[%get3A_24, %get3A_25, %get3A_26] : memref<8x268x268xf32, #tpu.memory_space<vmem>>, vector<1x268x268xf32>
    %get3A_28 = vector.shape_cast %get3A_27 : vector<1x268x268xf32> to vector<268x268xf32>
    %get3A_29 = arith.constant 6 : index
    %get3A_30 = arith.constant 0 : index
    %get3A_31 = arith.constant 0 : index
    %get3A_32 = vector.load %arg1[%get3A_29, %get3A_30, %get3A_31] : memref<8x268x268xf32, #tpu.memory_space<vmem>>, vector<1x268x268xf32>
    %get3A_33 = vector.shape_cast %get3A_32 : vector<1x268x268xf32> to vector<268x268xf32>
    %get3A_34 = arith.constant 7 : index
    %get3A_35 = arith.constant 0 : index
    %get3A_36 = arith.constant 0 : index
    %get3A_37 = vector.load %arg1[%get3A_34, %get3A_35, %get3A_36] : memref<8x268x268xf32, #tpu.memory_space<vmem>>, vector<1x268x268xf32>
    %get3A_38 = vector.shape_cast %get3A_37 : vector<1x268x268xf32> to vector<268x268xf32>
    %get3A_39 = arith.constant 0 : index
    %get3A_40 = arith.constant 0 : index
    %get3A_41 = arith.constant 0 : index
    %get3A_42 = vector.load %arg2[%get3A_39, %get3A_40, %get3A_41] : memref<8x268x268xf32, #tpu.memory_space<vmem>>, vector<1x268x268xf32>
    %get3A_43 = vector.shape_cast %get3A_42 : vector<1x268x268xf32> to vector<268x268xf32>
    %get3A_44 = arith.constant 1 : index
    %get3A_45 = arith.constant 0 : index
    %get3A_46 = arith.constant 0 : index
    %get3A_47 = vector.load %arg2[%get3A_44, %get3A_45, %get3A_46] : memref<8x268x268xf32, #tpu.memory_space<vmem>>, vector<1x268x268xf32>
    %get3A_48 = vector.shape_cast %get3A_47 : vector<1x268x268xf32> to vector<268x268xf32>
    %get3A_49 = arith.constant 2 : index
    %get3A_50 = arith.constant 0 : index
    %get3A_51 = arith.constant 0 : index
    %get3A_52 = vector.load %arg2[%get3A_49, %get3A_50, %get3A_51] : memref<8x268x268xf32, #tpu.memory_space<vmem>>, vector<1x268x268xf32>
    %get3A_53 = vector.shape_cast %get3A_52 : vector<1x268x268xf32> to vector<268x268xf32>
    %get3A_54 = arith.constant 3 : index
    %get3A_55 = arith.constant 0 : index
    %get3A_56 = arith.constant 0 : index
    %get3A_57 = vector.load %arg2[%get3A_54, %get3A_55, %get3A_56] : memref<8x268x268xf32, #tpu.memory_space<vmem>>, vector<1x268x268xf32>
    %get3A_58 = vector.shape_cast %get3A_57 : vector<1x268x268xf32> to vector<268x268xf32>
    %get3A_59 = arith.constant 4 : index
    %get3A_60 = arith.constant 0 : index
    %get3A_61 = arith.constant 0 : index
    %get3A_62 = vector.load %arg2[%get3A_59, %get3A_60, %get3A_61] : memref<8x268x268xf32, #tpu.memory_space<vmem>>, vector<1x268x268xf32>
    %get3A_63 = vector.shape_cast %get3A_62 : vector<1x268x268xf32> to vector<268x268xf32>
    %get3A_64 = arith.constant 5 : index
    %get3A_65 = arith.constant 0 : index
    %get3A_66 = arith.constant 0 : index
    %get3A_67 = vector.load %arg2[%get3A_64, %get3A_65, %get3A_66] : memref<8x268x268xf32, #tpu.memory_space<vmem>>, vector<1x268x268xf32>
    %get3A_68 = vector.shape_cast %get3A_67 : vector<1x268x268xf32> to vector<268x268xf32>
    %get3A_69 = arith.constant 6 : index
    %get3A_70 = arith.constant 0 : index
    %get3A_71 = arith.constant 0 : index
    %get3A_72 = vector.load %arg2[%get3A_69, %get3A_70, %get3A_71] : memref<8x268x268xf32, #tpu.memory_space<vmem>>, vector<1x268x268xf32>
    %get3A_73 = vector.shape_cast %get3A_72 : vector<1x268x268xf32> to vector<268x268xf32>
    %get3A_74 = arith.constant 7 : index
    %get3A_75 = arith.constant 0 : index
    %get3A_76 = arith.constant 0 : index
    %get3A_77 = vector.load %arg2[%get3A_74, %get3A_75, %get3A_76] : memref<8x268x268xf32, #tpu.memory_space<vmem>>, vector<1x268x268xf32>
    %get3A_78 = vector.shape_cast %get3A_77 : vector<1x268x268xf32> to vector<268x268xf32>
    %reduce_sum3A = arith.constant dense<0.000000e+00> : vector<268xf32>
    %reduce_sum3A_79 = vector.multi_reduction <add>, %get3A_3, %reduce_sum3A [1] : vector<268x268xf32> to vector<268xf32>
    %broadcast_in_dim3A = vector.shape_cast %reduce_sum3A_79 : vector<268xf32> to vector<268x1xf32>
    %gt3A = arith.constant 0.000000e+00 : f32
    %gt3A_80 = vector.broadcast %gt3A : f32 to vector<268x1xf32>
    %gt3A_81 = arith.cmpf ogt, %broadcast_in_dim3A, %gt3A_80 : vector<268x1xf32>
    %jit3A = arith.constant 1.000000e+00 : f32
    %broadcast_in_dim3A_82 = vector.broadcast %jit3A : f32 to vector<268x1xf32>
    %select_n3A = arith.select %gt3A_81, %broadcast_in_dim3A, %broadcast_in_dim3A_82 : vector<268x1xi1>, vector<268x1xf32>
    %rsqrt3A = math.rsqrt %select_n3A : vector<268x1xf32>
    %jit3A_83 = arith.constant 0.000000e+00 : f32
    %broadcast_in_dim3A_84 = vector.broadcast %jit3A_83 : f32 to vector<268x1xf32>
    %select_n3A_85 = arith.select %gt3A_81, %rsqrt3A, %broadcast_in_dim3A_84 : vector<268x1xi1>, vector<268x1xf32>
    %reduce_sum3A_86 = arith.constant dense<0.000000e+00> : vector<268xf32>
    %reduce_sum3A_87 = vector.multi_reduction <add>, %get3A_8, %reduce_sum3A_86 [1] : vector<268x268xf32> to vector<268xf32>
    %broadcast_in_dim3A_88 = vector.shape_cast %reduce_sum3A_87 : vector<268xf32> to vector<268x1xf32>
    %gt3A_89 = arith.constant 0.000000e+00 : f32
    %gt3A_90 = vector.broadcast %gt3A_89 : f32 to vector<268x1xf32>
    %gt3A_91 = arith.cmpf ogt, %broadcast_in_dim3A_88, %gt3A_90 : vector<268x1xf32>
    %jit3A_92 = arith.constant 1.000000e+00 : f32
    %broadcast_in_dim3A_93 = vector.broadcast %jit3A_92 : f32 to vector<268x1xf32>
    %select_n3A_94 = arith.select %gt3A_91, %broadcast_in_dim3A_88, %broadcast_in_dim3A_93 : vector<268x1xi1>, vector<268x1xf32>
    %rsqrt3A_95 = math.rsqrt %select_n3A_94 : vector<268x1xf32>
    %jit3A_96 = arith.constant 0.000000e+00 : f32
    %broadcast_in_dim3A_97 = vector.broadcast %jit3A_96 : f32 to vector<268x1xf32>
    %select_n3A_98 = arith.select %gt3A_91, %rsqrt3A_95, %broadcast_in_dim3A_97 : vector<268x1xi1>, vector<268x1xf32>
    %reduce_sum3A_99 = arith.constant dense<0.000000e+00> : vector<268xf32>
    %reduce_sum3A_100 = vector.multi_reduction <add>, %get3A_13, %reduce_sum3A_99 [1] : vector<268x268xf32> to vector<268xf32>
    %broadcast_in_dim3A_101 = vector.shape_cast %reduce_sum3A_100 : vector<268xf32> to vector<268x1xf32>
    %gt3A_102 = arith.constant 0.000000e+00 : f32
    %gt3A_103 = vector.broadcast %gt3A_102 : f32 to vector<268x1xf32>
    %gt3A_104 = arith.cmpf ogt, %broadcast_in_dim3A_101, %gt3A_103 : vector<268x1xf32>
    %jit3A_105 = arith.constant 1.000000e+00 : f32
    %broadcast_in_dim3A_106 = vector.broadcast %jit3A_105 : f32 to vector<268x1xf32>
    %select_n3A_107 = arith.select %gt3A_104, %broadcast_in_dim3A_101, %broadcast_in_dim3A_106 : vector<268x1xi1>, vector<268x1xf32>
    %rsqrt3A_108 = math.rsqrt %select_n3A_107 : vector<268x1xf32>
    %jit3A_109 = arith.constant 0.000000e+00 : f32
    %broadcast_in_dim3A_110 = vector.broadcast %jit3A_109 : f32 to vector<268x1xf32>
    %select_n3A_111 = arith.select %gt3A_104, %rsqrt3A_108, %broadcast_in_dim3A_110 : vector<268x1xi1>, vector<268x1xf32>
    %reduce_sum3A_112 = arith.constant dense<0.000000e+00> : vector<268xf32>
    %reduce_sum3A_113 = vector.multi_reduction <add>, %get3A_18, %reduce_sum3A_112 [1] : vector<268x268xf32> to vector<268xf32>
    %broadcast_in_dim3A_114 = vector.shape_cast %reduce_sum3A_113 : vector<268xf32> to vector<268x1xf32>
    %gt3A_115 = arith.constant 0.000000e+00 : f32
    %gt3A_116 = vector.broadcast %gt3A_115 : f32 to vector<268x1xf32>
    %gt3A_117 = arith.cmpf ogt, %broadcast_in_dim3A_114, %gt3A_116 : vector<268x1xf32>
    %jit3A_118 = arith.constant 1.000000e+00 : f32
    %broadcast_in_dim3A_119 = vector.broadcast %jit3A_118 : f32 to vector<268x1xf32>
    %select_n3A_120 = arith.select %gt3A_117, %broadcast_in_dim3A_114, %broadcast_in_dim3A_119 : vector<268x1xi1>, vector<268x1xf32>
    %rsqrt3A_121 = math.rsqrt %select_n3A_120 : vector<268x1xf32>
    %jit3A_122 = arith.constant 0.000000e+00 : f32
    %broadcast_in_dim3A_123 = vector.broadcast %jit3A_122 : f32 to vector<268x1xf32>
    %select_n3A_124 = arith.select %gt3A_117, %rsqrt3A_121, %broadcast_in_dim3A_123 : vector<268x1xi1>, vector<268x1xf32>
    %reduce_sum3A_125 = arith.constant dense<0.000000e+00> : vector<268xf32>
    %reduce_sum3A_126 = vector.multi_reduction <add>, %get3A_23, %reduce_sum3A_125 [1] : vector<268x268xf32> to vector<268xf32>
    %broadcast_in_dim3A_127 = vector.shape_cast %reduce_sum3A_126 : vector<268xf32> to vector<268x1xf32>
    %gt3A_128 = arith.constant 0.000000e+00 : f32
    %gt3A_129 = vector.broadcast %gt3A_128 : f32 to vector<268x1xf32>
    %gt3A_130 = arith.cmpf ogt, %broadcast_in_dim3A_127, %gt3A_129 : vector<268x1xf32>
    %jit3A_131 = arith.constant 1.000000e+00 : f32
    %broadcast_in_dim3A_132 = vector.broadcast %jit3A_131 : f32 to vector<268x1xf32>
    %select_n3A_133 = arith.select %gt3A_130, %broadcast_in_dim3A_127, %broadcast_in_dim3A_132 : vector<268x1xi1>, vector<268x1xf32>
    %rsqrt3A_134 = math.rsqrt %select_n3A_133 : vector<268x1xf32>
    %jit3A_135 = arith.constant 0.000000e+00 : f32
    %broadcast_in_dim3A_136 = vector.broadcast %jit3A_135 : f32 to vector<268x1xf32>
    %select_n3A_137 = arith.select %gt3A_130, %rsqrt3A_134, %broadcast_in_dim3A_136 : vector<268x1xi1>, vector<268x1xf32>
    %reduce_sum3A_138 = arith.constant dense<0.000000e+00> : vector<268xf32>
    %reduce_sum3A_139 = vector.multi_reduction <add>, %get3A_28, %reduce_sum3A_138 [1] : vector<268x268xf32> to vector<268xf32>
    %broadcast_in_dim3A_140 = vector.shape_cast %reduce_sum3A_139 : vector<268xf32> to vector<268x1xf32>
    %gt3A_141 = arith.constant 0.000000e+00 : f32
    %gt3A_142 = vector.broadcast %gt3A_141 : f32 to vector<268x1xf32>
    %gt3A_143 = arith.cmpf ogt, %broadcast_in_dim3A_140, %gt3A_142 : vector<268x1xf32>
    %jit3A_144 = arith.constant 1.000000e+00 : f32
    %broadcast_in_dim3A_145 = vector.broadcast %jit3A_144 : f32 to vector<268x1xf32>
    %select_n3A_146 = arith.select %gt3A_143, %broadcast_in_dim3A_140, %broadcast_in_dim3A_145 : vector<268x1xi1>, vector<268x1xf32>
    %rsqrt3A_147 = math.rsqrt %select_n3A_146 : vector<268x1xf32>
    %jit3A_148 = arith.constant 0.000000e+00 : f32
    %broadcast_in_dim3A_149 = vector.broadcast %jit3A_148 : f32 to vector<268x1xf32>
    %select_n3A_150 = arith.select %gt3A_143, %rsqrt3A_147, %broadcast_in_dim3A_149 : vector<268x1xi1>, vector<268x1xf32>
    %reduce_sum3A_151 = arith.constant dense<0.000000e+00> : vector<268xf32>
    %reduce_sum3A_152 = vector.multi_reduction <add>, %get3A_33, %reduce_sum3A_151 [1] : vector<268x268xf32> to vector<268xf32>
    %broadcast_in_dim3A_153 = vector.shape_cast %reduce_sum3A_152 : vector<268xf32> to vector<268x1xf32>
    %gt3A_154 = arith.constant 0.000000e+00 : f32
    %gt3A_155 = vector.broadcast %gt3A_154 : f32 to vector<268x1xf32>
    %gt3A_156 = arith.cmpf ogt, %broadcast_in_dim3A_153, %gt3A_155 : vector<268x1xf32>
    %jit3A_157 = arith.constant 1.000000e+00 : f32
    %broadcast_in_dim3A_158 = vector.broadcast %jit3A_157 : f32 to vector<268x1xf32>
    %select_n3A_159 = arith.select %gt3A_156, %broadcast_in_dim3A_153, %broadcast_in_dim3A_158 : vector<268x1xi1>, vector<268x1xf32>
    %rsqrt3A_160 = math.rsqrt %select_n3A_159 : vector<268x1xf32>
    %jit3A_161 = arith.constant 0.000000e+00 : f32
    %broadcast_in_dim3A_162 = vector.broadcast %jit3A_161 : f32 to vector<268x1xf32>
    %select_n3A_163 = arith.select %gt3A_156, %rsqrt3A_160, %broadcast_in_dim3A_162 : vector<268x1xi1>, vector<268x1xf32>
    %reduce_sum3A_164 = arith.constant dense<0.000000e+00> : vector<268xf32>
    %reduce_sum3A_165 = vector.multi_reduction <add>, %get3A_38, %reduce_sum3A_164 [1] : vector<268x268xf32> to vector<268xf32>
    %broadcast_in_dim3A_166 = vector.shape_cast %reduce_sum3A_165 : vector<268xf32> to vector<268x1xf32>
    %gt3A_167 = arith.constant 0.000000e+00 : f32
    %gt3A_168 = vector.broadcast %gt3A_167 : f32 to vector<268x1xf32>
    %gt3A_169 = arith.cmpf ogt, %broadcast_in_dim3A_166, %gt3A_168 : vector<268x1xf32>
    %jit3A_170 = arith.constant 1.000000e+00 : f32
    %broadcast_in_dim3A_171 = vector.broadcast %jit3A_170 : f32 to vector<268x1xf32>
    %select_n3A_172 = arith.select %gt3A_169, %broadcast_in_dim3A_166, %broadcast_in_dim3A_171 : vector<268x1xi1>, vector<268x1xf32>
    %rsqrt3A_173 = math.rsqrt %select_n3A_172 : vector<268x1xf32>
    %jit3A_174 = arith.constant 0.000000e+00 : f32
    %broadcast_in_dim3A_175 = vector.broadcast %jit3A_174 : f32 to vector<268x1xf32>
    %select_n3A_176 = arith.select %gt3A_169, %rsqrt3A_173, %broadcast_in_dim3A_175 : vector<268x1xi1>, vector<268x1xf32>
    %get3A_177 = arith.constant 0 : index
    %get3A_178 = arith.constant 0 : index
    %get3A_179 = vector.load %arg3[%get3A_177, %get3A_178] : memref<268x48xf32, #tpu.memory_space<vmem>>, vector<268x48xf32>
    %dot_general3A = arith.constant dense<0.000000e+00> : vector<268x48xf32>
    %dot_general3A_180 = tpu.matmul %get3A_43, %get3A_179, %dot_general3A {dimension_numbers = #tpu.dot_dimension_numbers<[1], [0], [0], [1], [0, 0, 1, 1], [], []>, transpose_lhs_hint = false} : vector<268x268xf32>, vector<268x48xf32>, vector<268x48xf32> -> vector<268x48xf32>
    %get3A_181 = arith.constant 0 : index
    %get3A_182 = arith.constant 0 : index
    %get3A_183 = vector.load %arg3[%get3A_181, %get3A_182] : memref<268x48xf32, #tpu.memory_space<vmem>>, vector<268x48xf32>
    %dot_general3A_184 = arith.constant dense<0.000000e+00> : vector<268x48xf32>
    %dot_general3A_185 = tpu.matmul %get3A_48, %get3A_183, %dot_general3A_184 {dimension_numbers = #tpu.dot_dimension_numbers<[1], [0], [0], [1], [0, 0, 1, 1], [], []>, transpose_lhs_hint = false} : vector<268x268xf32>, vector<268x48xf32>, vector<268x48xf32> -> vector<268x48xf32>
    %get3A_186 = arith.constant 0 : index
    %get3A_187 = arith.constant 0 : index
    %get3A_188 = vector.load %arg3[%get3A_186, %get3A_187] : memref<268x48xf32, #tpu.memory_space<vmem>>, vector<268x48xf32>
    %dot_general3A_189 = arith.constant dense<0.000000e+00> : vector<268x48xf32>
    %dot_general3A_190 = tpu.matmul %get3A_53, %get3A_188, %dot_general3A_189 {dimension_numbers = #tpu.dot_dimension_numbers<[1], [0], [0], [1], [0, 0, 1, 1], [], []>, transpose_lhs_hint = false} : vector<268x268xf32>, vector<268x48xf32>, vector<268x48xf32> -> vector<268x48xf32>
    %get3A_191 = arith.constant 0 : index
    %get3A_192 = arith.constant 0 : index
    %get3A_193 = vector.load %arg3[%get3A_191, %get3A_192] : memref<268x48xf32, #tpu.memory_space<vmem>>, vector<268x48xf32>
    %dot_general3A_194 = arith.constant dense<0.000000e+00> : vector<268x48xf32>
    %dot_general3A_195 = tpu.matmul %get3A_58, %get3A_193, %dot_general3A_194 {dimension_numbers = #tpu.dot_dimension_numbers<[1], [0], [0], [1], [0, 0, 1, 1], [], []>, transpose_lhs_hint = false} : vector<268x268xf32>, vector<268x48xf32>, vector<268x48xf32> -> vector<268x48xf32>
    %get3A_196 = arith.constant 0 : index
    %get3A_197 = arith.constant 0 : index
    %get3A_198 = vector.load %arg3[%get3A_196, %get3A_197] : memref<268x48xf32, #tpu.memory_space<vmem>>, vector<268x48xf32>
    %dot_general3A_199 = arith.constant dense<0.000000e+00> : vector<268x48xf32>
    %dot_general3A_200 = tpu.matmul %get3A_63, %get3A_198, %dot_general3A_199 {dimension_numbers = #tpu.dot_dimension_numbers<[1], [0], [0], [1], [0, 0, 1, 1], [], []>, transpose_lhs_hint = false} : vector<268x268xf32>, vector<268x48xf32>, vector<268x48xf32> -> vector<268x48xf32>
    %get3A_201 = arith.constant 0 : index
    %get3A_202 = arith.constant 0 : index
    %get3A_203 = vector.load %arg3[%get3A_201, %get3A_202] : memref<268x48xf32, #tpu.memory_space<vmem>>, vector<268x48xf32>
    %dot_general3A_204 = arith.constant dense<0.000000e+00> : vector<268x48xf32>
    %dot_general3A_205 = tpu.matmul %get3A_68, %get3A_203, %dot_general3A_204 {dimension_numbers = #tpu.dot_dimension_numbers<[1], [0], [0], [1], [0, 0, 1, 1], [], []>, transpose_lhs_hint = false} : vector<268x268xf32>, vector<268x48xf32>, vector<268x48xf32> -> vector<268x48xf32>
    %get3A_206 = arith.constant 0 : index
    %get3A_207 = arith.constant 0 : index
    %get3A_208 = vector.load %arg3[%get3A_206, %get3A_207] : memref<268x48xf32, #tpu.memory_space<vmem>>, vector<268x48xf32>
    %dot_general3A_209 = arith.constant dense<0.000000e+00> : vector<268x48xf32>
    %dot_general3A_210 = tpu.matmul %get3A_73, %get3A_208, %dot_general3A_209 {dimension_numbers = #tpu.dot_dimension_numbers<[1], [0], [0], [1], [0, 0, 1, 1], [], []>, transpose_lhs_hint = false} : vector<268x268xf32>, vector<268x48xf32>, vector<268x48xf32> -> vector<268x48xf32>
    %get3A_211 = arith.constant 0 : index
    %get3A_212 = arith.constant 0 : index
    %get3A_213 = vector.load %arg3[%get3A_211, %get3A_212] : memref<268x48xf32, #tpu.memory_space<vmem>>, vector<268x48xf32>
    %dot_general3A_214 = arith.constant dense<0.000000e+00> : vector<268x48xf32>
    %dot_general3A_215 = tpu.matmul %get3A_78, %get3A_213, %dot_general3A_214 {dimension_numbers = #tpu.dot_dimension_numbers<[1], [0], [0], [1], [0, 0, 1, 1], [], []>, transpose_lhs_hint = false} : vector<268x268xf32>, vector<268x48xf32>, vector<268x48xf32> -> vector<268x48xf32>
    %slice3A = vector.extract_strided_slice %dot_general3A_180 {offsets = [0, 32], sizes = [268, 16], strides = [1, 1]} : vector<268x48xf32> to vector<268x16xf32>
    %neg3A = arith.constant 0.000000e+00 : f32
    %neg3A_216 = vector.broadcast %neg3A : f32 to vector<268x1xf32>
    %neg3A_217 = arith.subf %neg3A_216, %select_n3A_85 : vector<268x1xf32>
    %mul3A = vector.broadcast %select_n3A_85 : vector<268x1xf32> to vector<268x16xf32>
    %mul3A_218 = arith.mulf %mul3A, %slice3A : vector<268x16xf32>
    %dot_general3A_219 = arith.constant dense<0.000000e+00> : vector<268x16xf32>
    %dot_general3A_220 = tpu.matmul %get3A_3, %mul3A_218, %dot_general3A_219 {dimension_numbers = #tpu.dot_dimension_numbers<[0], [0], [1], [1], [0, 1, 1, 1], [], []>, transpose_lhs_hint = false} : vector<268x268xf32>, vector<268x16xf32>, vector<268x16xf32> -> vector<268x16xf32>
    %mul3A_221 = vector.broadcast %neg3A_217 : vector<268x1xf32> to vector<268x16xf32>
    %mul3A_222 = arith.mulf %mul3A_221, %dot_general3A_220 : vector<268x16xf32>
    %slice3A_223 = vector.extract_strided_slice %dot_general3A_185 {offsets = [0, 32], sizes = [268, 16], strides = [1, 1]} : vector<268x48xf32> to vector<268x16xf32>
    %neg3A_224 = arith.constant 0.000000e+00 : f32
    %neg3A_225 = vector.broadcast %neg3A_224 : f32 to vector<268x1xf32>
    %neg3A_226 = arith.subf %neg3A_225, %select_n3A_98 : vector<268x1xf32>
    %mul3A_227 = vector.broadcast %select_n3A_98 : vector<268x1xf32> to vector<268x16xf32>
    %mul3A_228 = arith.mulf %mul3A_227, %slice3A_223 : vector<268x16xf32>
    %dot_general3A_229 = arith.constant dense<0.000000e+00> : vector<268x16xf32>
    %dot_general3A_230 = tpu.matmul %get3A_8, %mul3A_228, %dot_general3A_229 {dimension_numbers = #tpu.dot_dimension_numbers<[0], [0], [1], [1], [0, 1, 1, 1], [], []>, transpose_lhs_hint = false} : vector<268x268xf32>, vector<268x16xf32>, vector<268x16xf32> -> vector<268x16xf32>
    %mul3A_231 = vector.broadcast %neg3A_226 : vector<268x1xf32> to vector<268x16xf32>
    %mul3A_232 = arith.mulf %mul3A_231, %dot_general3A_230 : vector<268x16xf32>
    %slice3A_233 = vector.extract_strided_slice %dot_general3A_190 {offsets = [0, 32], sizes = [268, 16], strides = [1, 1]} : vector<268x48xf32> to vector<268x16xf32>
    %neg3A_234 = arith.constant 0.000000e+00 : f32
    %neg3A_235 = vector.broadcast %neg3A_234 : f32 to vector<268x1xf32>
    %neg3A_236 = arith.subf %neg3A_235, %select_n3A_111 : vector<268x1xf32>
    %mul3A_237 = vector.broadcast %select_n3A_111 : vector<268x1xf32> to vector<268x16xf32>
    %mul3A_238 = arith.mulf %mul3A_237, %slice3A_233 : vector<268x16xf32>
    %dot_general3A_239 = arith.constant dense<0.000000e+00> : vector<268x16xf32>
    %dot_general3A_240 = tpu.matmul %get3A_13, %mul3A_238, %dot_general3A_239 {dimension_numbers = #tpu.dot_dimension_numbers<[0], [0], [1], [1], [0, 1, 1, 1], [], []>, transpose_lhs_hint = false} : vector<268x268xf32>, vector<268x16xf32>, vector<268x16xf32> -> vector<268x16xf32>
    %mul3A_241 = vector.broadcast %neg3A_236 : vector<268x1xf32> to vector<268x16xf32>
    %mul3A_242 = arith.mulf %mul3A_241, %dot_general3A_240 : vector<268x16xf32>
    %slice3A_243 = vector.extract_strided_slice %dot_general3A_195 {offsets = [0, 32], sizes = [268, 16], strides = [1, 1]} : vector<268x48xf32> to vector<268x16xf32>
    %neg3A_244 = arith.constant 0.000000e+00 : f32
    %neg3A_245 = vector.broadcast %neg3A_244 : f32 to vector<268x1xf32>
    %neg3A_246 = arith.subf %neg3A_245, %select_n3A_124 : vector<268x1xf32>
    %mul3A_247 = vector.broadcast %select_n3A_124 : vector<268x1xf32> to vector<268x16xf32>
    %mul3A_248 = arith.mulf %mul3A_247, %slice3A_243 : vector<268x16xf32>
    %dot_general3A_249 = arith.constant dense<0.000000e+00> : vector<268x16xf32>
    %dot_general3A_250 = tpu.matmul %get3A_18, %mul3A_248, %dot_general3A_249 {dimension_numbers = #tpu.dot_dimension_numbers<[0], [0], [1], [1], [0, 1, 1, 1], [], []>, transpose_lhs_hint = false} : vector<268x268xf32>, vector<268x16xf32>, vector<268x16xf32> -> vector<268x16xf32>
    %mul3A_251 = vector.broadcast %neg3A_246 : vector<268x1xf32> to vector<268x16xf32>
    %mul3A_252 = arith.mulf %mul3A_251, %dot_general3A_250 : vector<268x16xf32>
    %slice3A_253 = vector.extract_strided_slice %dot_general3A_200 {offsets = [0, 32], sizes = [268, 16], strides = [1, 1]} : vector<268x48xf32> to vector<268x16xf32>
    %neg3A_254 = arith.constant 0.000000e+00 : f32
    %neg3A_255 = vector.broadcast %neg3A_254 : f32 to vector<268x1xf32>
    %neg3A_256 = arith.subf %neg3A_255, %select_n3A_137 : vector<268x1xf32>
    %mul3A_257 = vector.broadcast %select_n3A_137 : vector<268x1xf32> to vector<268x16xf32>
    %mul3A_258 = arith.mulf %mul3A_257, %slice3A_253 : vector<268x16xf32>
    %dot_general3A_259 = arith.constant dense<0.000000e+00> : vector<268x16xf32>
    %dot_general3A_260 = tpu.matmul %get3A_23, %mul3A_258, %dot_general3A_259 {dimension_numbers = #tpu.dot_dimension_numbers<[0], [0], [1], [1], [0, 1, 1, 1], [], []>, transpose_lhs_hint = false} : vector<268x268xf32>, vector<268x16xf32>, vector<268x16xf32> -> vector<268x16xf32>
    %mul3A_261 = vector.broadcast %neg3A_256 : vector<268x1xf32> to vector<268x16xf32>
    %mul3A_262 = arith.mulf %mul3A_261, %dot_general3A_260 : vector<268x16xf32>
    %slice3A_263 = vector.extract_strided_slice %dot_general3A_205 {offsets = [0, 32], sizes = [268, 16], strides = [1, 1]} : vector<268x48xf32> to vector<268x16xf32>
    %neg3A_264 = arith.constant 0.000000e+00 : f32
    %neg3A_265 = vector.broadcast %neg3A_264 : f32 to vector<268x1xf32>
    %neg3A_266 = arith.subf %neg3A_265, %select_n3A_150 : vector<268x1xf32>
    %mul3A_267 = vector.broadcast %select_n3A_150 : vector<268x1xf32> to vector<268x16xf32>
    %mul3A_268 = arith.mulf %mul3A_267, %slice3A_263 : vector<268x16xf32>
    %dot_general3A_269 = arith.constant dense<0.000000e+00> : vector<268x16xf32>
    %dot_general3A_270 = tpu.matmul %get3A_28, %mul3A_268, %dot_general3A_269 {dimension_numbers = #tpu.dot_dimension_numbers<[0], [0], [1], [1], [0, 1, 1, 1], [], []>, transpose_lhs_hint = false} : vector<268x268xf32>, vector<268x16xf32>, vector<268x16xf32> -> vector<268x16xf32>
    %mul3A_271 = vector.broadcast %neg3A_266 : vector<268x1xf32> to vector<268x16xf32>
    %mul3A_272 = arith.mulf %mul3A_271, %dot_general3A_270 : vector<268x16xf32>
    %slice3A_273 = vector.extract_strided_slice %dot_general3A_210 {offsets = [0, 32], sizes = [268, 16], strides = [1, 1]} : vector<268x48xf32> to vector<268x16xf32>
    %neg3A_274 = arith.constant 0.000000e+00 : f32
    %neg3A_275 = vector.broadcast %neg3A_274 : f32 to vector<268x1xf32>
    %neg3A_276 = arith.subf %neg3A_275, %select_n3A_163 : vector<268x1xf32>
    %mul3A_277 = vector.broadcast %select_n3A_163 : vector<268x1xf32> to vector<268x16xf32>
    %mul3A_278 = arith.mulf %mul3A_277, %slice3A_273 : vector<268x16xf32>
    %dot_general3A_279 = arith.constant dense<0.000000e+00> : vector<268x16xf32>
    %dot_general3A_280 = tpu.matmul %get3A_33, %mul3A_278, %dot_general3A_279 {dimension_numbers = #tpu.dot_dimension_numbers<[0], [0], [1], [1], [0, 1, 1, 1], [], []>, transpose_lhs_hint = false} : vector<268x268xf32>, vector<268x16xf32>, vector<268x16xf32> -> vector<268x16xf32>
    %mul3A_281 = vector.broadcast %neg3A_276 : vector<268x1xf32> to vector<268x16xf32>
    %mul3A_282 = arith.mulf %mul3A_281, %dot_general3A_280 : vector<268x16xf32>
    %slice3A_283 = vector.extract_strided_slice %dot_general3A_215 {offsets = [0, 32], sizes = [268, 16], strides = [1, 1]} : vector<268x48xf32> to vector<268x16xf32>
    %neg3A_284 = arith.constant 0.000000e+00 : f32
    %neg3A_285 = vector.broadcast %neg3A_284 : f32 to vector<268x1xf32>
    %neg3A_286 = arith.subf %neg3A_285, %select_n3A_176 : vector<268x1xf32>
    %mul3A_287 = vector.broadcast %select_n3A_176 : vector<268x1xf32> to vector<268x16xf32>
    %mul3A_288 = arith.mulf %mul3A_287, %slice3A_283 : vector<268x16xf32>
    %dot_general3A_289 = arith.constant dense<0.000000e+00> : vector<268x16xf32>
    %dot_general3A_290 = tpu.matmul %get3A_38, %mul3A_288, %dot_general3A_289 {dimension_numbers = #tpu.dot_dimension_numbers<[0], [0], [1], [1], [0, 1, 1, 1], [], []>, transpose_lhs_hint = false} : vector<268x268xf32>, vector<268x16xf32>, vector<268x16xf32> -> vector<268x16xf32>
    %mul3A_291 = vector.broadcast %neg3A_286 : vector<268x1xf32> to vector<268x16xf32>
    %mul3A_292 = arith.mulf %mul3A_291, %dot_general3A_290 : vector<268x16xf32>
    %slice3A_293 = vector.extract_strided_slice %dot_general3A_180 {offsets = [0, 16], sizes = [268, 16], strides = [1, 1]} : vector<268x48xf32> to vector<268x16xf32>
    %mul3A_294 = arith.constant 2.000000e+00 : f32
    %mul3A_295 = vector.broadcast %mul3A_294 : f32 to vector<268x16xf32>
    %mul3A_296 = arith.mulf %mul3A_295, %mul3A_222 : vector<268x16xf32>
    %add3A = arith.addf %slice3A_293, %mul3A_296 : vector<268x16xf32>
    %neg3A_297 = arith.constant 0.000000e+00 : f32
    %neg3A_298 = vector.broadcast %neg3A_297 : f32 to vector<268x1xf32>
    %neg3A_299 = arith.subf %neg3A_298, %select_n3A_85 : vector<268x1xf32>
    %mul3A_300 = vector.broadcast %select_n3A_85 : vector<268x1xf32> to vector<268x16xf32>
    %mul3A_301 = arith.mulf %mul3A_300, %add3A : vector<268x16xf32>
    %dot_general3A_302 = arith.constant dense<0.000000e+00> : vector<268x16xf32>
    %dot_general3A_303 = tpu.matmul %get3A_3, %mul3A_301, %dot_general3A_302 {dimension_numbers = #tpu.dot_dimension_numbers<[0], [0], [1], [1], [0, 1, 1, 1], [], []>, transpose_lhs_hint = false} : vector<268x268xf32>, vector<268x16xf32>, vector<268x16xf32> -> vector<268x16xf32>
    %mul3A_304 = vector.broadcast %neg3A_299 : vector<268x1xf32> to vector<268x16xf32>
    %mul3A_305 = arith.mulf %mul3A_304, %dot_general3A_303 : vector<268x16xf32>
    %slice3A_306 = vector.extract_strided_slice %dot_general3A_185 {offsets = [0, 16], sizes = [268, 16], strides = [1, 1]} : vector<268x48xf32> to vector<268x16xf32>
    %mul3A_307 = arith.constant 2.000000e+00 : f32
    %mul3A_308 = vector.broadcast %mul3A_307 : f32 to vector<268x16xf32>
    %mul3A_309 = arith.mulf %mul3A_308, %mul3A_232 : vector<268x16xf32>
    %add3A_310 = arith.addf %slice3A_306, %mul3A_309 : vector<268x16xf32>
    %neg3A_311 = arith.constant 0.000000e+00 : f32
    %neg3A_312 = vector.broadcast %neg3A_311 : f32 to vector<268x1xf32>
    %neg3A_313 = arith.subf %neg3A_312, %select_n3A_98 : vector<268x1xf32>
    %mul3A_314 = vector.broadcast %select_n3A_98 : vector<268x1xf32> to vector<268x16xf32>
    %mul3A_315 = arith.mulf %mul3A_314, %add3A_310 : vector<268x16xf32>
    %dot_general3A_316 = arith.constant dense<0.000000e+00> : vector<268x16xf32>
    %dot_general3A_317 = tpu.matmul %get3A_8, %mul3A_315, %dot_general3A_316 {dimension_numbers = #tpu.dot_dimension_numbers<[0], [0], [1], [1], [0, 1, 1, 1], [], []>, transpose_lhs_hint = false} : vector<268x268xf32>, vector<268x16xf32>, vector<268x16xf32> -> vector<268x16xf32>
    %mul3A_318 = vector.broadcast %neg3A_313 : vector<268x1xf32> to vector<268x16xf32>
    %mul3A_319 = arith.mulf %mul3A_318, %dot_general3A_317 : vector<268x16xf32>
    %slice3A_320 = vector.extract_strided_slice %dot_general3A_190 {offsets = [0, 16], sizes = [268, 16], strides = [1, 1]} : vector<268x48xf32> to vector<268x16xf32>
    %mul3A_321 = arith.constant 2.000000e+00 : f32
    %mul3A_322 = vector.broadcast %mul3A_321 : f32 to vector<268x16xf32>
    %mul3A_323 = arith.mulf %mul3A_322, %mul3A_242 : vector<268x16xf32>
    %add3A_324 = arith.addf %slice3A_320, %mul3A_323 : vector<268x16xf32>
    %neg3A_325 = arith.constant 0.000000e+00 : f32
    %neg3A_326 = vector.broadcast %neg3A_325 : f32 to vector<268x1xf32>
    %neg3A_327 = arith.subf %neg3A_326, %select_n3A_111 : vector<268x1xf32>
    %mul3A_328 = vector.broadcast %select_n3A_111 : vector<268x1xf32> to vector<268x16xf32>
    %mul3A_329 = arith.mulf %mul3A_328, %add3A_324 : vector<268x16xf32>
    %dot_general3A_330 = arith.constant dense<0.000000e+00> : vector<268x16xf32>
    %dot_general3A_331 = tpu.matmul %get3A_13, %mul3A_329, %dot_general3A_330 {dimension_numbers = #tpu.dot_dimension_numbers<[0], [0], [1], [1], [0, 1, 1, 1], [], []>, transpose_lhs_hint = false} : vector<268x268xf32>, vector<268x16xf32>, vector<268x16xf32> -> vector<268x16xf32>
    %mul3A_332 = vector.broadcast %neg3A_327 : vector<268x1xf32> to vector<268x16xf32>
    %mul3A_333 = arith.mulf %mul3A_332, %dot_general3A_331 : vector<268x16xf32>
    %slice3A_334 = vector.extract_strided_slice %dot_general3A_195 {offsets = [0, 16], sizes = [268, 16], strides = [1, 1]} : vector<268x48xf32> to vector<268x16xf32>
    %mul3A_335 = arith.constant 2.000000e+00 : f32
    %mul3A_336 = vector.broadcast %mul3A_335 : f32 to vector<268x16xf32>
    %mul3A_337 = arith.mulf %mul3A_336, %mul3A_252 : vector<268x16xf32>
    %add3A_338 = arith.addf %slice3A_334, %mul3A_337 : vector<268x16xf32>
    %neg3A_339 = arith.constant 0.000000e+00 : f32
    %neg3A_340 = vector.broadcast %neg3A_339 : f32 to vector<268x1xf32>
    %neg3A_341 = arith.subf %neg3A_340, %select_n3A_124 : vector<268x1xf32>
    %mul3A_342 = vector.broadcast %select_n3A_124 : vector<268x1xf32> to vector<268x16xf32>
    %mul3A_343 = arith.mulf %mul3A_342, %add3A_338 : vector<268x16xf32>
    %dot_general3A_344 = arith.constant dense<0.000000e+00> : vector<268x16xf32>
    %dot_general3A_345 = tpu.matmul %get3A_18, %mul3A_343, %dot_general3A_344 {dimension_numbers = #tpu.dot_dimension_numbers<[0], [0], [1], [1], [0, 1, 1, 1], [], []>, transpose_lhs_hint = false} : vector<268x268xf32>, vector<268x16xf32>, vector<268x16xf32> -> vector<268x16xf32>
    %mul3A_346 = vector.broadcast %neg3A_341 : vector<268x1xf32> to vector<268x16xf32>
    %mul3A_347 = arith.mulf %mul3A_346, %dot_general3A_345 : vector<268x16xf32>
    %slice3A_348 = vector.extract_strided_slice %dot_general3A_200 {offsets = [0, 16], sizes = [268, 16], strides = [1, 1]} : vector<268x48xf32> to vector<268x16xf32>
    %mul3A_349 = arith.constant 2.000000e+00 : f32
    %mul3A_350 = vector.broadcast %mul3A_349 : f32 to vector<268x16xf32>
    %mul3A_351 = arith.mulf %mul3A_350, %mul3A_262 : vector<268x16xf32>
    %add3A_352 = arith.addf %slice3A_348, %mul3A_351 : vector<268x16xf32>
    %neg3A_353 = arith.constant 0.000000e+00 : f32
    %neg3A_354 = vector.broadcast %neg3A_353 : f32 to vector<268x1xf32>
    %neg3A_355 = arith.subf %neg3A_354, %select_n3A_137 : vector<268x1xf32>
    %mul3A_356 = vector.broadcast %select_n3A_137 : vector<268x1xf32> to vector<268x16xf32>
    %mul3A_357 = arith.mulf %mul3A_356, %add3A_352 : vector<268x16xf32>
    %dot_general3A_358 = arith.constant dense<0.000000e+00> : vector<268x16xf32>
    %dot_general3A_359 = tpu.matmul %get3A_23, %mul3A_357, %dot_general3A_358 {dimension_numbers = #tpu.dot_dimension_numbers<[0], [0], [1], [1], [0, 1, 1, 1], [], []>, transpose_lhs_hint = false} : vector<268x268xf32>, vector<268x16xf32>, vector<268x16xf32> -> vector<268x16xf32>
    %mul3A_360 = vector.broadcast %neg3A_355 : vector<268x1xf32> to vector<268x16xf32>
    %mul3A_361 = arith.mulf %mul3A_360, %dot_general3A_359 : vector<268x16xf32>
    %slice3A_362 = vector.extract_strided_slice %dot_general3A_205 {offsets = [0, 16], sizes = [268, 16], strides = [1, 1]} : vector<268x48xf32> to vector<268x16xf32>
    %mul3A_363 = arith.constant 2.000000e+00 : f32
    %mul3A_364 = vector.broadcast %mul3A_363 : f32 to vector<268x16xf32>
    %mul3A_365 = arith.mulf %mul3A_364, %mul3A_272 : vector<268x16xf32>
    %add3A_366 = arith.addf %slice3A_362, %mul3A_365 : vector<268x16xf32>
    %neg3A_367 = arith.constant 0.000000e+00 : f32
    %neg3A_368 = vector.broadcast %neg3A_367 : f32 to vector<268x1xf32>
    %neg3A_369 = arith.subf %neg3A_368, %select_n3A_150 : vector<268x1xf32>
    %mul3A_370 = vector.broadcast %select_n3A_150 : vector<268x1xf32> to vector<268x16xf32>
    %mul3A_371 = arith.mulf %mul3A_370, %add3A_366 : vector<268x16xf32>
    %dot_general3A_372 = arith.constant dense<0.000000e+00> : vector<268x16xf32>
    %dot_general3A_373 = tpu.matmul %get3A_28, %mul3A_371, %dot_general3A_372 {dimension_numbers = #tpu.dot_dimension_numbers<[0], [0], [1], [1], [0, 1, 1, 1], [], []>, transpose_lhs_hint = false} : vector<268x268xf32>, vector<268x16xf32>, vector<268x16xf32> -> vector<268x16xf32>
    %mul3A_374 = vector.broadcast %neg3A_369 : vector<268x1xf32> to vector<268x16xf32>
    %mul3A_375 = arith.mulf %mul3A_374, %dot_general3A_373 : vector<268x16xf32>
    %slice3A_376 = vector.extract_strided_slice %dot_general3A_210 {offsets = [0, 16], sizes = [268, 16], strides = [1, 1]} : vector<268x48xf32> to vector<268x16xf32>
    %mul3A_377 = arith.constant 2.000000e+00 : f32
    %mul3A_378 = vector.broadcast %mul3A_377 : f32 to vector<268x16xf32>
    %mul3A_379 = arith.mulf %mul3A_378, %mul3A_282 : vector<268x16xf32>
    %add3A_380 = arith.addf %slice3A_376, %mul3A_379 : vector<268x16xf32>
    %neg3A_381 = arith.constant 0.000000e+00 : f32
    %neg3A_382 = vector.broadcast %neg3A_381 : f32 to vector<268x1xf32>
    %neg3A_383 = arith.subf %neg3A_382, %select_n3A_163 : vector<268x1xf32>
    %mul3A_384 = vector.broadcast %select_n3A_163 : vector<268x1xf32> to vector<268x16xf32>
    %mul3A_385 = arith.mulf %mul3A_384, %add3A_380 : vector<268x16xf32>
    %dot_general3A_386 = arith.constant dense<0.000000e+00> : vector<268x16xf32>
    %dot_general3A_387 = tpu.matmul %get3A_33, %mul3A_385, %dot_general3A_386 {dimension_numbers = #tpu.dot_dimension_numbers<[0], [0], [1], [1], [0, 1, 1, 1], [], []>, transpose_lhs_hint = false} : vector<268x268xf32>, vector<268x16xf32>, vector<268x16xf32> -> vector<268x16xf32>
    %mul3A_388 = vector.broadcast %neg3A_383 : vector<268x1xf32> to vector<268x16xf32>
    %mul3A_389 = arith.mulf %mul3A_388, %dot_general3A_387 : vector<268x16xf32>
    %slice3A_390 = vector.extract_strided_slice %dot_general3A_215 {offsets = [0, 16], sizes = [268, 16], strides = [1, 1]} : vector<268x48xf32> to vector<268x16xf32>
    %mul3A_391 = arith.constant 2.000000e+00 : f32
    %mul3A_392 = vector.broadcast %mul3A_391 : f32 to vector<268x16xf32>
    %mul3A_393 = arith.mulf %mul3A_392, %mul3A_292 : vector<268x16xf32>
    %add3A_394 = arith.addf %slice3A_390, %mul3A_393 : vector<268x16xf32>
    %neg3A_395 = arith.constant 0.000000e+00 : f32
    %neg3A_396 = vector.broadcast %neg3A_395 : f32 to vector<268x1xf32>
    %neg3A_397 = arith.subf %neg3A_396, %select_n3A_176 : vector<268x1xf32>
    %mul3A_398 = vector.broadcast %select_n3A_176 : vector<268x1xf32> to vector<268x16xf32>
    %mul3A_399 = arith.mulf %mul3A_398, %add3A_394 : vector<268x16xf32>
    %dot_general3A_400 = arith.constant dense<0.000000e+00> : vector<268x16xf32>
    %dot_general3A_401 = tpu.matmul %get3A_38, %mul3A_399, %dot_general3A_400 {dimension_numbers = #tpu.dot_dimension_numbers<[0], [0], [1], [1], [0, 1, 1, 1], [], []>, transpose_lhs_hint = false} : vector<268x268xf32>, vector<268x16xf32>, vector<268x16xf32> -> vector<268x16xf32>
    %mul3A_402 = vector.broadcast %neg3A_397 : vector<268x1xf32> to vector<268x16xf32>
    %mul3A_403 = arith.mulf %mul3A_402, %dot_general3A_401 : vector<268x16xf32>
    %slice3A_404 = vector.extract_strided_slice %dot_general3A_180 {offsets = [0, 0], sizes = [268, 16], strides = [1, 1]} : vector<268x48xf32> to vector<268x16xf32>
    %slice3A_405 = vector.extract_strided_slice %dot_general3A_180 {offsets = [0, 32], sizes = [268, 16], strides = [1, 1]} : vector<268x48xf32> to vector<268x16xf32>
    %sub3A = arith.subf %slice3A_404, %slice3A_405 : vector<268x16xf32>
    %add3A_406 = arith.addf %sub3A, %mul3A_305 : vector<268x16xf32>
    %get3A_407 = arith.constant 0 : index
    %get3A_408 = arith.constant 0 : index
    %get3A_409 = vector.load %arg4[%get3A_407, %get3A_408] : memref<1x16xf32, #tpu.memory_space<vmem>>, vector<1x16xf32>
    %add3A_410 = vector.broadcast %get3A_409 : vector<1x16xf32> to vector<268x16xf32>
    %add3A_411 = arith.addf %add3A_406, %add3A_410 : vector<268x16xf32>
    %max3A = arith.constant 0.000000e+00 : f32
    %max3A_412 = vector.broadcast %max3A : f32 to vector<268x16xf32>
    %max3A_413 = arith.maximumf %add3A_411, %max3A_412 : vector<268x16xf32>
    %slice3A_414 = vector.extract_strided_slice %dot_general3A_185 {offsets = [0, 0], sizes = [268, 16], strides = [1, 1]} : vector<268x48xf32> to vector<268x16xf32>
    %slice3A_415 = vector.extract_strided_slice %dot_general3A_185 {offsets = [0, 32], sizes = [268, 16], strides = [1, 1]} : vector<268x48xf32> to vector<268x16xf32>
    %sub3A_416 = arith.subf %slice3A_414, %slice3A_415 : vector<268x16xf32>
    %add3A_417 = arith.addf %sub3A_416, %mul3A_319 : vector<268x16xf32>
    %get3A_418 = arith.constant 0 : index
    %get3A_419 = arith.constant 0 : index
    %get3A_420 = vector.load %arg4[%get3A_418, %get3A_419] : memref<1x16xf32, #tpu.memory_space<vmem>>, vector<1x16xf32>
    %add3A_421 = vector.broadcast %get3A_420 : vector<1x16xf32> to vector<268x16xf32>
    %add3A_422 = arith.addf %add3A_417, %add3A_421 : vector<268x16xf32>
    %max3A_423 = arith.constant 0.000000e+00 : f32
    %max3A_424 = vector.broadcast %max3A_423 : f32 to vector<268x16xf32>
    %max3A_425 = arith.maximumf %add3A_422, %max3A_424 : vector<268x16xf32>
    %slice3A_426 = vector.extract_strided_slice %dot_general3A_190 {offsets = [0, 0], sizes = [268, 16], strides = [1, 1]} : vector<268x48xf32> to vector<268x16xf32>
    %slice3A_427 = vector.extract_strided_slice %dot_general3A_190 {offsets = [0, 32], sizes = [268, 16], strides = [1, 1]} : vector<268x48xf32> to vector<268x16xf32>
    %sub3A_428 = arith.subf %slice3A_426, %slice3A_427 : vector<268x16xf32>
    %add3A_429 = arith.addf %sub3A_428, %mul3A_333 : vector<268x16xf32>
    %get3A_430 = arith.constant 0 : index
    %get3A_431 = arith.constant 0 : index
    %get3A_432 = vector.load %arg4[%get3A_430, %get3A_431] : memref<1x16xf32, #tpu.memory_space<vmem>>, vector<1x16xf32>
    %add3A_433 = vector.broadcast %get3A_432 : vector<1x16xf32> to vector<268x16xf32>
    %add3A_434 = arith.addf %add3A_429, %add3A_433 : vector<268x16xf32>
    %max3A_435 = arith.constant 0.000000e+00 : f32
    %max3A_436 = vector.broadcast %max3A_435 : f32 to vector<268x16xf32>
    %max3A_437 = arith.maximumf %add3A_434, %max3A_436 : vector<268x16xf32>
    %slice3A_438 = vector.extract_strided_slice %dot_general3A_195 {offsets = [0, 0], sizes = [268, 16], strides = [1, 1]} : vector<268x48xf32> to vector<268x16xf32>
    %slice3A_439 = vector.extract_strided_slice %dot_general3A_195 {offsets = [0, 32], sizes = [268, 16], strides = [1, 1]} : vector<268x48xf32> to vector<268x16xf32>
    %sub3A_440 = arith.subf %slice3A_438, %slice3A_439 : vector<268x16xf32>
    %add3A_441 = arith.addf %sub3A_440, %mul3A_347 : vector<268x16xf32>
    %get3A_442 = arith.constant 0 : index
    %get3A_443 = arith.constant 0 : index
    %get3A_444 = vector.load %arg4[%get3A_442, %get3A_443] : memref<1x16xf32, #tpu.memory_space<vmem>>, vector<1x16xf32>
    %add3A_445 = vector.broadcast %get3A_444 : vector<1x16xf32> to vector<268x16xf32>
    %add3A_446 = arith.addf %add3A_441, %add3A_445 : vector<268x16xf32>
    %max3A_447 = arith.constant 0.000000e+00 : f32
    %max3A_448 = vector.broadcast %max3A_447 : f32 to vector<268x16xf32>
    %max3A_449 = arith.maximumf %add3A_446, %max3A_448 : vector<268x16xf32>
    %slice3A_450 = vector.extract_strided_slice %dot_general3A_200 {offsets = [0, 0], sizes = [268, 16], strides = [1, 1]} : vector<268x48xf32> to vector<268x16xf32>
    %slice3A_451 = vector.extract_strided_slice %dot_general3A_200 {offsets = [0, 32], sizes = [268, 16], strides = [1, 1]} : vector<268x48xf32> to vector<268x16xf32>
    %sub3A_452 = arith.subf %slice3A_450, %slice3A_451 : vector<268x16xf32>
    %add3A_453 = arith.addf %sub3A_452, %mul3A_361 : vector<268x16xf32>
    %get3A_454 = arith.constant 0 : index
    %get3A_455 = arith.constant 0 : index
    %get3A_456 = vector.load %arg4[%get3A_454, %get3A_455] : memref<1x16xf32, #tpu.memory_space<vmem>>, vector<1x16xf32>
    %add3A_457 = vector.broadcast %get3A_456 : vector<1x16xf32> to vector<268x16xf32>
    %add3A_458 = arith.addf %add3A_453, %add3A_457 : vector<268x16xf32>
    %max3A_459 = arith.constant 0.000000e+00 : f32
    %max3A_460 = vector.broadcast %max3A_459 : f32 to vector<268x16xf32>
    %max3A_461 = arith.maximumf %add3A_458, %max3A_460 : vector<268x16xf32>
    %slice3A_462 = vector.extract_strided_slice %dot_general3A_205 {offsets = [0, 0], sizes = [268, 16], strides = [1, 1]} : vector<268x48xf32> to vector<268x16xf32>
    %slice3A_463 = vector.extract_strided_slice %dot_general3A_205 {offsets = [0, 32], sizes = [268, 16], strides = [1, 1]} : vector<268x48xf32> to vector<268x16xf32>
    %sub3A_464 = arith.subf %slice3A_462, %slice3A_463 : vector<268x16xf32>
    %add3A_465 = arith.addf %sub3A_464, %mul3A_375 : vector<268x16xf32>
    %get3A_466 = arith.constant 0 : index
    %get3A_467 = arith.constant 0 : index
    %get3A_468 = vector.load %arg4[%get3A_466, %get3A_467] : memref<1x16xf32, #tpu.memory_space<vmem>>, vector<1x16xf32>
    %add3A_469 = vector.broadcast %get3A_468 : vector<1x16xf32> to vector<268x16xf32>
    %add3A_470 = arith.addf %add3A_465, %add3A_469 : vector<268x16xf32>
    %max3A_471 = arith.constant 0.000000e+00 : f32
    %max3A_472 = vector.broadcast %max3A_471 : f32 to vector<268x16xf32>
    %max3A_473 = arith.maximumf %add3A_470, %max3A_472 : vector<268x16xf32>
    %slice3A_474 = vector.extract_strided_slice %dot_general3A_210 {offsets = [0, 0], sizes = [268, 16], strides = [1, 1]} : vector<268x48xf32> to vector<268x16xf32>
    %slice3A_475 = vector.extract_strided_slice %dot_general3A_210 {offsets = [0, 32], sizes = [268, 16], strides = [1, 1]} : vector<268x48xf32> to vector<268x16xf32>
    %sub3A_476 = arith.subf %slice3A_474, %slice3A_475 : vector<268x16xf32>
    %add3A_477 = arith.addf %sub3A_476, %mul3A_389 : vector<268x16xf32>
    %get3A_478 = arith.constant 0 : index
    %get3A_479 = arith.constant 0 : index
    %get3A_480 = vector.load %arg4[%get3A_478, %get3A_479] : memref<1x16xf32, #tpu.memory_space<vmem>>, vector<1x16xf32>
    %add3A_481 = vector.broadcast %get3A_480 : vector<1x16xf32> to vector<268x16xf32>
    %add3A_482 = arith.addf %add3A_477, %add3A_481 : vector<268x16xf32>
    %max3A_483 = arith.constant 0.000000e+00 : f32
    %max3A_484 = vector.broadcast %max3A_483 : f32 to vector<268x16xf32>
    %max3A_485 = arith.maximumf %add3A_482, %max3A_484 : vector<268x16xf32>
    %slice3A_486 = vector.extract_strided_slice %dot_general3A_215 {offsets = [0, 0], sizes = [268, 16], strides = [1, 1]} : vector<268x48xf32> to vector<268x16xf32>
    %slice3A_487 = vector.extract_strided_slice %dot_general3A_215 {offsets = [0, 32], sizes = [268, 16], strides = [1, 1]} : vector<268x48xf32> to vector<268x16xf32>
    %sub3A_488 = arith.subf %slice3A_486, %slice3A_487 : vector<268x16xf32>
    %add3A_489 = arith.addf %sub3A_488, %mul3A_403 : vector<268x16xf32>
    %get3A_490 = arith.constant 0 : index
    %get3A_491 = arith.constant 0 : index
    %get3A_492 = vector.load %arg4[%get3A_490, %get3A_491] : memref<1x16xf32, #tpu.memory_space<vmem>>, vector<1x16xf32>
    %add3A_493 = vector.broadcast %get3A_492 : vector<1x16xf32> to vector<268x16xf32>
    %add3A_494 = arith.addf %add3A_489, %add3A_493 : vector<268x16xf32>
    %max3A_495 = arith.constant 0.000000e+00 : f32
    %max3A_496 = vector.broadcast %max3A_495 : f32 to vector<268x16xf32>
    %max3A_497 = arith.maximumf %add3A_494, %max3A_496 : vector<268x16xf32>
    %get3A_498 = arith.constant 0 : index
    %get3A_499 = arith.constant 0 : index
    %get3A_500 = vector.load %arg5[%get3A_498, %get3A_499] : memref<16x6xf32, #tpu.memory_space<vmem>>, vector<16x6xf32>
    %dot_general3A_501 = arith.constant dense<0.000000e+00> : vector<268x6xf32>
    %dot_general3A_502 = tpu.matmul %max3A_413, %get3A_500, %dot_general3A_501 {dimension_numbers = #tpu.dot_dimension_numbers<[1], [0], [0], [1], [0, 0, 1, 1], [], []>, transpose_lhs_hint = false} : vector<268x16xf32>, vector<16x6xf32>, vector<268x6xf32> -> vector<268x6xf32>
    %get3A_503 = arith.constant 0 : index
    %get3A_504 = arith.constant 0 : index
    %get3A_505 = vector.load %arg5[%get3A_503, %get3A_504] : memref<16x6xf32, #tpu.memory_space<vmem>>, vector<16x6xf32>
    %dot_general3A_506 = arith.constant dense<0.000000e+00> : vector<268x6xf32>
    %dot_general3A_507 = tpu.matmul %max3A_425, %get3A_505, %dot_general3A_506 {dimension_numbers = #tpu.dot_dimension_numbers<[1], [0], [0], [1], [0, 0, 1, 1], [], []>, transpose_lhs_hint = false} : vector<268x16xf32>, vector<16x6xf32>, vector<268x6xf32> -> vector<268x6xf32>
    %get3A_508 = arith.constant 0 : index
    %get3A_509 = arith.constant 0 : index
    %get3A_510 = vector.load %arg5[%get3A_508, %get3A_509] : memref<16x6xf32, #tpu.memory_space<vmem>>, vector<16x6xf32>
    %dot_general3A_511 = arith.constant dense<0.000000e+00> : vector<268x6xf32>
    %dot_general3A_512 = tpu.matmul %max3A_437, %get3A_510, %dot_general3A_511 {dimension_numbers = #tpu.dot_dimension_numbers<[1], [0], [0], [1], [0, 0, 1, 1], [], []>, transpose_lhs_hint = false} : vector<268x16xf32>, vector<16x6xf32>, vector<268x6xf32> -> vector<268x6xf32>
    %get3A_513 = arith.constant 0 : index
    %get3A_514 = arith.constant 0 : index
    %get3A_515 = vector.load %arg5[%get3A_513, %get3A_514] : memref<16x6xf32, #tpu.memory_space<vmem>>, vector<16x6xf32>
    %dot_general3A_516 = arith.constant dense<0.000000e+00> : vector<268x6xf32>
    %dot_general3A_517 = tpu.matmul %max3A_449, %get3A_515, %dot_general3A_516 {dimension_numbers = #tpu.dot_dimension_numbers<[1], [0], [0], [1], [0, 0, 1, 1], [], []>, transpose_lhs_hint = false} : vector<268x16xf32>, vector<16x6xf32>, vector<268x6xf32> -> vector<268x6xf32>
    %get3A_518 = arith.constant 0 : index
    %get3A_519 = arith.constant 0 : index
    %get3A_520 = vector.load %arg5[%get3A_518, %get3A_519] : memref<16x6xf32, #tpu.memory_space<vmem>>, vector<16x6xf32>
    %dot_general3A_521 = arith.constant dense<0.000000e+00> : vector<268x6xf32>
    %dot_general3A_522 = tpu.matmul %max3A_461, %get3A_520, %dot_general3A_521 {dimension_numbers = #tpu.dot_dimension_numbers<[1], [0], [0], [1], [0, 0, 1, 1], [], []>, transpose_lhs_hint = false} : vector<268x16xf32>, vector<16x6xf32>, vector<268x6xf32> -> vector<268x6xf32>
    %get3A_523 = arith.constant 0 : index
    %get3A_524 = arith.constant 0 : index
    %get3A_525 = vector.load %arg5[%get3A_523, %get3A_524] : memref<16x6xf32, #tpu.memory_space<vmem>>, vector<16x6xf32>
    %dot_general3A_526 = arith.constant dense<0.000000e+00> : vector<268x6xf32>
    %dot_general3A_527 = tpu.matmul %max3A_473, %get3A_525, %dot_general3A_526 {dimension_numbers = #tpu.dot_dimension_numbers<[1], [0], [0], [1], [0, 0, 1, 1], [], []>, transpose_lhs_hint = false} : vector<268x16xf32>, vector<16x6xf32>, vector<268x6xf32> -> vector<268x6xf32>
    %get3A_528 = arith.constant 0 : index
    %get3A_529 = arith.constant 0 : index
    %get3A_530 = vector.load %arg5[%get3A_528, %get3A_529] : memref<16x6xf32, #tpu.memory_space<vmem>>, vector<16x6xf32>
    %dot_general3A_531 = arith.constant dense<0.000000e+00> : vector<268x6xf32>
    %dot_general3A_532 = tpu.matmul %max3A_485, %get3A_530, %dot_general3A_531 {dimension_numbers = #tpu.dot_dimension_numbers<[1], [0], [0], [1], [0, 0, 1, 1], [], []>, transpose_lhs_hint = false} : vector<268x16xf32>, vector<16x6xf32>, vector<268x6xf32> -> vector<268x6xf32>
    %get3A_533 = arith.constant 0 : index
    %get3A_534 = arith.constant 0 : index
    %get3A_535 = vector.load %arg5[%get3A_533, %get3A_534] : memref<16x6xf32, #tpu.memory_space<vmem>>, vector<16x6xf32>
    %dot_general3A_536 = arith.constant dense<0.000000e+00> : vector<268x6xf32>
    %dot_general3A_537 = tpu.matmul %max3A_497, %get3A_535, %dot_general3A_536 {dimension_numbers = #tpu.dot_dimension_numbers<[1], [0], [0], [1], [0, 0, 1, 1], [], []>, transpose_lhs_hint = false} : vector<268x16xf32>, vector<16x6xf32>, vector<268x6xf32> -> vector<268x6xf32>
    %slice3A_538 = vector.extract_strided_slice %dot_general3A_502 {offsets = [0, 4], sizes = [268, 2], strides = [1, 1]} : vector<268x6xf32> to vector<268x2xf32>
    %neg3A_539 = arith.constant 0.000000e+00 : f32
    %neg3A_540 = vector.broadcast %neg3A_539 : f32 to vector<268x1xf32>
    %neg3A_541 = arith.subf %neg3A_540, %select_n3A_85 : vector<268x1xf32>
    %mul3A_542 = vector.broadcast %select_n3A_85 : vector<268x1xf32> to vector<268x2xf32>
    %mul3A_543 = arith.mulf %mul3A_542, %slice3A_538 : vector<268x2xf32>
    %dot_general3A_544 = arith.constant dense<0.000000e+00> : vector<268x2xf32>
    %dot_general3A_545 = tpu.matmul %get3A_3, %mul3A_543, %dot_general3A_544 {dimension_numbers = #tpu.dot_dimension_numbers<[0], [0], [1], [1], [0, 1, 1, 1], [], []>, transpose_lhs_hint = false} : vector<268x268xf32>, vector<268x2xf32>, vector<268x2xf32> -> vector<268x2xf32>
    %mul3A_546 = vector.broadcast %neg3A_541 : vector<268x1xf32> to vector<268x2xf32>
    %mul3A_547 = arith.mulf %mul3A_546, %dot_general3A_545 : vector<268x2xf32>
    %slice3A_548 = vector.extract_strided_slice %dot_general3A_507 {offsets = [0, 4], sizes = [268, 2], strides = [1, 1]} : vector<268x6xf32> to vector<268x2xf32>
    %neg3A_549 = arith.constant 0.000000e+00 : f32
    %neg3A_550 = vector.broadcast %neg3A_549 : f32 to vector<268x1xf32>
    %neg3A_551 = arith.subf %neg3A_550, %select_n3A_98 : vector<268x1xf32>
    %mul3A_552 = vector.broadcast %select_n3A_98 : vector<268x1xf32> to vector<268x2xf32>
    %mul3A_553 = arith.mulf %mul3A_552, %slice3A_548 : vector<268x2xf32>
    %dot_general3A_554 = arith.constant dense<0.000000e+00> : vector<268x2xf32>
    %dot_general3A_555 = tpu.matmul %get3A_8, %mul3A_553, %dot_general3A_554 {dimension_numbers = #tpu.dot_dimension_numbers<[0], [0], [1], [1], [0, 1, 1, 1], [], []>, transpose_lhs_hint = false} : vector<268x268xf32>, vector<268x2xf32>, vector<268x2xf32> -> vector<268x2xf32>
    %mul3A_556 = vector.broadcast %neg3A_551 : vector<268x1xf32> to vector<268x2xf32>
    %mul3A_557 = arith.mulf %mul3A_556, %dot_general3A_555 : vector<268x2xf32>
    %slice3A_558 = vector.extract_strided_slice %dot_general3A_512 {offsets = [0, 4], sizes = [268, 2], strides = [1, 1]} : vector<268x6xf32> to vector<268x2xf32>
    %neg3A_559 = arith.constant 0.000000e+00 : f32
    %neg3A_560 = vector.broadcast %neg3A_559 : f32 to vector<268x1xf32>
    %neg3A_561 = arith.subf %neg3A_560, %select_n3A_111 : vector<268x1xf32>
    %mul3A_562 = vector.broadcast %select_n3A_111 : vector<268x1xf32> to vector<268x2xf32>
    %mul3A_563 = arith.mulf %mul3A_562, %slice3A_558 : vector<268x2xf32>
    %dot_general3A_564 = arith.constant dense<0.000000e+00> : vector<268x2xf32>
    %dot_general3A_565 = tpu.matmul %get3A_13, %mul3A_563, %dot_general3A_564 {dimension_numbers = #tpu.dot_dimension_numbers<[0], [0], [1], [1], [0, 1, 1, 1], [], []>, transpose_lhs_hint = false} : vector<268x268xf32>, vector<268x2xf32>, vector<268x2xf32> -> vector<268x2xf32>
    %mul3A_566 = vector.broadcast %neg3A_561 : vector<268x1xf32> to vector<268x2xf32>
    %mul3A_567 = arith.mulf %mul3A_566, %dot_general3A_565 : vector<268x2xf32>
    %slice3A_568 = vector.extract_strided_slice %dot_general3A_517 {offsets = [0, 4], sizes = [268, 2], strides = [1, 1]} : vector<268x6xf32> to vector<268x2xf32>
    %neg3A_569 = arith.constant 0.000000e+00 : f32
    %neg3A_570 = vector.broadcast %neg3A_569 : f32 to vector<268x1xf32>
    %neg3A_571 = arith.subf %neg3A_570, %select_n3A_124 : vector<268x1xf32>
    %mul3A_572 = vector.broadcast %select_n3A_124 : vector<268x1xf32> to vector<268x2xf32>
    %mul3A_573 = arith.mulf %mul3A_572, %slice3A_568 : vector<268x2xf32>
    %dot_general3A_574 = arith.constant dense<0.000000e+00> : vector<268x2xf32>
    %dot_general3A_575 = tpu.matmul %get3A_18, %mul3A_573, %dot_general3A_574 {dimension_numbers = #tpu.dot_dimension_numbers<[0], [0], [1], [1], [0, 1, 1, 1], [], []>, transpose_lhs_hint = false} : vector<268x268xf32>, vector<268x2xf32>, vector<268x2xf32> -> vector<268x2xf32>
    %mul3A_576 = vector.broadcast %neg3A_571 : vector<268x1xf32> to vector<268x2xf32>
    %mul3A_577 = arith.mulf %mul3A_576, %dot_general3A_575 : vector<268x2xf32>
    %slice3A_578 = vector.extract_strided_slice %dot_general3A_522 {offsets = [0, 4], sizes = [268, 2], strides = [1, 1]} : vector<268x6xf32> to vector<268x2xf32>
    %neg3A_579 = arith.constant 0.000000e+00 : f32
    %neg3A_580 = vector.broadcast %neg3A_579 : f32 to vector<268x1xf32>
    %neg3A_581 = arith.subf %neg3A_580, %select_n3A_137 : vector<268x1xf32>
    %mul3A_582 = vector.broadcast %select_n3A_137 : vector<268x1xf32> to vector<268x2xf32>
    %mul3A_583 = arith.mulf %mul3A_582, %slice3A_578 : vector<268x2xf32>
    %dot_general3A_584 = arith.constant dense<0.000000e+00> : vector<268x2xf32>
    %dot_general3A_585 = tpu.matmul %get3A_23, %mul3A_583, %dot_general3A_584 {dimension_numbers = #tpu.dot_dimension_numbers<[0], [0], [1], [1], [0, 1, 1, 1], [], []>, transpose_lhs_hint = false} : vector<268x268xf32>, vector<268x2xf32>, vector<268x2xf32> -> vector<268x2xf32>
    %mul3A_586 = vector.broadcast %neg3A_581 : vector<268x1xf32> to vector<268x2xf32>
    %mul3A_587 = arith.mulf %mul3A_586, %dot_general3A_585 : vector<268x2xf32>
    %slice3A_588 = vector.extract_strided_slice %dot_general3A_527 {offsets = [0, 4], sizes = [268, 2], strides = [1, 1]} : vector<268x6xf32> to vector<268x2xf32>
    %neg3A_589 = arith.constant 0.000000e+00 : f32
    %neg3A_590 = vector.broadcast %neg3A_589 : f32 to vector<268x1xf32>
    %neg3A_591 = arith.subf %neg3A_590, %select_n3A_150 : vector<268x1xf32>
    %mul3A_592 = vector.broadcast %select_n3A_150 : vector<268x1xf32> to vector<268x2xf32>
    %mul3A_593 = arith.mulf %mul3A_592, %slice3A_588 : vector<268x2xf32>
    %dot_general3A_594 = arith.constant dense<0.000000e+00> : vector<268x2xf32>
    %dot_general3A_595 = tpu.matmul %get3A_28, %mul3A_593, %dot_general3A_594 {dimension_numbers = #tpu.dot_dimension_numbers<[0], [0], [1], [1], [0, 1, 1, 1], [], []>, transpose_lhs_hint = false} : vector<268x268xf32>, vector<268x2xf32>, vector<268x2xf32> -> vector<268x2xf32>
    %mul3A_596 = vector.broadcast %neg3A_591 : vector<268x1xf32> to vector<268x2xf32>
    %mul3A_597 = arith.mulf %mul3A_596, %dot_general3A_595 : vector<268x2xf32>
    %slice3A_598 = vector.extract_strided_slice %dot_general3A_532 {offsets = [0, 4], sizes = [268, 2], strides = [1, 1]} : vector<268x6xf32> to vector<268x2xf32>
    %neg3A_599 = arith.constant 0.000000e+00 : f32
    %neg3A_600 = vector.broadcast %neg3A_599 : f32 to vector<268x1xf32>
    %neg3A_601 = arith.subf %neg3A_600, %select_n3A_163 : vector<268x1xf32>
    %mul3A_602 = vector.broadcast %select_n3A_163 : vector<268x1xf32> to vector<268x2xf32>
    %mul3A_603 = arith.mulf %mul3A_602, %slice3A_598 : vector<268x2xf32>
    %dot_general3A_604 = arith.constant dense<0.000000e+00> : vector<268x2xf32>
    %dot_general3A_605 = tpu.matmul %get3A_33, %mul3A_603, %dot_general3A_604 {dimension_numbers = #tpu.dot_dimension_numbers<[0], [0], [1], [1], [0, 1, 1, 1], [], []>, transpose_lhs_hint = false} : vector<268x268xf32>, vector<268x2xf32>, vector<268x2xf32> -> vector<268x2xf32>
    %mul3A_606 = vector.broadcast %neg3A_601 : vector<268x1xf32> to vector<268x2xf32>
    %mul3A_607 = arith.mulf %mul3A_606, %dot_general3A_605 : vector<268x2xf32>
    %slice3A_608 = vector.extract_strided_slice %dot_general3A_537 {offsets = [0, 4], sizes = [268, 2], strides = [1, 1]} : vector<268x6xf32> to vector<268x2xf32>
    %neg3A_609 = arith.constant 0.000000e+00 : f32
    %neg3A_610 = vector.broadcast %neg3A_609 : f32 to vector<268x1xf32>
    %neg3A_611 = arith.subf %neg3A_610, %select_n3A_176 : vector<268x1xf32>
    %mul3A_612 = vector.broadcast %select_n3A_176 : vector<268x1xf32> to vector<268x2xf32>
    %mul3A_613 = arith.mulf %mul3A_612, %slice3A_608 : vector<268x2xf32>
    %dot_general3A_614 = arith.constant dense<0.000000e+00> : vector<268x2xf32>
    %dot_general3A_615 = tpu.matmul %get3A_38, %mul3A_613, %dot_general3A_614 {dimension_numbers = #tpu.dot_dimension_numbers<[0], [0], [1], [1], [0, 1, 1, 1], [], []>, transpose_lhs_hint = false} : vector<268x268xf32>, vector<268x2xf32>, vector<268x2xf32> -> vector<268x2xf32>
    %mul3A_616 = vector.broadcast %neg3A_611 : vector<268x1xf32> to vector<268x2xf32>
    %mul3A_617 = arith.mulf %mul3A_616, %dot_general3A_615 : vector<268x2xf32>
    %slice3A_618 = vector.extract_strided_slice %dot_general3A_502 {offsets = [0, 2], sizes = [268, 2], strides = [1, 1]} : vector<268x6xf32> to vector<268x2xf32>
    %mul3A_619 = arith.constant 2.000000e+00 : f32
    %mul3A_620 = vector.broadcast %mul3A_619 : f32 to vector<268x2xf32>
    %mul3A_621 = arith.mulf %mul3A_620, %mul3A_547 : vector<268x2xf32>
    %add3A_622 = arith.addf %slice3A_618, %mul3A_621 : vector<268x2xf32>
    %neg3A_623 = arith.constant 0.000000e+00 : f32
    %neg3A_624 = vector.broadcast %neg3A_623 : f32 to vector<268x1xf32>
    %neg3A_625 = arith.subf %neg3A_624, %select_n3A_85 : vector<268x1xf32>
    %mul3A_626 = vector.broadcast %select_n3A_85 : vector<268x1xf32> to vector<268x2xf32>
    %mul3A_627 = arith.mulf %mul3A_626, %add3A_622 : vector<268x2xf32>
    %dot_general3A_628 = arith.constant dense<0.000000e+00> : vector<268x2xf32>
    %dot_general3A_629 = tpu.matmul %get3A_3, %mul3A_627, %dot_general3A_628 {dimension_numbers = #tpu.dot_dimension_numbers<[0], [0], [1], [1], [0, 1, 1, 1], [], []>, transpose_lhs_hint = false} : vector<268x268xf32>, vector<268x2xf32>, vector<268x2xf32> -> vector<268x2xf32>
    %mul3A_630 = vector.broadcast %neg3A_625 : vector<268x1xf32> to vector<268x2xf32>
    %mul3A_631 = arith.mulf %mul3A_630, %dot_general3A_629 : vector<268x2xf32>
    %slice3A_632 = vector.extract_strided_slice %dot_general3A_507 {offsets = [0, 2], sizes = [268, 2], strides = [1, 1]} : vector<268x6xf32> to vector<268x2xf32>
    %mul3A_633 = arith.constant 2.000000e+00 : f32
    %mul3A_634 = vector.broadcast %mul3A_633 : f32 to vector<268x2xf32>
    %mul3A_635 = arith.mulf %mul3A_634, %mul3A_557 : vector<268x2xf32>
    %add3A_636 = arith.addf %slice3A_632, %mul3A_635 : vector<268x2xf32>
    %neg3A_637 = arith.constant 0.000000e+00 : f32
    %neg3A_638 = vector.broadcast %neg3A_637 : f32 to vector<268x1xf32>
    %neg3A_639 = arith.subf %neg3A_638, %select_n3A_98 : vector<268x1xf32>
    %mul3A_640 = vector.broadcast %select_n3A_98 : vector<268x1xf32> to vector<268x2xf32>
    %mul3A_641 = arith.mulf %mul3A_640, %add3A_636 : vector<268x2xf32>
    %dot_general3A_642 = arith.constant dense<0.000000e+00> : vector<268x2xf32>
    %dot_general3A_643 = tpu.matmul %get3A_8, %mul3A_641, %dot_general3A_642 {dimension_numbers = #tpu.dot_dimension_numbers<[0], [0], [1], [1], [0, 1, 1, 1], [], []>, transpose_lhs_hint = false} : vector<268x268xf32>, vector<268x2xf32>, vector<268x2xf32> -> vector<268x2xf32>
    %mul3A_644 = vector.broadcast %neg3A_639 : vector<268x1xf32> to vector<268x2xf32>
    %mul3A_645 = arith.mulf %mul3A_644, %dot_general3A_643 : vector<268x2xf32>
    %slice3A_646 = vector.extract_strided_slice %dot_general3A_512 {offsets = [0, 2], sizes = [268, 2], strides = [1, 1]} : vector<268x6xf32> to vector<268x2xf32>
    %mul3A_647 = arith.constant 2.000000e+00 : f32
    %mul3A_648 = vector.broadcast %mul3A_647 : f32 to vector<268x2xf32>
    %mul3A_649 = arith.mulf %mul3A_648, %mul3A_567 : vector<268x2xf32>
    %add3A_650 = arith.addf %slice3A_646, %mul3A_649 : vector<268x2xf32>
    %neg3A_651 = arith.constant 0.000000e+00 : f32
    %neg3A_652 = vector.broadcast %neg3A_651 : f32 to vector<268x1xf32>
    %neg3A_653 = arith.subf %neg3A_652, %select_n3A_111 : vector<268x1xf32>
    %mul3A_654 = vector.broadcast %select_n3A_111 : vector<268x1xf32> to vector<268x2xf32>
    %mul3A_655 = arith.mulf %mul3A_654, %add3A_650 : vector<268x2xf32>
    %dot_general3A_656 = arith.constant dense<0.000000e+00> : vector<268x2xf32>
    %dot_general3A_657 = tpu.matmul %get3A_13, %mul3A_655, %dot_general3A_656 {dimension_numbers = #tpu.dot_dimension_numbers<[0], [0], [1], [1], [0, 1, 1, 1], [], []>, transpose_lhs_hint = false} : vector<268x268xf32>, vector<268x2xf32>, vector<268x2xf32> -> vector<268x2xf32>
    %mul3A_658 = vector.broadcast %neg3A_653 : vector<268x1xf32> to vector<268x2xf32>
    %mul3A_659 = arith.mulf %mul3A_658, %dot_general3A_657 : vector<268x2xf32>
    %slice3A_660 = vector.extract_strided_slice %dot_general3A_517 {offsets = [0, 2], sizes = [268, 2], strides = [1, 1]} : vector<268x6xf32> to vector<268x2xf32>
    %mul3A_661 = arith.constant 2.000000e+00 : f32
    %mul3A_662 = vector.broadcast %mul3A_661 : f32 to vector<268x2xf32>
    %mul3A_663 = arith.mulf %mul3A_662, %mul3A_577 : vector<268x2xf32>
    %add3A_664 = arith.addf %slice3A_660, %mul3A_663 : vector<268x2xf32>
    %neg3A_665 = arith.constant 0.000000e+00 : f32
    %neg3A_666 = vector.broadcast %neg3A_665 : f32 to vector<268x1xf32>
    %neg3A_667 = arith.subf %neg3A_666, %select_n3A_124 : vector<268x1xf32>
    %mul3A_668 = vector.broadcast %select_n3A_124 : vector<268x1xf32> to vector<268x2xf32>
    %mul3A_669 = arith.mulf %mul3A_668, %add3A_664 : vector<268x2xf32>
    %dot_general3A_670 = arith.constant dense<0.000000e+00> : vector<268x2xf32>
    %dot_general3A_671 = tpu.matmul %get3A_18, %mul3A_669, %dot_general3A_670 {dimension_numbers = #tpu.dot_dimension_numbers<[0], [0], [1], [1], [0, 1, 1, 1], [], []>, transpose_lhs_hint = false} : vector<268x268xf32>, vector<268x2xf32>, vector<268x2xf32> -> vector<268x2xf32>
    %mul3A_672 = vector.broadcast %neg3A_667 : vector<268x1xf32> to vector<268x2xf32>
    %mul3A_673 = arith.mulf %mul3A_672, %dot_general3A_671 : vector<268x2xf32>
    %slice3A_674 = vector.extract_strided_slice %dot_general3A_522 {offsets = [0, 2], sizes = [268, 2], strides = [1, 1]} : vector<268x6xf32> to vector<268x2xf32>
    %mul3A_675 = arith.constant 2.000000e+00 : f32
    %mul3A_676 = vector.broadcast %mul3A_675 : f32 to vector<268x2xf32>
    %mul3A_677 = arith.mulf %mul3A_676, %mul3A_587 : vector<268x2xf32>
    %add3A_678 = arith.addf %slice3A_674, %mul3A_677 : vector<268x2xf32>
    %neg3A_679 = arith.constant 0.000000e+00 : f32
    %neg3A_680 = vector.broadcast %neg3A_679 : f32 to vector<268x1xf32>
    %neg3A_681 = arith.subf %neg3A_680, %select_n3A_137 : vector<268x1xf32>
    %mul3A_682 = vector.broadcast %select_n3A_137 : vector<268x1xf32> to vector<268x2xf32>
    %mul3A_683 = arith.mulf %mul3A_682, %add3A_678 : vector<268x2xf32>
    %dot_general3A_684 = arith.constant dense<0.000000e+00> : vector<268x2xf32>
    %dot_general3A_685 = tpu.matmul %get3A_23, %mul3A_683, %dot_general3A_684 {dimension_numbers = #tpu.dot_dimension_numbers<[0], [0], [1], [1], [0, 1, 1, 1], [], []>, transpose_lhs_hint = false} : vector<268x268xf32>, vector<268x2xf32>, vector<268x2xf32> -> vector<268x2xf32>
    %mul3A_686 = vector.broadcast %neg3A_681 : vector<268x1xf32> to vector<268x2xf32>
    %mul3A_687 = arith.mulf %mul3A_686, %dot_general3A_685 : vector<268x2xf32>
    %slice3A_688 = vector.extract_strided_slice %dot_general3A_527 {offsets = [0, 2], sizes = [268, 2], strides = [1, 1]} : vector<268x6xf32> to vector<268x2xf32>
    %mul3A_689 = arith.constant 2.000000e+00 : f32
    %mul3A_690 = vector.broadcast %mul3A_689 : f32 to vector<268x2xf32>
    %mul3A_691 = arith.mulf %mul3A_690, %mul3A_597 : vector<268x2xf32>
    %add3A_692 = arith.addf %slice3A_688, %mul3A_691 : vector<268x2xf32>
    %neg3A_693 = arith.constant 0.000000e+00 : f32
    %neg3A_694 = vector.broadcast %neg3A_693 : f32 to vector<268x1xf32>
    %neg3A_695 = arith.subf %neg3A_694, %select_n3A_150 : vector<268x1xf32>
    %mul3A_696 = vector.broadcast %select_n3A_150 : vector<268x1xf32> to vector<268x2xf32>
    %mul3A_697 = arith.mulf %mul3A_696, %add3A_692 : vector<268x2xf32>
    %dot_general3A_698 = arith.constant dense<0.000000e+00> : vector<268x2xf32>
    %dot_general3A_699 = tpu.matmul %get3A_28, %mul3A_697, %dot_general3A_698 {dimension_numbers = #tpu.dot_dimension_numbers<[0], [0], [1], [1], [0, 1, 1, 1], [], []>, transpose_lhs_hint = false} : vector<268x268xf32>, vector<268x2xf32>, vector<268x2xf32> -> vector<268x2xf32>
    %mul3A_700 = vector.broadcast %neg3A_695 : vector<268x1xf32> to vector<268x2xf32>
    %mul3A_701 = arith.mulf %mul3A_700, %dot_general3A_699 : vector<268x2xf32>
    %slice3A_702 = vector.extract_strided_slice %dot_general3A_532 {offsets = [0, 2], sizes = [268, 2], strides = [1, 1]} : vector<268x6xf32> to vector<268x2xf32>
    %mul3A_703 = arith.constant 2.000000e+00 : f32
    %mul3A_704 = vector.broadcast %mul3A_703 : f32 to vector<268x2xf32>
    %mul3A_705 = arith.mulf %mul3A_704, %mul3A_607 : vector<268x2xf32>
    %add3A_706 = arith.addf %slice3A_702, %mul3A_705 : vector<268x2xf32>
    %neg3A_707 = arith.constant 0.000000e+00 : f32
    %neg3A_708 = vector.broadcast %neg3A_707 : f32 to vector<268x1xf32>
    %neg3A_709 = arith.subf %neg3A_708, %select_n3A_163 : vector<268x1xf32>
    %mul3A_710 = vector.broadcast %select_n3A_163 : vector<268x1xf32> to vector<268x2xf32>
    %mul3A_711 = arith.mulf %mul3A_710, %add3A_706 : vector<268x2xf32>
    %dot_general3A_712 = arith.constant dense<0.000000e+00> : vector<268x2xf32>
    %dot_general3A_713 = tpu.matmul %get3A_33, %mul3A_711, %dot_general3A_712 {dimension_numbers = #tpu.dot_dimension_numbers<[0], [0], [1], [1], [0, 1, 1, 1], [], []>, transpose_lhs_hint = false} : vector<268x268xf32>, vector<268x2xf32>, vector<268x2xf32> -> vector<268x2xf32>
    %mul3A_714 = vector.broadcast %neg3A_709 : vector<268x1xf32> to vector<268x2xf32>
    %mul3A_715 = arith.mulf %mul3A_714, %dot_general3A_713 : vector<268x2xf32>
    %slice3A_716 = vector.extract_strided_slice %dot_general3A_537 {offsets = [0, 2], sizes = [268, 2], strides = [1, 1]} : vector<268x6xf32> to vector<268x2xf32>
    %mul3A_717 = arith.constant 2.000000e+00 : f32
    %mul3A_718 = vector.broadcast %mul3A_717 : f32 to vector<268x2xf32>
    %mul3A_719 = arith.mulf %mul3A_718, %mul3A_617 : vector<268x2xf32>
    %add3A_720 = arith.addf %slice3A_716, %mul3A_719 : vector<268x2xf32>
    %neg3A_721 = arith.constant 0.000000e+00 : f32
    %neg3A_722 = vector.broadcast %neg3A_721 : f32 to vector<268x1xf32>
    %neg3A_723 = arith.subf %neg3A_722, %select_n3A_176 : vector<268x1xf32>
    %mul3A_724 = vector.broadcast %select_n3A_176 : vector<268x1xf32> to vector<268x2xf32>
    %mul3A_725 = arith.mulf %mul3A_724, %add3A_720 : vector<268x2xf32>
    %dot_general3A_726 = arith.constant dense<0.000000e+00> : vector<268x2xf32>
    %dot_general3A_727 = tpu.matmul %get3A_38, %mul3A_725, %dot_general3A_726 {dimension_numbers = #tpu.dot_dimension_numbers<[0], [0], [1], [1], [0, 1, 1, 1], [], []>, transpose_lhs_hint = false} : vector<268x268xf32>, vector<268x2xf32>, vector<268x2xf32> -> vector<268x2xf32>
    %mul3A_728 = vector.broadcast %neg3A_723 : vector<268x1xf32> to vector<268x2xf32>
    %mul3A_729 = arith.mulf %mul3A_728, %dot_general3A_727 : vector<268x2xf32>
    %slice3A_730 = vector.extract_strided_slice %dot_general3A_502 {offsets = [0, 0], sizes = [268, 2], strides = [1, 1]} : vector<268x6xf32> to vector<268x2xf32>
    %slice3A_731 = vector.extract_strided_slice %dot_general3A_502 {offsets = [0, 4], sizes = [268, 2], strides = [1, 1]} : vector<268x6xf32> to vector<268x2xf32>
    %sub3A_732 = arith.subf %slice3A_730, %slice3A_731 : vector<268x2xf32>
    %add3A_733 = arith.addf %sub3A_732, %mul3A_631 : vector<268x2xf32>
    %get3A_734 = arith.constant 0 : index
    %get3A_735 = arith.constant 0 : index
    %get3A_736 = vector.load %arg6[%get3A_734, %get3A_735] : memref<1x2xf32, #tpu.memory_space<vmem>>, vector<1x2xf32>
    %add3A_737 = vector.broadcast %get3A_736 : vector<1x2xf32> to vector<268x2xf32>
    %add3A_738 = arith.addf %add3A_733, %add3A_737 : vector<268x2xf32>
    %slice3A_739 = vector.extract_strided_slice %dot_general3A_507 {offsets = [0, 0], sizes = [268, 2], strides = [1, 1]} : vector<268x6xf32> to vector<268x2xf32>
    %slice3A_740 = vector.extract_strided_slice %dot_general3A_507 {offsets = [0, 4], sizes = [268, 2], strides = [1, 1]} : vector<268x6xf32> to vector<268x2xf32>
    %sub3A_741 = arith.subf %slice3A_739, %slice3A_740 : vector<268x2xf32>
    %add3A_742 = arith.addf %sub3A_741, %mul3A_645 : vector<268x2xf32>
    %get3A_743 = arith.constant 0 : index
    %get3A_744 = arith.constant 0 : index
    %get3A_745 = vector.load %arg6[%get3A_743, %get3A_744] : memref<1x2xf32, #tpu.memory_space<vmem>>, vector<1x2xf32>
    %add3A_746 = vector.broadcast %get3A_745 : vector<1x2xf32> to vector<268x2xf32>
    %add3A_747 = arith.addf %add3A_742, %add3A_746 : vector<268x2xf32>
    %slice3A_748 = vector.extract_strided_slice %dot_general3A_512 {offsets = [0, 0], sizes = [268, 2], strides = [1, 1]} : vector<268x6xf32> to vector<268x2xf32>
    %slice3A_749 = vector.extract_strided_slice %dot_general3A_512 {offsets = [0, 4], sizes = [268, 2], strides = [1, 1]} : vector<268x6xf32> to vector<268x2xf32>
    %sub3A_750 = arith.subf %slice3A_748, %slice3A_749 : vector<268x2xf32>
    %add3A_751 = arith.addf %sub3A_750, %mul3A_659 : vector<268x2xf32>
    %get3A_752 = arith.constant 0 : index
    %get3A_753 = arith.constant 0 : index
    %get3A_754 = vector.load %arg6[%get3A_752, %get3A_753] : memref<1x2xf32, #tpu.memory_space<vmem>>, vector<1x2xf32>
    %add3A_755 = vector.broadcast %get3A_754 : vector<1x2xf32> to vector<268x2xf32>
    %add3A_756 = arith.addf %add3A_751, %add3A_755 : vector<268x2xf32>
    %slice3A_757 = vector.extract_strided_slice %dot_general3A_517 {offsets = [0, 0], sizes = [268, 2], strides = [1, 1]} : vector<268x6xf32> to vector<268x2xf32>
    %slice3A_758 = vector.extract_strided_slice %dot_general3A_517 {offsets = [0, 4], sizes = [268, 2], strides = [1, 1]} : vector<268x6xf32> to vector<268x2xf32>
    %sub3A_759 = arith.subf %slice3A_757, %slice3A_758 : vector<268x2xf32>
    %add3A_760 = arith.addf %sub3A_759, %mul3A_673 : vector<268x2xf32>
    %get3A_761 = arith.constant 0 : index
    %get3A_762 = arith.constant 0 : index
    %get3A_763 = vector.load %arg6[%get3A_761, %get3A_762] : memref<1x2xf32, #tpu.memory_space<vmem>>, vector<1x2xf32>
    %add3A_764 = vector.broadcast %get3A_763 : vector<1x2xf32> to vector<268x2xf32>
    %add3A_765 = arith.addf %add3A_760, %add3A_764 : vector<268x2xf32>
    %slice3A_766 = vector.extract_strided_slice %dot_general3A_522 {offsets = [0, 0], sizes = [268, 2], strides = [1, 1]} : vector<268x6xf32> to vector<268x2xf32>
    %slice3A_767 = vector.extract_strided_slice %dot_general3A_522 {offsets = [0, 4], sizes = [268, 2], strides = [1, 1]} : vector<268x6xf32> to vector<268x2xf32>
    %sub3A_768 = arith.subf %slice3A_766, %slice3A_767 : vector<268x2xf32>
    %add3A_769 = arith.addf %sub3A_768, %mul3A_687 : vector<268x2xf32>
    %get3A_770 = arith.constant 0 : index
    %get3A_771 = arith.constant 0 : index
    %get3A_772 = vector.load %arg6[%get3A_770, %get3A_771] : memref<1x2xf32, #tpu.memory_space<vmem>>, vector<1x2xf32>
    %add3A_773 = vector.broadcast %get3A_772 : vector<1x2xf32> to vector<268x2xf32>
    %add3A_774 = arith.addf %add3A_769, %add3A_773 : vector<268x2xf32>
    %slice3A_775 = vector.extract_strided_slice %dot_general3A_527 {offsets = [0, 0], sizes = [268, 2], strides = [1, 1]} : vector<268x6xf32> to vector<268x2xf32>
    %slice3A_776 = vector.extract_strided_slice %dot_general3A_527 {offsets = [0, 4], sizes = [268, 2], strides = [1, 1]} : vector<268x6xf32> to vector<268x2xf32>
    %sub3A_777 = arith.subf %slice3A_775, %slice3A_776 : vector<268x2xf32>
    %add3A_778 = arith.addf %sub3A_777, %mul3A_701 : vector<268x2xf32>
    %get3A_779 = arith.constant 0 : index
    %get3A_780 = arith.constant 0 : index
    %get3A_781 = vector.load %arg6[%get3A_779, %get3A_780] : memref<1x2xf32, #tpu.memory_space<vmem>>, vector<1x2xf32>
    %add3A_782 = vector.broadcast %get3A_781 : vector<1x2xf32> to vector<268x2xf32>
    %add3A_783 = arith.addf %add3A_778, %add3A_782 : vector<268x2xf32>
    %slice3A_784 = vector.extract_strided_slice %dot_general3A_532 {offsets = [0, 0], sizes = [268, 2], strides = [1, 1]} : vector<268x6xf32> to vector<268x2xf32>
    %slice3A_785 = vector.extract_strided_slice %dot_general3A_532 {offsets = [0, 4], sizes = [268, 2], strides = [1, 1]} : vector<268x6xf32> to vector<268x2xf32>
    %sub3A_786 = arith.subf %slice3A_784, %slice3A_785 : vector<268x2xf32>
    %add3A_787 = arith.addf %sub3A_786, %mul3A_715 : vector<268x2xf32>
    %get3A_788 = arith.constant 0 : index
    %get3A_789 = arith.constant 0 : index
    %get3A_790 = vector.load %arg6[%get3A_788, %get3A_789] : memref<1x2xf32, #tpu.memory_space<vmem>>, vector<1x2xf32>
    %add3A_791 = vector.broadcast %get3A_790 : vector<1x2xf32> to vector<268x2xf32>
    %add3A_792 = arith.addf %add3A_787, %add3A_791 : vector<268x2xf32>
    %slice3A_793 = vector.extract_strided_slice %dot_general3A_537 {offsets = [0, 0], sizes = [268, 2], strides = [1, 1]} : vector<268x6xf32> to vector<268x2xf32>
    %slice3A_794 = vector.extract_strided_slice %dot_general3A_537 {offsets = [0, 4], sizes = [268, 2], strides = [1, 1]} : vector<268x6xf32> to vector<268x2xf32>
    %sub3A_795 = arith.subf %slice3A_793, %slice3A_794 : vector<268x2xf32>
    %add3A_796 = arith.addf %sub3A_795, %mul3A_729 : vector<268x2xf32>
    %get3A_797 = arith.constant 0 : index
    %get3A_798 = arith.constant 0 : index
    %get3A_799 = vector.load %arg6[%get3A_797, %get3A_798] : memref<1x2xf32, #tpu.memory_space<vmem>>, vector<1x2xf32>
    %add3A_800 = vector.broadcast %get3A_799 : vector<1x2xf32> to vector<268x2xf32>
    %add3A_801 = arith.addf %add3A_796, %add3A_800 : vector<268x2xf32>
    %get3A_802 = arith.constant 0 : index
    %get3A_803 = arith.constant 0 : index
    %get3A_804 = vector.load %arg7[%get3A_802, %get3A_803] : memref<268x50xf32, #tpu.memory_space<vmem>>, vector<268x50xf32>
    %dot_general3A_805 = arith.constant dense<0.000000e+00> : vector<2x50xf32>
    %dot_general3A_806 = tpu.matmul %add3A_738, %get3A_804, %dot_general3A_805 {dimension_numbers = #tpu.dot_dimension_numbers<[0], [0], [1], [1], [0, 1, 1, 1], [], []>, transpose_lhs_hint = false} : vector<268x2xf32>, vector<268x50xf32>, vector<2x50xf32> -> vector<2x50xf32>
    %get3A_807 = arith.constant 0 : index
    %get3A_808 = arith.constant 0 : index
    %get3A_809 = vector.load %arg8[%get3A_807, %get3A_808] : memref<1x50xf32, #tpu.memory_space<vmem>>, vector<1x50xf32>
    %add3A_810 = vector.broadcast %get3A_809 : vector<1x50xf32> to vector<2x50xf32>
    %add3A_811 = arith.addf %dot_general3A_806, %add3A_810 : vector<2x50xf32>
    %max3A_812 = arith.constant 0.000000e+00 : f32
    %max3A_813 = vector.broadcast %max3A_812 : f32 to vector<2x50xf32>
    %max3A_814 = arith.maximumf %add3A_811, %max3A_813 : vector<2x50xf32>
    %get3A_815 = arith.constant 0 : index
    %get3A_816 = arith.constant 0 : index
    %get3A_817 = vector.load %arg7[%get3A_815, %get3A_816] : memref<268x50xf32, #tpu.memory_space<vmem>>, vector<268x50xf32>
    %dot_general3A_818 = arith.constant dense<0.000000e+00> : vector<2x50xf32>
    %dot_general3A_819 = tpu.matmul %add3A_747, %get3A_817, %dot_general3A_818 {dimension_numbers = #tpu.dot_dimension_numbers<[0], [0], [1], [1], [0, 1, 1, 1], [], []>, transpose_lhs_hint = false} : vector<268x2xf32>, vector<268x50xf32>, vector<2x50xf32> -> vector<2x50xf32>
    %get3A_820 = arith.constant 0 : index
    %get3A_821 = arith.constant 0 : index
    %get3A_822 = vector.load %arg8[%get3A_820, %get3A_821] : memref<1x50xf32, #tpu.memory_space<vmem>>, vector<1x50xf32>
    %add3A_823 = vector.broadcast %get3A_822 : vector<1x50xf32> to vector<2x50xf32>
    %add3A_824 = arith.addf %dot_general3A_819, %add3A_823 : vector<2x50xf32>
    %max3A_825 = arith.constant 0.000000e+00 : f32
    %max3A_826 = vector.broadcast %max3A_825 : f32 to vector<2x50xf32>
    %max3A_827 = arith.maximumf %add3A_824, %max3A_826 : vector<2x50xf32>
    %get3A_828 = arith.constant 0 : index
    %get3A_829 = arith.constant 0 : index
    %get3A_830 = vector.load %arg7[%get3A_828, %get3A_829] : memref<268x50xf32, #tpu.memory_space<vmem>>, vector<268x50xf32>
    %dot_general3A_831 = arith.constant dense<0.000000e+00> : vector<2x50xf32>
    %dot_general3A_832 = tpu.matmul %add3A_756, %get3A_830, %dot_general3A_831 {dimension_numbers = #tpu.dot_dimension_numbers<[0], [0], [1], [1], [0, 1, 1, 1], [], []>, transpose_lhs_hint = false} : vector<268x2xf32>, vector<268x50xf32>, vector<2x50xf32> -> vector<2x50xf32>
    %get3A_833 = arith.constant 0 : index
    %get3A_834 = arith.constant 0 : index
    %get3A_835 = vector.load %arg8[%get3A_833, %get3A_834] : memref<1x50xf32, #tpu.memory_space<vmem>>, vector<1x50xf32>
    %add3A_836 = vector.broadcast %get3A_835 : vector<1x50xf32> to vector<2x50xf32>
    %add3A_837 = arith.addf %dot_general3A_832, %add3A_836 : vector<2x50xf32>
    %max3A_838 = arith.constant 0.000000e+00 : f32
    %max3A_839 = vector.broadcast %max3A_838 : f32 to vector<2x50xf32>
    %max3A_840 = arith.maximumf %add3A_837, %max3A_839 : vector<2x50xf32>
    %get3A_841 = arith.constant 0 : index
    %get3A_842 = arith.constant 0 : index
    %get3A_843 = vector.load %arg7[%get3A_841, %get3A_842] : memref<268x50xf32, #tpu.memory_space<vmem>>, vector<268x50xf32>
    %dot_general3A_844 = arith.constant dense<0.000000e+00> : vector<2x50xf32>
    %dot_general3A_845 = tpu.matmul %add3A_765, %get3A_843, %dot_general3A_844 {dimension_numbers = #tpu.dot_dimension_numbers<[0], [0], [1], [1], [0, 1, 1, 1], [], []>, transpose_lhs_hint = false} : vector<268x2xf32>, vector<268x50xf32>, vector<2x50xf32> -> vector<2x50xf32>
    %get3A_846 = arith.constant 0 : index
    %get3A_847 = arith.constant 0 : index
    %get3A_848 = vector.load %arg8[%get3A_846, %get3A_847] : memref<1x50xf32, #tpu.memory_space<vmem>>, vector<1x50xf32>
    %add3A_849 = vector.broadcast %get3A_848 : vector<1x50xf32> to vector<2x50xf32>
    %add3A_850 = arith.addf %dot_general3A_845, %add3A_849 : vector<2x50xf32>
    %max3A_851 = arith.constant 0.000000e+00 : f32
    %max3A_852 = vector.broadcast %max3A_851 : f32 to vector<2x50xf32>
    %max3A_853 = arith.maximumf %add3A_850, %max3A_852 : vector<2x50xf32>
    %get3A_854 = arith.constant 0 : index
    %get3A_855 = arith.constant 0 : index
    %get3A_856 = vector.load %arg7[%get3A_854, %get3A_855] : memref<268x50xf32, #tpu.memory_space<vmem>>, vector<268x50xf32>
    %dot_general3A_857 = arith.constant dense<0.000000e+00> : vector<2x50xf32>
    %dot_general3A_858 = tpu.matmul %add3A_774, %get3A_856, %dot_general3A_857 {dimension_numbers = #tpu.dot_dimension_numbers<[0], [0], [1], [1], [0, 1, 1, 1], [], []>, transpose_lhs_hint = false} : vector<268x2xf32>, vector<268x50xf32>, vector<2x50xf32> -> vector<2x50xf32>
    %get3A_859 = arith.constant 0 : index
    %get3A_860 = arith.constant 0 : index
    %get3A_861 = vector.load %arg8[%get3A_859, %get3A_860] : memref<1x50xf32, #tpu.memory_space<vmem>>, vector<1x50xf32>
    %add3A_862 = vector.broadcast %get3A_861 : vector<1x50xf32> to vector<2x50xf32>
    %add3A_863 = arith.addf %dot_general3A_858, %add3A_862 : vector<2x50xf32>
    %max3A_864 = arith.constant 0.000000e+00 : f32
    %max3A_865 = vector.broadcast %max3A_864 : f32 to vector<2x50xf32>
    %max3A_866 = arith.maximumf %add3A_863, %max3A_865 : vector<2x50xf32>
    %get3A_867 = arith.constant 0 : index
    %get3A_868 = arith.constant 0 : index
    %get3A_869 = vector.load %arg7[%get3A_867, %get3A_868] : memref<268x50xf32, #tpu.memory_space<vmem>>, vector<268x50xf32>
    %dot_general3A_870 = arith.constant dense<0.000000e+00> : vector<2x50xf32>
    %dot_general3A_871 = tpu.matmul %add3A_783, %get3A_869, %dot_general3A_870 {dimension_numbers = #tpu.dot_dimension_numbers<[0], [0], [1], [1], [0, 1, 1, 1], [], []>, transpose_lhs_hint = false} : vector<268x2xf32>, vector<268x50xf32>, vector<2x50xf32> -> vector<2x50xf32>
    %get3A_872 = arith.constant 0 : index
    %get3A_873 = arith.constant 0 : index
    %get3A_874 = vector.load %arg8[%get3A_872, %get3A_873] : memref<1x50xf32, #tpu.memory_space<vmem>>, vector<1x50xf32>
    %add3A_875 = vector.broadcast %get3A_874 : vector<1x50xf32> to vector<2x50xf32>
    %add3A_876 = arith.addf %dot_general3A_871, %add3A_875 : vector<2x50xf32>
    %max3A_877 = arith.constant 0.000000e+00 : f32
    %max3A_878 = vector.broadcast %max3A_877 : f32 to vector<2x50xf32>
    %max3A_879 = arith.maximumf %add3A_876, %max3A_878 : vector<2x50xf32>
    %get3A_880 = arith.constant 0 : index
    %get3A_881 = arith.constant 0 : index
    %get3A_882 = vector.load %arg7[%get3A_880, %get3A_881] : memref<268x50xf32, #tpu.memory_space<vmem>>, vector<268x50xf32>
    %dot_general3A_883 = arith.constant dense<0.000000e+00> : vector<2x50xf32>
    %dot_general3A_884 = tpu.matmul %add3A_792, %get3A_882, %dot_general3A_883 {dimension_numbers = #tpu.dot_dimension_numbers<[0], [0], [1], [1], [0, 1, 1, 1], [], []>, transpose_lhs_hint = false} : vector<268x2xf32>, vector<268x50xf32>, vector<2x50xf32> -> vector<2x50xf32>
    %get3A_885 = arith.constant 0 : index
    %get3A_886 = arith.constant 0 : index
    %get3A_887 = vector.load %arg8[%get3A_885, %get3A_886] : memref<1x50xf32, #tpu.memory_space<vmem>>, vector<1x50xf32>
    %add3A_888 = vector.broadcast %get3A_887 : vector<1x50xf32> to vector<2x50xf32>
    %add3A_889 = arith.addf %dot_general3A_884, %add3A_888 : vector<2x50xf32>
    %max3A_890 = arith.constant 0.000000e+00 : f32
    %max3A_891 = vector.broadcast %max3A_890 : f32 to vector<2x50xf32>
    %max3A_892 = arith.maximumf %add3A_889, %max3A_891 : vector<2x50xf32>
    %get3A_893 = arith.constant 0 : index
    %get3A_894 = arith.constant 0 : index
    %get3A_895 = vector.load %arg7[%get3A_893, %get3A_894] : memref<268x50xf32, #tpu.memory_space<vmem>>, vector<268x50xf32>
    %dot_general3A_896 = arith.constant dense<0.000000e+00> : vector<2x50xf32>
    %dot_general3A_897 = tpu.matmul %add3A_801, %get3A_895, %dot_general3A_896 {dimension_numbers = #tpu.dot_dimension_numbers<[0], [0], [1], [1], [0, 1, 1, 1], [], []>, transpose_lhs_hint = false} : vector<268x2xf32>, vector<268x50xf32>, vector<2x50xf32> -> vector<2x50xf32>
    %get3A_898 = arith.constant 0 : index
    %get3A_899 = arith.constant 0 : index
    %get3A_900 = vector.load %arg8[%get3A_898, %get3A_899] : memref<1x50xf32, #tpu.memory_space<vmem>>, vector<1x50xf32>
    %add3A_901 = vector.broadcast %get3A_900 : vector<1x50xf32> to vector<2x50xf32>
    %add3A_902 = arith.addf %dot_general3A_897, %add3A_901 : vector<2x50xf32>
    %max3A_903 = arith.constant 0.000000e+00 : f32
    %max3A_904 = vector.broadcast %max3A_903 : f32 to vector<2x50xf32>
    %max3A_905 = arith.maximumf %add3A_902, %max3A_904 : vector<2x50xf32>
    %get3A_906 = arith.constant 0 : index
    %get3A_907 = arith.constant 0 : index
    %get3A_908 = vector.load %arg9[%get3A_906, %get3A_907] : memref<50x1xf32, #tpu.memory_space<vmem>>, vector<50x1xf32>
    %dot_general3A_909 = arith.constant dense<0.000000e+00> : vector<1x2xf32>
    %dot_general3A_910 = tpu.matmul %get3A_908, %max3A_814, %dot_general3A_909 {dimension_numbers = #tpu.dot_dimension_numbers<[0], [1], [1], [0], [0, 1, 1, 0], [], []>, transpose_lhs_hint = false} : vector<50x1xf32>, vector<2x50xf32>, vector<1x2xf32> -> vector<1x2xf32>
    %get3A_911 = arith.constant 0 : index
    %get3A_912 = arith.constant 0 : index
    %get3A_913 = vector.load %arg9[%get3A_911, %get3A_912] : memref<50x1xf32, #tpu.memory_space<vmem>>, vector<50x1xf32>
    %dot_general3A_914 = arith.constant dense<0.000000e+00> : vector<1x2xf32>
    %dot_general3A_915 = tpu.matmul %get3A_913, %max3A_827, %dot_general3A_914 {dimension_numbers = #tpu.dot_dimension_numbers<[0], [1], [1], [0], [0, 1, 1, 0], [], []>, transpose_lhs_hint = false} : vector<50x1xf32>, vector<2x50xf32>, vector<1x2xf32> -> vector<1x2xf32>
    %get3A_916 = arith.constant 0 : index
    %get3A_917 = arith.constant 0 : index
    %get3A_918 = vector.load %arg9[%get3A_916, %get3A_917] : memref<50x1xf32, #tpu.memory_space<vmem>>, vector<50x1xf32>
    %dot_general3A_919 = arith.constant dense<0.000000e+00> : vector<1x2xf32>
    %dot_general3A_920 = tpu.matmul %get3A_918, %max3A_840, %dot_general3A_919 {dimension_numbers = #tpu.dot_dimension_numbers<[0], [1], [1], [0], [0, 1, 1, 0], [], []>, transpose_lhs_hint = false} : vector<50x1xf32>, vector<2x50xf32>, vector<1x2xf32> -> vector<1x2xf32>
    %get3A_921 = arith.constant 0 : index
    %get3A_922 = arith.constant 0 : index
    %get3A_923 = vector.load %arg9[%get3A_921, %get3A_922] : memref<50x1xf32, #tpu.memory_space<vmem>>, vector<50x1xf32>
    %dot_general3A_924 = arith.constant dense<0.000000e+00> : vector<1x2xf32>
    %dot_general3A_925 = tpu.matmul %get3A_923, %max3A_853, %dot_general3A_924 {dimension_numbers = #tpu.dot_dimension_numbers<[0], [1], [1], [0], [0, 1, 1, 0], [], []>, transpose_lhs_hint = false} : vector<50x1xf32>, vector<2x50xf32>, vector<1x2xf32> -> vector<1x2xf32>
    %get3A_926 = arith.constant 0 : index
    %get3A_927 = arith.constant 0 : index
    %get3A_928 = vector.load %arg9[%get3A_926, %get3A_927] : memref<50x1xf32, #tpu.memory_space<vmem>>, vector<50x1xf32>
    %dot_general3A_929 = arith.constant dense<0.000000e+00> : vector<1x2xf32>
    %dot_general3A_930 = tpu.matmul %get3A_928, %max3A_866, %dot_general3A_929 {dimension_numbers = #tpu.dot_dimension_numbers<[0], [1], [1], [0], [0, 1, 1, 0], [], []>, transpose_lhs_hint = false} : vector<50x1xf32>, vector<2x50xf32>, vector<1x2xf32> -> vector<1x2xf32>
    %get3A_931 = arith.constant 0 : index
    %get3A_932 = arith.constant 0 : index
    %get3A_933 = vector.load %arg9[%get3A_931, %get3A_932] : memref<50x1xf32, #tpu.memory_space<vmem>>, vector<50x1xf32>
    %dot_general3A_934 = arith.constant dense<0.000000e+00> : vector<1x2xf32>
    %dot_general3A_935 = tpu.matmul %get3A_933, %max3A_879, %dot_general3A_934 {dimension_numbers = #tpu.dot_dimension_numbers<[0], [1], [1], [0], [0, 1, 1, 0], [], []>, transpose_lhs_hint = false} : vector<50x1xf32>, vector<2x50xf32>, vector<1x2xf32> -> vector<1x2xf32>
    %get3A_936 = arith.constant 0 : index
    %get3A_937 = arith.constant 0 : index
    %get3A_938 = vector.load %arg9[%get3A_936, %get3A_937] : memref<50x1xf32, #tpu.memory_space<vmem>>, vector<50x1xf32>
    %dot_general3A_939 = arith.constant dense<0.000000e+00> : vector<1x2xf32>
    %dot_general3A_940 = tpu.matmul %get3A_938, %max3A_892, %dot_general3A_939 {dimension_numbers = #tpu.dot_dimension_numbers<[0], [1], [1], [0], [0, 1, 1, 0], [], []>, transpose_lhs_hint = false} : vector<50x1xf32>, vector<2x50xf32>, vector<1x2xf32> -> vector<1x2xf32>
    %get3A_941 = arith.constant 0 : index
    %get3A_942 = arith.constant 0 : index
    %get3A_943 = vector.load %arg9[%get3A_941, %get3A_942] : memref<50x1xf32, #tpu.memory_space<vmem>>, vector<50x1xf32>
    %dot_general3A_944 = arith.constant dense<0.000000e+00> : vector<1x2xf32>
    %dot_general3A_945 = tpu.matmul %get3A_943, %max3A_905, %dot_general3A_944 {dimension_numbers = #tpu.dot_dimension_numbers<[0], [1], [1], [0], [0, 1, 1, 0], [], []>, transpose_lhs_hint = false} : vector<50x1xf32>, vector<2x50xf32>, vector<1x2xf32> -> vector<1x2xf32>
    %get3A_946 = arith.constant 0 : index
    %get3A_947 = arith.constant 0 : index
    %get3A_948 = vector.load %arg10[%get3A_946, %get3A_947] : memref<1x1xf32, #tpu.memory_space<vmem>>, vector<1x1xf32>
    %add3A_949 = vector.broadcast %get3A_948 : vector<1x1xf32> to vector<1x2xf32>
    %add3A_950 = arith.addf %dot_general3A_910, %add3A_949 : vector<1x2xf32>
    %swap3A = arith.constant 0 : index
    %swap3A_951 = arith.constant 0 : index
    %swap3A_952 = arith.constant 0 : index
    %swap3A_953 = vector.load %arg11[%swap3A, %swap3A_951, %swap3A_952] : memref<8x1x2xf32, #tpu.memory_space<vmem>>, vector<1x1x2xf32>
    %swap3A_954 = vector.shape_cast %swap3A_953 : vector<1x1x2xf32> to vector<1x2xf32>
    %swap3A_955 = vector.shape_cast %add3A_950 : vector<1x2xf32> to vector<1x1x2xf32>
    tpu.vector_store %arg11[%swap3A, %swap3A_951, %swap3A_952], %swap3A_955 {strides = array<i32>} : memref<8x1x2xf32, #tpu.memory_space<vmem>>, vector<1x1x2xf32>,
    %get3A_956 = arith.constant 0 : index
    %get3A_957 = arith.constant 0 : index
    %get3A_958 = vector.load %arg10[%get3A_956, %get3A_957] : memref<1x1xf32, #tpu.memory_space<vmem>>, vector<1x1xf32>
    %add3A_959 = vector.broadcast %get3A_958 : vector<1x1xf32> to vector<1x2xf32>
    %add3A_960 = arith.addf %dot_general3A_915, %add3A_959 : vector<1x2xf32>
    %swap3A_961 = arith.constant 1 : index
    %swap3A_962 = arith.constant 0 : index
    %swap3A_963 = arith.constant 0 : index
    %swap3A_964 = vector.load %arg11[%swap3A_961, %swap3A_962, %swap3A_963] : memref<8x1x2xf32, #tpu.memory_space<vmem>>, vector<1x1x2xf32>
    %swap3A_965 = vector.shape_cast %swap3A_964 : vector<1x1x2xf32> to vector<1x2xf32>
    %swap3A_966 = vector.shape_cast %add3A_960 : vector<1x2xf32> to vector<1x1x2xf32>
    tpu.vector_store %arg11[%swap3A_961, %swap3A_962, %swap3A_963], %swap3A_966 {strides = array<i32>} : memref<8x1x2xf32, #tpu.memory_space<vmem>>, vector<1x1x2xf32>,
    %get3A_967 = arith.constant 0 : index
    %get3A_968 = arith.constant 0 : index
    %get3A_969 = vector.load %arg10[%get3A_967, %get3A_968] : memref<1x1xf32, #tpu.memory_space<vmem>>, vector<1x1xf32>
    %add3A_970 = vector.broadcast %get3A_969 : vector<1x1xf32> to vector<1x2xf32>
    %add3A_971 = arith.addf %dot_general3A_920, %add3A_970 : vector<1x2xf32>
    %swap3A_972 = arith.constant 2 : index
    %swap3A_973 = arith.constant 0 : index
    %swap3A_974 = arith.constant 0 : index
    %swap3A_975 = vector.load %arg11[%swap3A_972, %swap3A_973, %swap3A_974] : memref<8x1x2xf32, #tpu.memory_space<vmem>>, vector<1x1x2xf32>
    %swap3A_976 = vector.shape_cast %swap3A_975 : vector<1x1x2xf32> to vector<1x2xf32>
    %swap3A_977 = vector.shape_cast %add3A_971 : vector<1x2xf32> to vector<1x1x2xf32>
    tpu.vector_store %arg11[%swap3A_972, %swap3A_973, %swap3A_974], %swap3A_977 {strides = array<i32>} : memref<8x1x2xf32, #tpu.memory_space<vmem>>, vector<1x1x2xf32>,
    %get3A_978 = arith.constant 0 : index
    %get3A_979 = arith.constant 0 : index
    %get3A_980 = vector.load %arg10[%get3A_978, %get3A_979] : memref<1x1xf32, #tpu.memory_space<vmem>>, vector<1x1xf32>
    %add3A_981 = vector.broadcast %get3A_980 : vector<1x1xf32> to vector<1x2xf32>
    %add3A_982 = arith.addf %dot_general3A_925, %add3A_981 : vector<1x2xf32>
    %swap3A_983 = arith.constant 3 : index
    %swap3A_984 = arith.constant 0 : index
    %swap3A_985 = arith.constant 0 : index
    %swap3A_986 = vector.load %arg11[%swap3A_983, %swap3A_984, %swap3A_985] : memref<8x1x2xf32, #tpu.memory_space<vmem>>, vector<1x1x2xf32>
    %swap3A_987 = vector.shape_cast %swap3A_986 : vector<1x1x2xf32> to vector<1x2xf32>
    %swap3A_988 = vector.shape_cast %add3A_982 : vector<1x2xf32> to vector<1x1x2xf32>
    tpu.vector_store %arg11[%swap3A_983, %swap3A_984, %swap3A_985], %swap3A_988 {strides = array<i32>} : memref<8x1x2xf32, #tpu.memory_space<vmem>>, vector<1x1x2xf32>,
    %get3A_989 = arith.constant 0 : index
    %get3A_990 = arith.constant 0 : index
    %get3A_991 = vector.load %arg10[%get3A_989, %get3A_990] : memref<1x1xf32, #tpu.memory_space<vmem>>, vector<1x1xf32>
    %add3A_992 = vector.broadcast %get3A_991 : vector<1x1xf32> to vector<1x2xf32>
    %add3A_993 = arith.addf %dot_general3A_930, %add3A_992 : vector<1x2xf32>
    %swap3A_994 = arith.constant 4 : index
    %swap3A_995 = arith.constant 0 : index
    %swap3A_996 = arith.constant 0 : index
    %swap3A_997 = vector.load %arg11[%swap3A_994, %swap3A_995, %swap3A_996] : memref<8x1x2xf32, #tpu.memory_space<vmem>>, vector<1x1x2xf32>
    %swap3A_998 = vector.shape_cast %swap3A_997 : vector<1x1x2xf32> to vector<1x2xf32>
    %swap3A_999 = vector.shape_cast %add3A_993 : vector<1x2xf32> to vector<1x1x2xf32>
    tpu.vector_store %arg11[%swap3A_994, %swap3A_995, %swap3A_996], %swap3A_999 {strides = array<i32>} : memref<8x1x2xf32, #tpu.memory_space<vmem>>, vector<1x1x2xf32>,
    %get3A_1000 = arith.constant 0 : index
    %get3A_1001 = arith.constant 0 : index
    %get3A_1002 = vector.load %arg10[%get3A_1000, %get3A_1001] : memref<1x1xf32, #tpu.memory_space<vmem>>, vector<1x1xf32>
    %add3A_1003 = vector.broadcast %get3A_1002 : vector<1x1xf32> to vector<1x2xf32>
    %add3A_1004 = arith.addf %dot_general3A_935, %add3A_1003 : vector<1x2xf32>
    %swap3A_1005 = arith.constant 5 : index
    %swap3A_1006 = arith.constant 0 : index
    %swap3A_1007 = arith.constant 0 : index
    %swap3A_1008 = vector.load %arg11[%swap3A_1005, %swap3A_1006, %swap3A_1007] : memref<8x1x2xf32, #tpu.memory_space<vmem>>, vector<1x1x2xf32>
    %swap3A_1009 = vector.shape_cast %swap3A_1008 : vector<1x1x2xf32> to vector<1x2xf32>
    %swap3A_1010 = vector.shape_cast %add3A_1004 : vector<1x2xf32> to vector<1x1x2xf32>
    tpu.vector_store %arg11[%swap3A_1005, %swap3A_1006, %swap3A_1007], %swap3A_1010 {strides = array<i32>} : memref<8x1x2xf32, #tpu.memory_space<vmem>>, vector<1x1x2xf32>,
    %get3A_1011 = arith.constant 0 : index
    %get3A_1012 = arith.constant 0 : index
    %get3A_1013 = vector.load %arg10[%get3A_1011, %get3A_1012] : memref<1x1xf32, #tpu.memory_space<vmem>>, vector<1x1xf32>
    %add3A_1014 = vector.broadcast %get3A_1013 : vector<1x1xf32> to vector<1x2xf32>
    %add3A_1015 = arith.addf %dot_general3A_940, %add3A_1014 : vector<1x2xf32>
    %swap3A_1016 = arith.constant 6 : index
    %swap3A_1017 = arith.constant 0 : index
    %swap3A_1018 = arith.constant 0 : index
    %swap3A_1019 = vector.load %arg11[%swap3A_1016, %swap3A_1017, %swap3A_1018] : memref<8x1x2xf32, #tpu.memory_space<vmem>>, vector<1x1x2xf32>
    %swap3A_1020 = vector.shape_cast %swap3A_1019 : vector<1x1x2xf32> to vector<1x2xf32>
    %swap3A_1021 = vector.shape_cast %add3A_1015 : vector<1x2xf32> to vector<1x1x2xf32>
    tpu.vector_store %arg11[%swap3A_1016, %swap3A_1017, %swap3A_1018], %swap3A_1021 {strides = array<i32>} : memref<8x1x2xf32, #tpu.memory_space<vmem>>, vector<1x1x2xf32>,
    %get3A_1022 = arith.constant 0 : index
    %get3A_1023 = arith.constant 0 : index
    %get3A_1024 = vector.load %arg10[%get3A_1022, %get3A_1023] : memref<1x1xf32, #tpu.memory_space<vmem>>, vector<1x1xf32>
    %add3A_1025 = vector.broadcast %get3A_1024 : vector<1x1xf32> to vector<1x2xf32>
    %add3A_1026 = arith.addf %dot_general3A_945, %add3A_1025 : vector<1x2xf32>
    %swap3A_1027 = arith.constant 7 : index
    %swap3A_1028 = arith.constant 0 : index
    %swap3A_1029 = arith.constant 0 : index
    %swap3A_1030 = vector.load %arg11[%swap3A_1027, %swap3A_1028, %swap3A_1029] : memref<8x1x2xf32, #tpu.memory_space<vmem>>, vector<1x1x2xf32>
    %swap3A_1031 = vector.shape_cast %swap3A_1030 : vector<1x1x2xf32> to vector<1x2xf32>
    %swap3A_1032 = vector.shape_cast %add3A_1026 : vector<1x2xf32> to vector<1x1x2xf32>
    tpu.vector_store %arg11[%swap3A_1027, %swap3A_1028, %swap3A_1029], %swap3A_1032 {strides = array<i32>} : memref<8x1x2xf32, #tpu.memory_space<vmem>>, vector<1x1x2xf32>,
    return
  }
  func.func @transform_0(%arg0: i32) -> (i32, i32, i32) {
    %c0_i32 = arith.constant 0 : i32
    %c0_i32_0 = arith.constant 0 : i32
    %c0_i32_1 = arith.constant 0 : i32
    return %arg0, %c0_i32, %c0_i32_0 : i32, i32, i32
  }
  func.func @transform_1(%arg0: i32) -> (i32, i32, i32) {
    %add3A = arith.constant 4 : i32
    %add3A_0 = arith.addi %arg0, %add3A : i32
    %c0_i32 = arith.constant 0 : i32
    %c0_i32_1 = arith.constant 0 : i32
    %c0_i32_2 = arith.constant 0 : i32
    return %add3A_0, %c0_i32, %c0_i32_1 : i32, i32, i32
  }
  func.func @transform_2(%arg0: i32) -> (i32, i32) {
    %c0_i32 = arith.constant 0 : i32
    %c0_i32_0 = arith.constant 0 : i32
    %c0_i32_1 = arith.constant 0 : i32
    return %c0_i32, %c0_i32_0 : i32, i32
  }
  func.func @transform_3(%arg0: i32) -> (i32, i32) {
    %c0_i32 = arith.constant 0 : i32
    %c0_i32_0 = arith.constant 0 : i32
    %c0_i32_1 = arith.constant 0 : i32
    return %c0_i32, %c0_i32_0 : i32, i32
  }
  func.func @transform_4(%arg0: i32) -> (i32, i32) {
    %c0_i32 = arith.constant 0 : i32
    %c0_i32_0 = arith.constant 0 : i32
    %c0_i32_1 = arith.constant 0 : i32
    return %c0_i32, %c0_i32_0 : i32, i32
  }
  func.func @transform_5(%arg0: i32) -> (i32, i32) {
    %c0_i32 = arith.constant 0 : i32
    %c0_i32_0 = arith.constant 0 : i32
    %c0_i32_1 = arith.constant 0 : i32
    return %c0_i32, %c0_i32_0 : i32, i32
  }
  func.func @transform_6(%arg0: i32) -> (i32, i32) {
    %c0_i32 = arith.constant 0 : i32
    %c0_i32_0 = arith.constant 0 : i32
    %c0_i32_1 = arith.constant 0 : i32
    return %c0_i32, %c0_i32_0 : i32, i32
  }
  func.func @transform_7(%arg0: i32) -> (i32, i32) {
    %c0_i32 = arith.constant 0 : i32
    %c0_i32_0 = arith.constant 0 : i32
    %c0_i32_1 = arith.constant 0 : i32
    return %c0_i32, %c0_i32_0 : i32, i32
  }
  func.func @transform_8(%arg0: i32) -> (i32, i32) {
    %c0_i32 = arith.constant 0 : i32
    %c0_i32_0 = arith.constant 0 : i32
    %c0_i32_1 = arith.constant 0 : i32
    return %c0_i32, %c0_i32_0 : i32, i32
  }
  func.func @transform_9(%arg0: i32) -> (i32, i32) {
    %c0_i32 = arith.constant 0 : i32
    %c0_i32_0 = arith.constant 0 : i32
    %c0_i32_1 = arith.constant 0 : i32
    return %c0_i32, %c0_i32_0 : i32, i32
  }
  func.func @transform_10(%arg0: i32) -> (i32, i32, i32) {
    %c0_i32 = arith.constant 0 : i32
    %c0_i32_0 = arith.constant 0 : i32
    %c0_i32_1 = arith.constant 0 : i32
    return %arg0, %c0_i32, %c0_i32_0 : i32, i32, i32
  }
}

</mosaic_0001>

<sc_bundles>
// kernel: kernel.6.cloned.1.call-start
scs
__scs_entry_jumppad:
0x0: {  	(pc) =	sbr.rel $0x88, $3  }
0x1: {  	(tag) =	ssettag $0x0;
	lr =	simm.s32 $0x1  }
0x2: {  	[smem:$0x3F96] =	sst lr;
	_ =	strace $0xD0000000  }
0x3: {  	_ = 	snop  }
0x4: {  	_ = 	snop  }
0x5: {  	_ = 	snop  }
0x6: {  	_ = 	snop  }
0x7: {  	_ = 	snop  }
__scs_overlays_trampoline_lowered:
0x8: {  	[smem:$0x3FA5] =	sst s0  }
0x9: {  	[smem:$0x3FA6] =	sst s1  }
0xa: {  	[smem:$0x3FA7] =	sst s2  }
0xb: {  	[smem:$0x3FA8] =	sst s3  }
0xc: {  	[smem:$0x3FA9] =	sst s4  }
0xd: {  	[smem:$0x3FAA] =	sst s5  }
0xe: {  	[smem:$0x3FAB] =	sst s6  }
0xf: {  	[smem:$0x3FAC] =	sst s7  }
0x10: {  	[smem:$0x3FAD] =	sst s8  }
0x11: {  	[smem:$0x3FAE] =	sst s9;
	s0 =	simm.s32 @!p0 $0x0  }
0x12: {  	s1 =	sld [smem:$0x3F94];
	s0 =	simm.s32 @p0 $0x1  }
0x13: {  	[smem:$0x3FAF] =	sst s0;
	s0 =	simm.s32 @!p1 $0x0  }
0x14: {  	s2 =	sld [smem:$0x3F93];
	s0 =	simm.s32 @p1 $0x1  }
0x15: {  	[smem:$0x3FB0] =	sst s0;
	s0 =	simm.s32 @!p2 $0x0  }
0x16: {  	s3 =	sld [smem:$0x3FDB];
	s0 =	simm.s32 @p2 $0x1  }
0x17: {  	s4 =	simm.s32 $0x1BF5;
	[smem:$0x3FB2] =	sst s0  }
0x18: {  	s0 =	sld [smem:$0x3F95];
	_ =	swait.ge [sflag:s4], $0x0  }
0x19: {  	s7 =	sld [smem:$0x3F96]  }
0x1a: {  	s8 =	sadd.s32 $0xFFFFE003, lr  }
0x1b: {  	s9 =	sadd.s32 $0xFFFFFEF7, lr;
	s5 =	simm.s32 $0xFFFFFFFF;
	p2 =	slt.u32 s8, $0xFFFFF086  }
0x1c: {  	p1 =	slt.u32 s9, $0xF7A;
	s5 =	simm.s32 @!p2 $0x0  }
0x1d: {  	s5 =	simm.s32 @p1 $0x1;
	p0 =	seq.s32 s7, s2  }
0x1e: {  	s7 =	smul.u32 @!p0 $0xF7A, s2;
	p2 =	seq.s32 @!p0 s5, $0x0  }
0x1f: {  	s9 =	smul.u32 $0xF7A, s1;
	s8 =	simm.s32 @!p0 $0x1BF5;
	p2 =	por !p2, p0  }
0x20: {  	[sflag:s8] =	ssyncset.s32 @!p0 $0xFFFFF086;
	s6 =	sadd.s32 @!p0 s3, s7;
	s7 =	simm.s32 @!p0 $0x108  }
0x21: {  	s3 =	sadd.s32 s3, s9;
	s6 =	sadd.s32 @!p0 $0x88, s6;
	s7 =	simm.s32 @p2 $0x1082  }
0x22: {  	[simem:s7], [sflag:s8] =	dma.local @!p0 [hbm:s6], $0xF7A  }
0x23: {  	s9 =	sor.u32 $0xD0000000, s2;
	s6 =	simm.s32 $0x108;
	_ =	swait.ge @!p0 [sflag:s8], $0x0  }
0x24: {  	s3 =	sadd.s32 $0x88, s3;
	s6 =	simm.s32 @!p1 $0x1082;
	[sflag:s4] =	ssyncset.s32 $0xFFFFF086  }
0x25: {  	[simem:s6], [sflag:s4] =	dma.local [hbm:s3], $0xF7A  }
0x26: {  	[smem:$0x3F96] =	sst s1;
	(tag) =	ssettag s2;
	_ =	strace s9  }
0x27: {  	s1 =	sld [smem:$0x3FA6]  }
0x28: {  	s2 =	sld [smem:$0x3FA7]  }
0x29: {  	s4 =	sld [smem:$0x3FA9]  }
0x2a: {  	p0 =	seq.s32 s5, $0x0;
	s5 =	sld [smem:$0x3FAA]  }
0x2b: {  	s6 =	sld [smem:$0x3FAB]  }
0x2c: {  	s7 =	sld [smem:$0x3FAC]  }
0x2d: {  	s3 =	simm.s32 $0x108;
	s8 =	sld [smem:$0x3FAD]  }
0x2e: {  	s3 =	simm.s32 @!p0 $0x1082;
	s9 =	sld [smem:$0x3FAE]  }
0x2f: {  	lr =	sadd.s32 s0, s3;
	s0 =	sld [smem:$0x3FA5]  }
0x30: {  	s3 =	sld [smem:$0x3FA8]  }
0x31: {  	[smem:$0x3FB1] =	sst s10  }
0x32: {  	s10 =	sld [smem:$0x3FAF];
	_ =	sdelay $0x3  }
0x33: {  	p0 =	seq.s32 s10, $0x1;
	s10 =	sld [smem:$0x3FB1];
	_ =	sdelay $0x3  }
0x34: {  	[smem:$0x3FB1] =	sst s10  }
0x35: {  	s10 =	sld [smem:$0x3FB0];
	_ =	sdelay $0x3  }
0x36: {  	p1 =	seq.s32 s10, $0x1;
	s10 =	sld [smem:$0x3FB1];
	_ =	sdelay $0x3  }
0x37: {  	[smem:$0x3FB1] =	sst s10  }
0x38: {  	s10 =	sld [smem:$0x3FB2]  }
0x39: {  	_ = 	snop;
	(pc) =	sbr.ind lr, $3  }
0x3a: {  	_ = 	snop  }
0x3b: {  	_ = 	snop  }
0x3c: {  	p2 =	seq.s32 s10, $0x1;
	s10 =	sld [smem:$0x3FB1]  }
0x3d: {  	_ =	shalt  }
0x3e: {  	_ =	shalt  }
0x3f: {  	_ =	shalt  }
0x40: {  	_ =	shalt  }
0x41: {  	_ =	shalt  }
0x42: {  	_ =	shalt  }
0x43: {  	_ =	shalt  }
0x44: {  	_ =	shalt  }
0x45: {  	_ =	shalt  }
0x46: {  	_ =	shalt  }
0x47: {  	_ =	shalt  }
0x48: {  	_ =	shalt  }
0x49: {  	_ =	shalt  }
0x4a: {  	_ =	shalt  }
0x4b: {  	_ =	shalt  }
0x4c: {  	_ =	shalt  }
0x4d: {  	_ =	shalt  }
0x4e: {  	_ =	shalt  }
0x4f: {  	_ =	shalt  }
0x50: {  	_ =	shalt  }
0x51: {  	_ =	shalt  }
0x52: {  	_ =	shalt  }
0x53: {  	_ =	shalt  }
0x54: {  	_ =	shalt  }
0x55: {  	_ =	shalt  }
0x56: {  	_ =	shalt  }
0x57: {  	_ =	shalt  }
0x58: {  	_ =	shalt  }
0x59: {  	_ =	shalt  }
0x5a: {  	_ =	shalt  }
0x5b: {  	_ =	shalt  }
0x5c: {  	_ =	shalt  }
0x5d: {  	_ =	shalt  }
0x5e: {  	_ =	shalt  }
0x5f: {  	_ =	shalt  }
0x60: {  	_ =	shalt  }
0x61: {  	_ =	shalt  }
0x62: {  	_ =	shalt  }
0x63: {  	_ =	shalt  }
0x64: {  	_ =	shalt  }
0x65: {  	_ =	shalt  }
0x66: {  	_ =	shalt  }
0x67: {  	_ =	shalt  }
0x68: {  	_ =	shalt  }
0x69: {  	_ =	shalt  }
0x6a: {  	_ =	shalt  }
0x6b: {  	_ =	shalt  }
0x6c: {  	_ =	shalt  }
0x6d: {  	_ =	shalt  }
0x6e: {  	_ =	shalt  }
0x6f: {  	_ =	shalt  }
0x70: {  	_ =	shalt  }
0x71: {  	_ =	shalt  }
0x72: {  	_ =	shalt  }
0x73: {  	_ =	shalt  }
0x74: {  	_ =	shalt  }
0x75: {  	_ =	shalt  }
0x76: {  	_ =	shalt  }
0x77: {  	_ =	shalt  }
0x78: {  	_ =	shalt  }
0x79: {  	_ =	shalt  }
0x7a: {  	_ =	shalt  }
0x7b: {  	_ =	shalt  }
0x7c: {  	_ =	shalt  }
0x7d: {  	_ =	shalt  }
0x7e: {  	_ =	shalt  }
0x7f: {  	_ =	shalt  }
0x80: {  	_ =	shalt  }
0x81: {  	_ =	shalt  }
0x82: {  	_ =	shalt  }
0x83: {  	_ =	shalt  }
0x84: {  	_ =	shalt  }
0x85: {  	_ =	shalt  }
0x86: {  	_ =	shalt  }
0x87: {  	_ =	shalt  }
.Lfunc_end0:
.L_simem_size_0:
called_computation_lowered:
.L_overlay_start_0:
0x88: {  	s2 =	sld [smem:$0x3FD9]  }
0x89: {  	s3 =	sld [smem:$0x3FFE];
	_ =	sdelay $0x1  }
0x8a: {  	s1 =	srdreg.scid  }
0x8b: {  	s0 =	sand.u32 $0x1, s1  }
0x8c: {  	s17 =	sshll.u32 s0, $0xA;
	s2 =	sadd.s32 s3, s2  }
0x8d: {  	s2 =	sadd.s32 s2, s17  }
0x8e: {  	[smem:$0x3FBD] =	sst s2  }
0x8f: {  	_ = 	snop  }
0x90: {  	s2 =	sld [smem:$0x3FC8]  }
0x91: {  	s18 =	sld [smem:$0x3FC7];
	(tm) =	ssettm $0x1  }
0x92: {  	s4 =	sld [smem:$0x3FFB];
	_ =	sdelay $0x3  }
0x93: {  	_ =	strace s4  }
0x94: {  	s4 =	sld [smem:$0x3FFC];
	_ =	sdelay $0x3  }
0x95: {  	_ =	strace s4  }
0x96: {  	s4 =	sld [smem:$0x3FFD];
	_ =	sdelay $0x3  }
0x97: {  	_ =	strace s4  }
0x98: {  	_ =	strace $0x8FFFFFFF  }
0x99: {  	s19 =	sld [smem:$0x3FDB];
	_ =	sdelay $0x1  }
0x9a: {  	s5 =	simm.s32 $_scs_section_size  }
0x9b: {  	s6 =	simm.s32 $_size__tile_overlayer_lowered;
	s7 =	simm.s32 $_tile_overlayer_lowered  }
0x9c: {  	s22 =	simm.s32 $0x1BFF;
	s21 =	sshll.u32 s7, $0x1;
	s4 =	sadd.s32 s5, s19  }
0x9d: {  	s8 =	simm.s32 $0x0;
	s20 =	sshll.u32 s6, $0x1;
	s6 =	sadd.s32 s21, s4  }
0x9e: {  	[timem:s8], [sflag:s22] =	dma.local [hbm:s6], s20  }
0x9f: {  	_ =	swait.ge [sflag:s22], s20  }
0xa0: {  	s5 =	ssub.s32 $0x0, s20;
	[sflag:s22] =	ssyncset.done $0x0  }
0xa1: {  	[sflag:s22] =	ssyncadd.s32 s5;
	_ =	sdelay $0x1  }
0xa2: {  	s23 =	simm.s32 $0x1B8B  }
0xa3: {  	_ =	swait.ge [sflag:s23], $0x1  }
0xa4: {  	[sflag:s23] =	ssyncset.done $0x0  }
0xa5: {  	s25 =	simm.s32 $0x1B8E;
	s24 =	sld [smem:$0x3FFE];
	[sflag:s23] =	ssyncadd.s32 $0xFFFFFFFF  }
0xa6: {  	s26 =	simm.s32 $execute0_lowered;
	[smem:$0x3FD2] =	sst s25  }
0xa7: {  	s6 =	sshll.u32 s26, $0x1;
	_ =	strace $0x80000046;
	[dreg:$0x1] =	wrdreg $0xFFFFFFFF  }
0xa8: {  	s28 =	simm.s32 $_size_execute0_lowered;
	s4 =	sadd.s32 s4, s6;
	[dreg:$0x0] =	wrdreg $0x0  }
0xa9: {  	s6 =	sshll.u32 s28, $0x1;
	[dreg:$0x2] =	wrdreg s4  }
0xaa: {  	[dreg:$0x3] =	wrdreg s6  }
0xab: {  	[dreg:$0x4] =	wrdreg $0xC0  }
0xac: {  	_ =	task [dreg:s8], $0x5FFFF  }
0xad: {  	[dreg:$0x1] =	wrdreg $0xFFFFFFFF  }
0xae: {  	[dreg:$0x0] =	wrdreg $0x60  }
0xaf: {  	[dreg:$0x2] =	wrdreg s2  }
0xb0: {  	[dreg:$0x3] =	wrdreg s18  }
0xb1: {  	[dreg:$0x4] =	wrdreg s24  }
0xb2: {  	[dreg:$0x5] =	wrdreg $0x9  }
0xb3: {  	_ =	task.clear_ibuf [dreg:s8], $0x6FFFF;
	_ =	strace $0x90000046  }
0xb4: {  	s29 =	simm.s32 $0x9;
	_ =	strace $0x80000048  }
0xb5: {  	_ =	swait.ge [sflag:s29], $0x1  }
0xb6: {  	[sflag:s29] =	ssyncadd.s32 $0xFFFFFFFF  }
0xb7: {  	_ =	strace $0x90000048  }
0xb8: {  	_ =	sfence  }
0xb9: {  	s30 =	sld [smem:$0x0];
	_ =	sdelay $0x2  }
0xba: {  	s31 =	sshll.u32 s1, $0xD;
	s1 =	sshrl.u32 s1, $0x2  }
0xbb: {  	s3 =	sand.u32 $0x4000, s31;
	s1 =	sadd.s32 s1, s30  }
0xbc: {  	s0 =	sor.u32 s3, s0;
	s1 =	sshll.u32 s1, $0x11  }
0xbd: {  	s0 =	sor.u32 s1, s0  }
0xbe: {  	s0 =	sadd.s32 $0x8F2B, s0  }
0xbf: {  	[sflag:s0] =	ssyncadd.remote.s32 $0x1  }
0xc0: {  	_ =	sfence.sel $0xFFFF  }
0xc1: {  	[dreg:$0x0] =	wrdreg $0xFFFFFFFF;
	(pc) =	sbr.abs _section_cstart, $3  }
0xc2: {  	[dreg:$0x1] =	wrdreg $0xFFFFFFFF  }
0xc3: {  	_ =	task.clear_ibuf [dreg:s8], $0x2FFFF;
	_ =	strace $0x9FFFFFFF  }
0xc4: {  	(tm) =	ssettm $0x7FFFFFFF  }
0xc5: {  	_ =	shalt  }
tec
execute0_lowered:
.L_overlay_start_1:
0x0: {  	(tag) =	ssettag $0x1  }
0x1: {  	vm1 =	vcmask $0x300;
	v0 =	vimm.s32 $0x80B  }
0x2: {  	vm0 =	vcmask $0xF00;
	vm2 =	vcmask $0x704;
	v0 =	vsel vm1, $0x47C, v0  }
0x3: {  	s3 =	rddreg [dreg:$0x0];
	v2 =	vimm.s32 $0x800;
	vm14 =	vcmask $0xB08;
	v0 =	vsel vm2, $0x47D, v0  }
0x4: {  	s1 =	srdreg.scid;
	v1 =	vimm.s32 $0x32107654;
	vm15 =	vcmask $0xF0C;
	s5 =	rddreg [dreg:$0x1];
	v0 =	vsel vm14, $0x47E, v0  }
0x5: {  	s0 =	stileid.u32;
	vm4 =	vcmask $0x1310;
	s6 =	rddreg [dreg:$0x2];
	v3 =	vimm.s32 $0x7F7E7D7C;
	v0 =	vsel vm15, $0x47F, v0  }
0x6: {  	vm5 =	vcmask $0x1714;
	s2 =	simm.s32 $0x0;
	vm6 =	vcmask $0x1B18;
	s11 =	simm.s32 $0x400;
	s12 =	simm.s32 $0x3800;
	v0 =	vsel vm4, $0x800, v0  }
0x7: {  	vm7 =	vcmask $0x1F1C;
	s13 =	simm.s32 $0x5400;
	s14 =	simm.s32 $0x1;
	s15 =	simm.s32 $0x2;
	v1 =	vunpack.c.l.s4.s8 v1;
	v0 =	vsel vm5, $0x801, v0  }
0x8: {  	vm8 =	vcmask $0x2320;
	vm9 =	vcmask $0x2F10;
	s4 =	sand.u32 $0x1, s1;
	s30 =	sshll.u32 s0, $0x1;
	s10 =	sshrl.u32 s0, $0x2;
	v0 =	vsel vm6, $0x802, v0  }
0x9: {  	vm3 =	vcmask $0x2724;
	[smem:$0x7FF] =	sst s2;
	s7 =	sor.u32 s4, s30;
	s10 =	smul.u32 $0xE000, s10;
	v1 =	vunpack.c.0.s8.s32 v1;
	v0 =	vsel vm7, $0x803, v0  }
0xa: {  	vm10 =	vcmask $0x2B28;
	s1 =	rddreg [dreg:$0x3];
	v3 =	vunpack.c.0.s8.s32 v3;
	_ =	strace $0x80000047;
	s8 =	smul.u32 $0x3300, s7;
	v0 =	vsel vm8, $0x804, v0  }
0xb: {  	vm11 =	vcmask $0x2F2C;
	s4 =	ssub.s32 $0x2, s4;
	s9 =	smul.u32 $0x700, s7;
	s7 =	sshll.u32 s7, $0x7;
	v1 =	vand.u32 $0xF, v1;
	v0 =	vsel vm3, $0x805, v0  }
0xc: {  	s16 =	simm.s32 $0x0;
	s31 =	sshrl.u32 s4, $0x1;
	s7 =	sand.u32 $0x380, s7;
	v1 =	vsel vm9, v1, v3;
	v3 =	vimm.s32 $0xB0A0908;
	v0 =	vsel vm10, $0x806, v0  }
0xd: {  	vm12 =	vcmask $0x3330;
	s6 =	sadd.s32 s8, s6;
	s3 =	sadd.s32 s3, s9;
	s7 =	sor.u32 s10, s7;
	v3 =	vunpack.c.0.s8.s32 v3;
	v0 =	vsel vm11, $0x807, v0  }
0xe: {  	vm13 =	vcmask $0x3F30;
	vm14 =	vcmask $0x3734;
	s8 =	ssub.s32 s4, s31;
	s9 =	simm.s32 $0x100;
	s10 =	simm.s32 $0x1C00;
	v4 =	vsel vm12, $0x808, v0  }
0xf: {  	vm15 =	vcmask $0x3B38;
	s4 =	sadd.s32 $0x10, s3;
	s7 =	sshrl.u32 s7, $0x3;
	s6 =	sadd.s32 $0x3600, s6;
	v0 =	vsel vm13, v3, v1;
	v3 =	vsel vm14, $0x809, v4  }
0x10: {  	v2 =	vsel vm0, $0x400, v2;
	s5 =	sadd.s32 s5, s7;
	s7 =	smax.u32 s8, $0x1;
	s8 =	simm.s32 $0x80;
	v1 =	vimm.f32 $0.0e+00;
	v3 =	vsel vm15, $0x80A, v3  }
.LBB2_1:
0x11: {  	[tilespmem:s2], [sflag:$0x1] =	stream.strided.gather [hbm4b:s3+s8], $0x1C00, s9, s8, $0x38;
	[tilespmem:$0x1EC00] =	vst v63  }
0x12: {  	s17 =	simm.s32 $0x0  }
0x13: {  	s17 =	smul.u32 $0x3000, s17  }
0x14: {  	[tilespmem:s10], [sflag:$0x1] =	stream.strided.gather [hbm4b:s4+s8], $0x1C00, s9, s8, $0x38;
	[tilespmem:$0x1EC00] =	vst v63  }
0x15: {  	s19 =	simm.s32 $0x180;
	s28 =	sshra.s32 s17, $0x2  }
0x16: {  	[tilespmem:s12], [sflag:$0x1] =	stream.strided.gather [hbm4b:s5+s8], $0x1C00, s11, s8, $0x38;
	[tilespmem:$0x1EC00] =	vst v63  }
0x17: {  	s26 =	sand.u32 $0x380, s19;
	s17 =	sadd.s32 $0x5400, s28  }
0x18: {  	s29 =	sor.u32 s26, s17  }
0x19: {  	[tilespmem:s29+$0x0] =	vst v1  }
0x1a: {  	[tilespmem:s29+$0x10] =	vst v1  }
0x1b: {  	s18 =	simm.s32 $0x0;
	s20 =	simm.s32 $0x80;
	s21 =	simm.s32 $0x100;
	[tilespmem:s29+$0x20] =	vst v1  }
0x1c: {  	s30 =	simm.s32 $0x3;
	s25 =	sand.u32 $0x200, s18;
	s23 =	sand.u32 $0x280, s20;
	[tilespmem:s29+$0x30] =	vst v1  }
0x1d: {  	s22 =	sand.u32 $0x300, s21;
	s20 =	simm.s32 $0x4;
	s24 =	sor.u32 s25, s17;
	[tilespmem:s29+$0x40] =	vst v1  }
0x1e: {  	s21 =	sor.u32 s23, s17;
	s18 =	sor.u32 s22, s17;
	s17 =	simm.s32 $0x0;
	[tilespmem:s29+$0x50] =	vst v1  }
.LBB2_2:
0x1f: {  	p0 =	slt.u32 s20, $0x108;
	s28 =	sadd.s32 $0x5800, s28;
	[tilespmem:s29+$0x60] =	vst v1;
	v4 =	vmov s30  }
0x20: {  	s25 =	sor.u32 s25, s28;
	s23 =	sor.u32 s23, s28;
	[tilespmem:s29+$0x70] =	vst v1;
	s26 =	sor.u32 s26, s28;
	v5 =	vshrl.u32 v4, $0x3  }
0x21: {  	s22 =	sor.u32 s22, s28;
	v4 =	vshll.u32 v4, $0x7;
	[tilespmem:s26+$0x0] =	vst v1;
	v5 =	vmul.u32 $0xC00, v5  }
0x22: {  	v4 =	vand.u32 $0x380, v4;
	[tilespmem:s26+$0x10] =	vst v1  }
0x23: {  	[tilespmem:s26+$0x20] =	vst v1;
	v4 =	vor.u32 v4, v5  }
0x24: {  	[tilespmem:s26+$0x30] =	vst v1;
	v4 =	vadd.s32 v3, v4  }
0x25: {  	[tilespmem:s26+$0x40] =	vst v1  }
0x26: {  	[tilespmem:s26+$0x50] =	vst v1  }
0x27: {  	[tilespmem:s26+$0x60] =	vst v1  }
0x28: {  	[tilespmem:s26+$0x70] =	vst v1  }
0x29: {  	[tilespmem:v4+s13+$0x0] =	vst.idx.msk $0xffff, v1  }
0x2a: {  	[tilespmem:s24+$0x0] =	vst v1  }
0x2b: {  	[tilespmem:s24+$0x10] =	vst v1  }
0x2c: {  	[tilespmem:s24+$0x20] =	vst v1  }
0x2d: {  	[tilespmem:s24+$0x30] =	vst v1  }
0x2e: {  	[tilespmem:s24+$0x40] =	vst v1  }
0x2f: {  	v4 =	vmov s17;
	[tilespmem:s24+$0x50] =	vst v1  }
0x30: {  	v5 =	vshrl.u32 v4, $0x3;
	[tilespmem:s24+$0x60] =	vst v1  }
0x31: {  	v4 =	vshll.u32 v4, $0x7;
	v5 =	vmul.u32 $0xC00, v5;
	[tilespmem:s24+$0x70] =	vst v1  }
0x32: {  	v4 =	vand.u32 $0x200, v4;
	[tilespmem:s25+$0x0] =	vst v1  }
0x33: {  	v4 =	vor.u32 v4, v5;
	[tilespmem:s25+$0x10] =	vst v1  }
0x34: {  	v4 =	vadd.s32 v0, v4;
	[tilespmem:s25+$0x20] =	vst v1  }
0x35: {  	v4 =	vadd.s32 v2, v4;
	[tilespmem:s25+$0x30] =	vst v1  }
0x36: {  	[tilespmem:s25+$0x40] =	vst v1  }
0x37: {  	[tilespmem:s25+$0x50] =	vst v1  }
0x38: {  	[tilespmem:s25+$0x60] =	vst v1  }
0x39: {  	[tilespmem:s25+$0x70] =	vst v1  }
0x3a: {  	[tilespmem:v4+s13+$0x0] =	vst.idx.msk $0xffff, v1  }
0x3b: {  	[tilespmem:s21+$0x0] =	vst v1  }
0x3c: {  	[tilespmem:s21+$0x10] =	vst v1  }
0x3d: {  	[tilespmem:s21+$0x20] =	vst v1  }
0x3e: {  	[tilespmem:s21+$0x30] =	vst v1  }
0x3f: {  	[tilespmem:s21+$0x40] =	vst v1  }
0x40: {  	s24 =	sadd.s32 $0x1, s17;
	[tilespmem:s21+$0x50] =	vst v1  }
0x41: {  	v4 =	vmov s24;
	[tilespmem:s21+$0x60] =	vst v1  }
0x42: {  	v5 =	vshrl.u32 v4, $0x3;
	[tilespmem:s21+$0x70] =	vst v1  }
0x43: {  	v4 =	vshll.u32 v4, $0x7;
	v5 =	vmul.u32 $0xC00, v5;
	[tilespmem:s23+$0x0] =	vst v1  }
0x44: {  	v4 =	vand.u32 $0x280, v4;
	[tilespmem:s23+$0x10] =	vst v1  }
0x45: {  	v4 =	vor.u32 v4, v5;
	[tilespmem:s23+$0x20] =	vst v1  }
0x46: {  	v4 =	vadd.s32 v3, v4;
	[tilespmem:s23+$0x30] =	vst v1  }
0x47: {  	[tilespmem:s23+$0x40] =	vst v1  }
0x48: {  	[tilespmem:s23+$0x50] =	vst v1  }
0x49: {  	[tilespmem:s23+$0x60] =	vst v1  }
0x4a: {  	[tilespmem:s23+$0x70] =	vst v1  }
0x4b: {  	[tilespmem:v4+s13+$0x0] =	vst.idx.msk $0xffff, v1  }
0x4c: {  	[tilespmem:s18+$0x0] =	vst v1  }
0x4d: {  	[tilespmem:s18+$0x10] =	vst v1  }
0x4e: {  	[tilespmem:s18+$0x20] =	vst v1  }
0x4f: {  	[tilespmem:s18+$0x30] =	vst v1  }
0x50: {  	[tilespmem:s18+$0x40] =	vst v1  }
0x51: {  	s21 =	sadd.s32 $0x2, s17;
	s17 =	smov.u32 s20;
	[tilespmem:s18+$0x50] =	vst v1  }
0x52: {  	v4 =	vmov s21;
	[tilespmem:s18+$0x60] =	vst v1  }
0x53: {  	v5 =	vshrl.u32 v4, $0x3;
	[tilespmem:s18+$0x70] =	vst v1  }
0x54: {  	v4 =	vshll.u32 v4, $0x7;
	v5 =	vmul.u32 $0xC00, v5;
	[tilespmem:s22+$0x0] =	vst v1  }
0x55: {  	v4 =	vand.u32 $0x300, v4;
	[tilespmem:s22+$0x10] =	vst v1  }
0x56: {  	v4 =	vor.u32 v4, v5;
	[tilespmem:s22+$0x20] =	vst v1  }
0x57: {  	v4 =	vadd.s32 v3, v4;
	s18 =	sshrl.u32 s20, $0x3;
	[tilespmem:s22+$0x30] =	vst v1  }
0x58: {  	s18 =	smul.u32 $0x3000, s18;
	[tilespmem:s22+$0x40] =	vst v1  }
0x59: {  	s19 =	sadd.s32 $0x200, s19;
	[tilespmem:s22+$0x50] =	vst v1  }
0x5a: {  	s26 =	sand.u32 $0x380, s19;
	s28 =	sshra.s32 s18, $0x2;
	[tilespmem:s22+$0x60] =	vst v1  }
0x5b: {  	s21 =	sadd.s32 $0xFFFFFF00, s19;
	s18 =	sadd.s32 $0xFFFFFE80, s19;
	s30 =	sadd.s32 $0x5400, s28;
	[tilespmem:s22+$0x70] =	vst v1  }
0x5c: {  	s25 =	sand.u32 $0x200, s18;
	s29 =	sor.u32 s26, s30;
	s22 =	sadd.s32 $0xFFFFFF80, s19;
	[tilespmem:v4+s13+$0x0] =	vst.idx.msk $0xffff, v1  }
0x5d: {  	s23 =	sand.u32 $0x280, s21;
	s24 =	sor.u32 s25, s30;
	s22 =	sand.u32 $0x300, s22;
	[tilespmem:s29+$0x0] =	vst v1  }
.Ltmp0:
0x5e: {  	s21 =	sor.u32 s23, s30;
	s18 =	sor.u32 s22, s30;
	[tilespmem:s29+$0x10] =	vst v1;
	(pc) =	sbr.rel @p0 .LBB2_2-.Ltmp0, $4  }
0x5f: {  	[tilespmem:s29+$0x20] =	vst v1  }
0x60: {  	[tilespmem:s29+$0x30] =	vst v1  }
0x61: {  	[tilespmem:s29+$0x40] =	vst v1  }
0x62: {  	s20 =	sadd.s32 $0x4, s20;
	s30 =	sadd.s32 $0x3, s17;
	[tilespmem:s29+$0x50] =	vst v1  }
0x63: {  	[tilespmem:s29+$0x60] =	vst v1  }
0x64: {  	[tilespmem:s29+$0x70] =	vst v1  }
0x65: {  	[tilespmem:s24+$0x0] =	vst v1  }
0x66: {  	[tilespmem:s24+$0x10] =	vst v1  }
0x67: {  	[tilespmem:s24+$0x20] =	vst v1  }
0x68: {  	[tilespmem:s24+$0x30] =	vst v1  }
0x69: {  	[tilespmem:s24+$0x40] =	vst v1  }
0x6a: {  	[tilespmem:s24+$0x50] =	vst v1  }
0x6b: {  	[tilespmem:s24+$0x60] =	vst v1  }
0x6c: {  	[tilespmem:s24+$0x70] =	vst v1  }
0x6d: {  	[tilespmem:s21+$0x0] =	vst v1  }
0x6e: {  	[tilespmem:s21+$0x10] =	vst v1  }
0x6f: {  	[tilespmem:s21+$0x20] =	vst v1  }
0x70: {  	[tilespmem:s21+$0x30] =	vst v1  }
0x71: {  	[tilespmem:s21+$0x40] =	vst v1  }
0x72: {  	[tilespmem:s21+$0x50] =	vst v1  }
0x73: {  	[tilespmem:s21+$0x60] =	vst v1  }
0x74: {  	[tilespmem:s21+$0x70] =	vst v1  }
0x75: {  	[tilespmem:s18+$0x0] =	vst v1  }
0x76: {  	[tilespmem:s18+$0x10] =	vst v1  }
0x77: {  	s19 =	sadd.s32 $0x5800, s28;
	v4 =	vmov s30;
	[tilespmem:s18+$0x20] =	vst v1  }
0x78: {  	[tilespmem:s18+$0x30] =	vst v1;
	s20 =	sor.u32 s26, s19;
	v5 =	vshrl.u32 v4, $0x3  }
0x79: {  	v4 =	vshll.u32 v4, $0x7;
	[tilespmem:s20+$0x0] =	vst v1;
	v5 =	vmul.u32 $0xC00, v5  }
0x7a: {  	[tilespmem:s20+$0x10] =	vst v1;
	v4 =	vand.u32 $0x380, v4  }
0x7b: {  	[tilespmem:s20+$0x20] =	vst v1;
	v4 =	vor.u32 v4, v5  }
0x7c: {  	[tilespmem:s20+$0x30] =	vst v1;
	v4 =	vadd.s32 v3, v4  }
0x7d: {  	[tilespmem:s20+$0x40] =	vst v1  }
0x7e: {  	[tilespmem:s20+$0x50] =	vst v1  }
0x7f: {  	[tilespmem:s20+$0x60] =	vst v1  }
0x80: {  	[tilespmem:s20+$0x70] =	vst v1  }
0x81: {  	[tilespmem:v4+s13+$0x0] =	vst.idx.msk $0xffff, v1;
	v4 =	vmov s17  }
0x82: {  	[tilespmem:s18+$0x40] =	vst v1;
	v5 =	vshrl.u32 v4, $0x3  }
0x83: {  	[tilespmem:s18+$0x50] =	vst v1;
	s26 =	sor.u32 s25, s19;
	v4 =	vshll.u32 v4, $0x7;
	v5 =	vmul.u32 $0xC00, v5  }
0x84: {  	[tilespmem:s26+$0x0] =	vst v1;
	v4 =	vand.u32 $0x200, v4  }
0x85: {  	[tilespmem:s26+$0x10] =	vst v1;
	v4 =	vor.u32 v4, v5  }
0x86: {  	[tilespmem:s26+$0x20] =	vst v1;
	v4 =	vadd.s32 v0, v4  }
0x87: {  	[tilespmem:s26+$0x30] =	vst v1;
	v4 =	vadd.s32 v2, v4  }
0x88: {  	[tilespmem:s26+$0x40] =	vst v1  }
0x89: {  	[tilespmem:s26+$0x50] =	vst v1  }
0x8a: {  	[tilespmem:s26+$0x60] =	vst v1  }
0x8b: {  	s28 =	sadd.s32 $0x1, s17;
	[tilespmem:s26+$0x70] =	vst v1  }
0x8c: {  	[tilespmem:v4+s13+$0x0] =	vst.idx.msk $0xffff, v1;
	v4 =	vmov s28  }
0x8d: {  	[tilespmem:s18+$0x60] =	vst v1;
	s29 =	sor.u32 s23, s19;
	v5 =	vshrl.u32 v4, $0x3  }
0x8e: {  	[tilespmem:s29+$0x0] =	vst v1;
	v4 =	vshll.u32 v4, $0x7;
	v5 =	vmul.u32 $0xC00, v5  }
0x8f: {  	[tilespmem:s29+$0x10] =	vst v1;
	v4 =	vand.u32 $0x280, v4  }
0x90: {  	[tilespmem:s29+$0x20] =	vst v1;
	v4 =	vor.u32 v4, v5  }
0x91: {  	[tilespmem:s29+$0x30] =	vst v1;
	v4 =	vadd.s32 v3, v4  }
0x92: {  	[tilespmem:s29+$0x40] =	vst v1  }
0x93: {  	[tilespmem:s29+$0x50] =	vst v1  }
0x94: {  	[tilespmem:s29+$0x60] =	vst v1  }
0x95: {  	s30 =	sadd.s32 $0x2, s17;
	[tilespmem:s29+$0x70] =	vst v1  }
0x96: {  	[tilespmem:v4+s13+$0x0] =	vst.idx.msk $0xffff, v1;
	v4 =	vmov s30  }
0x97: {  	[tilespmem:s18+$0x70] =	vst v1;
	s31 =	sor.u32 s22, s19;
	v5 =	vshrl.u32 v4, $0x3  }
0x98: {  	[tilespmem:s31+$0x0] =	vst v1;
	v4 =	vshll.u32 v4, $0x7;
	v5 =	vmul.u32 $0xC00, v5  }
0x99: {  	[tilespmem:s31+$0x10] =	vst v1;
	v4 =	vand.u32 $0x300, v4  }
0x9a: {  	[tilespmem:s31+$0x20] =	vst v1;
	v4 =	vor.u32 v4, v5  }
0x9b: {  	[tilespmem:s31+$0x30] =	vst v1;
	v4 =	vadd.s32 v3, v4  }
0x9c: {  	[tilespmem:s31+$0x40] =	vst v1  }
0x9d: {  	[tilespmem:s31+$0x50] =	vst v1  }
0x9e: {  	[tilespmem:s31+$0x60] =	vst v1  }
0x9f: {  	[tilespmem:s31+$0x70] =	vst v1  }
0xa0: {  	[tilespmem:v4+s13+$0x0] =	vst.idx.msk $0xffff, v1  }
0xa1: {  	_ =	swait.ge [sflag:s14], $0x1C00  }
0xa2: {  	[sflag:s14] =	ssyncset.done $0x0  }
0xa3: {  	[sflag:s14] =	ssyncadd.s32 $0xFFFFE400  }
0xa4: {  	_ =	swait.ge [sflag:s14], $0x1C00  }
0xa5: {  	[sflag:s14] =	ssyncset.done $0x0  }
0xa6: {  	[sflag:s14] =	ssyncadd.s32 $0xFFFFE400  }
0xa7: {  	_ =	swait.ge [sflag:s14], $0x1C00  }
0xa8: {  	[sflag:s14] =	ssyncset.done $0x0  }
0xa9: {  	s17 =	simm.s32 $0x0;
	[sflag:s14] =	ssyncadd.s32 $0xFFFFE400  }
.LBB2_4:
0xaa: {  	s18 =	sshra.s32 s17, $0x2  }
0xab: {  	v4 =	vld [tilespmem:s18+$0x0]  }
0xac: {  	v5 =	vld [tilespmem:s18+$0x1C00];
	_ =	sdelay $0x3  }
0xad: {  	v6 =	vshrl.u32 v4, $0x3  }
0xae: {  	v7 =	vshll.u32 v5, $0x3;
	v6 =	vmul.u32 $0xC00, v6  }
0xaf: {  	v4 =	vshll.u32 v4, $0x7;
	v7 =	vand.u32 $0xFFFFFC00, v7  }
0xb0: {  	v4 =	vand.u32 $0x380, v4;
	v6 =	vadd.s32 v6, v7  }
0xb1: {  	v5 =	vand.u32 $0x7F, v5;
	v4 =	vor.u32 v4, v6  }
0xb2: {  	v54 =	vld [tilespmem:s18+$0x3800];
	v4 =	vor.u32 v5, v4;
	_ =	sdelay $0x4  }
0xb3: {  	[tilespmem:v4+s13+$0x0] =	vst.idx.add.f32.msk $0xffff, v54  }
0xb4: {  	v4 =	vld [tilespmem:s18+$0x10]  }
0xb5: {  	v5 =	vld [tilespmem:s18+$0x1C10];
	_ =	sdelay $0x3  }
0xb6: {  	v55 =	vshrl.u32 v4, $0x3  }
0xb7: {  	v56 =	vshll.u32 v5, $0x3;
	v6 =	vmul.u32 $0xC00, v55  }
0xb8: {  	v4 =	vshll.u32 v4, $0x7;
	v7 =	vand.u32 $0xFFFFFC00, v56  }
0xb9: {  	v4 =	vand.u32 $0x380, v4;
	v6 =	vadd.s32 v6, v7  }
0xba: {  	v5 =	vand.u32 $0x7F, v5;
	v4 =	vor.u32 v4, v6  }
0xbb: {  	v57 =	vld [tilespmem:s18+$0x3810];
	v4 =	vor.u32 v5, v4;
	_ =	sdelay $0x4  }
0xbc: {  	[tilespmem:v4+s13+$0x0] =	vst.idx.add.f32.msk $0xffff, v57  }
0xbd: {  	v4 =	vld [tilespmem:s18+$0x20]  }
0xbe: {  	v5 =	vld [tilespmem:s18+$0x1C20];
	_ =	sdelay $0x3  }
0xbf: {  	v58 =	vshrl.u32 v4, $0x3  }
0xc0: {  	v59 =	vshll.u32 v5, $0x3;
	v6 =	vmul.u32 $0xC00, v58  }
0xc1: {  	v4 =	vshll.u32 v4, $0x7;
	v7 =	vand.u32 $0xFFFFFC00, v59  }
0xc2: {  	v4 =	vand.u32 $0x380, v4;
	v6 =	vadd.s32 v6, v7  }
0xc3: {  	v5 =	vand.u32 $0x7F, v5;
	v4 =	vor.u32 v4, v6  }
0xc4: {  	v60 =	vld [tilespmem:s18+$0x3820];
	v4 =	vor.u32 v5, v4;
	_ =	sdelay $0x4  }
0xc5: {  	[tilespmem:v4+s13+$0x0] =	vst.idx.add.f32.msk $0xffff, v60  }
0xc6: {  	v4 =	vld [tilespmem:s18+$0x30]  }
0xc7: {  	v5 =	vld [tilespmem:s18+$0x1C30];
	_ =	sdelay $0x3  }
0xc8: {  	v61 =	vshrl.u32 v4, $0x3  }
0xc9: {  	v62 =	vshll.u32 v5, $0x3;
	v6 =	vmul.u32 $0xC00, v61  }
0xca: {  	v4 =	vshll.u32 v4, $0x7;
	v7 =	vand.u32 $0xFFFFFC00, v62  }
0xcb: {  	v4 =	vand.u32 $0x380, v4;
	v6 =	vadd.s32 v6, v7  }
0xcc: {  	v5 =	vand.u32 $0x7F, v5;
	v4 =	vor.u32 v4, v6  }
0xcd: {  	p0 =	sne.s32 s17, $0x6F00;
	v63 =	vld [tilespmem:s18+$0x3830];
	v4 =	vor.u32 v5, v4  }
.Ltmp1:
0xce: {  	_ = 	snop;
	(pc) =	sbr.rel @p0 .LBB2_4-.Ltmp1, $2  }
0xcf: {  	_ =	sdelay $0x2  }
0xd0: {  	s17 =	sadd.s32 $0x100, s17;
	[tilespmem:v4+s13+$0x0] =	vst.idx.add.f32.msk $0xffff, v63  }
0xd1: {  	s16 =	sadd.s32 $0x1, s16  }
0xd2: {  	p0 =	sne.s32 s16, s7  }
.Ltmp2:
0xd3: {  	_ = 	snop;
	(pc) =	sbr.rel @p0 .LBB2_1-.Ltmp2, $4  }
0xd4: {  	[hbm4b:s6+s2] =	stream.linear.scatter [tilespmem:s13], [sflag:$0x2], $0x19800, $0x38;
	[tilespmem:$0x1EC00] =	vst v63  }
0xd5: {  	_ =	swait.ge [sflag:s15], $0x19800  }
0xd6: {  	[sflag:s15] =	ssyncset.done $0x0  }
0xd7: {  	[sflag:s15] =	ssyncadd.s32 $0xFFFE6800  }
0xd8: {  	_ =	sfence.sel $0x180000  }
0xd9: {  	[bflag:$0x0] =	sbarrier.arrive $0xFFFF  }
0xda: {  	p0 =	sne.s32 s0, $0x0;
	_ =	strace $0x90000047  }
0xdb: {  	s0 =	sadd.s32 @!p0 $0x100000, s1;
	[bflag:$0x2] =	sbarrier.arrive $0xFFFF  }
0xdc: {  	[sflag:s0] =	ssyncadd.tile.s32 @!p0 $0x1;
	_ =	shalt  }
.Lfunc_end2:
_tile_overlayer_lowered:
.L_overlay_start_2:
0xdd: {  	(tag) =	ssettag $0x2  }
0xde: {  	s0 =	rddreg [dreg:$0x0];
	s2 =	stileid.u32  }
0xdf: {  	s1 =	rddreg [dreg:$0x1];
	p0 =	sne.s32 s2, $0x0  }
0xe0: {  	s3 =	rddreg [dreg:$0x2];
	[bflag:$0x3] =	sbarrier.arrive $0xFFFF;
	s2 =	simm.s32 @!p0 $0x1C02  }
0xe1: {  	[timem:s3], [sflag:s2] =	dma.local @!p0 [hbm:s0], s1  }
0xe2: {  	s0 =	simm.s32 @!p0 $0x2  }
0xe3: {  	_ =	swait.ge @!p0 [sflag:s0], s1  }
0xe4: {  	s1 =	ssub.s32 @!p0 $0x0, s1;
	[sflag:s0] =	ssyncset.done @!p0 $0x0  }
0xe5: {  	[sflag:s0] =	ssyncadd.s32 @!p0 s1  }
0xe6: {  	[bflag:$0x3] =	sbarrier.arrive $0xFFFF  }
0xe7: {  	_ =	shalt  }

// kernel: kernel.9.cloned.1.call-start
scs
__scs_entry_jumppad:
0x0: {  	(pc) =	sbr.rel $0x88, $3  }
0x1: {  	(tag) =	ssettag $0x0;
	lr =	simm.s32 $0x1  }
0x2: {  	[smem:$0x3F96] =	sst lr;
	_ =	strace $0xD0000000  }
0x3: {  	_ = 	snop  }
0x4: {  	_ = 	snop  }
0x5: {  	_ = 	snop  }
0x6: {  	_ = 	snop  }
0x7: {  	_ = 	snop  }
__scs_overlays_trampoline_lowered:
0x8: {  	[smem:$0x3FA5] =	sst s0  }
0x9: {  	[smem:$0x3FA6] =	sst s1  }
0xa: {  	[smem:$0x3FA7] =	sst s2  }
0xb: {  	[smem:$0x3FA8] =	sst s3  }
0xc: {  	[smem:$0x3FA9] =	sst s4  }
0xd: {  	[smem:$0x3FAA] =	sst s5  }
0xe: {  	[smem:$0x3FAB] =	sst s6  }
0xf: {  	[smem:$0x3FAC] =	sst s7  }
0x10: {  	[smem:$0x3FAD] =	sst s8  }
0x11: {  	[smem:$0x3FAE] =	sst s9;
	s0 =	simm.s32 @!p0 $0x0  }
0x12: {  	s1 =	sld [smem:$0x3F94];
	s0 =	simm.s32 @p0 $0x1  }
0x13: {  	[smem:$0x3FAF] =	sst s0;
	s0 =	simm.s32 @!p1 $0x0  }
0x14: {  	s2 =	sld [smem:$0x3F93];
	s0 =	simm.s32 @p1 $0x1  }
0x15: {  	[smem:$0x3FB0] =	sst s0;
	s0 =	simm.s32 @!p2 $0x0  }
0x16: {  	s3 =	sld [smem:$0x3FDB];
	s0 =	simm.s32 @p2 $0x1  }
0x17: {  	s4 =	simm.s32 $0x1BF5;
	[smem:$0x3FB2] =	sst s0  }
0x18: {  	s0 =	sld [smem:$0x3F95];
	_ =	swait.ge [sflag:s4], $0x0  }
0x19: {  	s7 =	sld [smem:$0x3F96]  }
0x1a: {  	s8 =	sadd.s32 $0xFFFFE003, lr  }
0x1b: {  	s9 =	sadd.s32 $0xFFFFFEF7, lr;
	s5 =	simm.s32 $0xFFFFFFFF;
	p2 =	slt.u32 s8, $0xFFFFF086  }
0x1c: {  	p1 =	slt.u32 s9, $0xF7A;
	s5 =	simm.s32 @!p2 $0x0  }
0x1d: {  	s5 =	simm.s32 @p1 $0x1;
	p0 =	seq.s32 s7, s2  }
0x1e: {  	s7 =	smul.u32 @!p0 $0xF7A, s2;
	p2 =	seq.s32 @!p0 s5, $0x0  }
0x1f: {  	s9 =	smul.u32 $0xF7A, s1;
	s8 =	simm.s32 @!p0 $0x1BF5;
	p2 =	por !p2, p0  }
0x20: {  	[sflag:s8] =	ssyncset.s32 @!p0 $0xFFFFF086;
	s6 =	sadd.s32 @!p0 s3, s7;
	s7 =	simm.s32 @!p0 $0x108  }
0x21: {  	s3 =	sadd.s32 s3, s9;
	s6 =	sadd.s32 @!p0 $0x88, s6;
	s7 =	simm.s32 @p2 $0x1082  }
0x22: {  	[simem:s7], [sflag:s8] =	dma.local @!p0 [hbm:s6], $0xF7A  }
0x23: {  	s9 =	sor.u32 $0xD0000000, s2;
	s6 =	simm.s32 $0x108;
	_ =	swait.ge @!p0 [sflag:s8], $0x0  }
0x24: {  	s3 =	sadd.s32 $0x88, s3;
	s6 =	simm.s32 @!p1 $0x1082;
	[sflag:s4] =	ssyncset.s32 $0xFFFFF086  }
0x25: {  	[simem:s6], [sflag:s4] =	dma.local [hbm:s3], $0xF7A  }
0x26: {  	[smem:$0x3F96] =	sst s1;
	(tag) =	ssettag s2;
	_ =	strace s9  }
0x27: {  	s1 =	sld [smem:$0x3FA6]  }
0x28: {  	s2 =	sld [smem:$0x3FA7]  }
0x29: {  	s4 =	sld [smem:$0x3FA9]  }
0x2a: {  	p0 =	seq.s32 s5, $0x0;
	s5 =	sld [smem:$0x3FAA]  }
0x2b: {  	s6 =	sld [smem:$0x3FAB]  }
0x2c: {  	s7 =	sld [smem:$0x3FAC]  }
0x2d: {  	s3 =	simm.s32 $0x108;
	s8 =	sld [smem:$0x3FAD]  }
0x2e: {  	s3 =	simm.s32 @!p0 $0x1082;
	s9 =	sld [smem:$0x3FAE]  }
0x2f: {  	lr =	sadd.s32 s0, s3;
	s0 =	sld [smem:$0x3FA5]  }
0x30: {  	s3 =	sld [smem:$0x3FA8]  }
0x31: {  	[smem:$0x3FB1] =	sst s10  }
0x32: {  	s10 =	sld [smem:$0x3FAF];
	_ =	sdelay $0x3  }
0x33: {  	p0 =	seq.s32 s10, $0x1;
	s10 =	sld [smem:$0x3FB1];
	_ =	sdelay $0x3  }
0x34: {  	[smem:$0x3FB1] =	sst s10  }
0x35: {  	s10 =	sld [smem:$0x3FB0];
	_ =	sdelay $0x3  }
0x36: {  	p1 =	seq.s32 s10, $0x1;
	s10 =	sld [smem:$0x3FB1];
	_ =	sdelay $0x3  }
0x37: {  	[smem:$0x3FB1] =	sst s10  }
0x38: {  	s10 =	sld [smem:$0x3FB2]  }
0x39: {  	_ = 	snop;
	(pc) =	sbr.ind lr, $3  }
0x3a: {  	_ = 	snop  }
0x3b: {  	_ = 	snop  }
0x3c: {  	p2 =	seq.s32 s10, $0x1;
	s10 =	sld [smem:$0x3FB1]  }
0x3d: {  	_ =	shalt  }
0x3e: {  	_ =	shalt  }
0x3f: {  	_ =	shalt  }
0x40: {  	_ =	shalt  }
0x41: {  	_ =	shalt  }
0x42: {  	_ =	shalt  }
0x43: {  	_ =	shalt  }
0x44: {  	_ =	shalt  }
0x45: {  	_ =	shalt  }
0x46: {  	_ =	shalt  }
0x47: {  	_ =	shalt  }
0x48: {  	_ =	shalt  }
0x49: {  	_ =	shalt  }
0x4a: {  	_ =	shalt  }
0x4b: {  	_ =	shalt  }
0x4c: {  	_ =	shalt  }
0x4d: {  	_ =	shalt  }
0x4e: {  	_ =	shalt  }
0x4f: {  	_ =	shalt  }
0x50: {  	_ =	shalt  }
0x51: {  	_ =	shalt  }
0x52: {  	_ =	shalt  }
0x53: {  	_ =	shalt  }
0x54: {  	_ =	shalt  }
0x55: {  	_ =	shalt  }
0x56: {  	_ =	shalt  }
0x57: {  	_ =	shalt  }
0x58: {  	_ =	shalt  }
0x59: {  	_ =	shalt  }
0x5a: {  	_ =	shalt  }
0x5b: {  	_ =	shalt  }
0x5c: {  	_ =	shalt  }
0x5d: {  	_ =	shalt  }
0x5e: {  	_ =	shalt  }
0x5f: {  	_ =	shalt  }
0x60: {  	_ =	shalt  }
0x61: {  	_ =	shalt  }
0x62: {  	_ =	shalt  }
0x63: {  	_ =	shalt  }
0x64: {  	_ =	shalt  }
0x65: {  	_ =	shalt  }
0x66: {  	_ =	shalt  }
0x67: {  	_ =	shalt  }
0x68: {  	_ =	shalt  }
0x69: {  	_ =	shalt  }
0x6a: {  	_ =	shalt  }
0x6b: {  	_ =	shalt  }
0x6c: {  	_ =	shalt  }
0x6d: {  	_ =	shalt  }
0x6e: {  	_ =	shalt  }
0x6f: {  	_ =	shalt  }
0x70: {  	_ =	shalt  }
0x71: {  	_ =	shalt  }
0x72: {  	_ =	shalt  }
0x73: {  	_ =	shalt  }
0x74: {  	_ =	shalt  }
0x75: {  	_ =	shalt  }
0x76: {  	_ =	shalt  }
0x77: {  	_ =	shalt  }
0x78: {  	_ =	shalt  }
0x79: {  	_ =	shalt  }
0x7a: {  	_ =	shalt  }
0x7b: {  	_ =	shalt  }
0x7c: {  	_ =	shalt  }
0x7d: {  	_ =	shalt  }
0x7e: {  	_ =	shalt  }
0x7f: {  	_ =	shalt  }
0x80: {  	_ =	shalt  }
0x81: {  	_ =	shalt  }
0x82: {  	_ =	shalt  }
0x83: {  	_ =	shalt  }
0x84: {  	_ =	shalt  }
0x85: {  	_ =	shalt  }
0x86: {  	_ =	shalt  }
0x87: {  	_ =	shalt  }
.Lfunc_end0:
.L_simem_size_0:
called_computation.1_lowered:
.L_overlay_start_0:
0x88: {  	s2 =	sld [smem:$0x3FD9]  }
0x89: {  	s3 =	sld [smem:$0x3FFE];
	_ =	sdelay $0x1  }
0x8a: {  	s1 =	srdreg.scid  }
0x8b: {  	s0 =	sand.u32 $0x1, s1  }
0x8c: {  	s17 =	sshll.u32 s0, $0xA;
	s2 =	sadd.s32 s3, s2  }
0x8d: {  	s2 =	sadd.s32 s2, s17  }
0x8e: {  	[smem:$0x3FBD] =	sst s2  }
0x8f: {  	_ = 	snop  }
0x90: {  	s18 =	sld [smem:$0x3FC8]  }
0x91: {  	s4 =	sld [smem:$0x3FC7];
	(tm) =	ssettm $0x1  }
0x92: {  	s19 =	sld [smem:$0x3FFB];
	_ =	sdelay $0x3  }
0x93: {  	_ =	strace s19  }
0x94: {  	s2 =	sld [smem:$0x3FFC];
	_ =	sdelay $0x3  }
0x95: {  	_ =	strace s2  }
0x96: {  	s2 =	sld [smem:$0x3FFD];
	_ =	sdelay $0x3  }
0x97: {  	_ =	strace s2  }
0x98: {  	_ =	strace $0x8FFFFFFF  }
0x99: {  	s20 =	sld [smem:$0x3FDB];
	_ =	sdelay $0x1  }
0x9a: {  	s5 =	simm.s32 $_scs_section_size  }
0x9b: {  	s6 =	simm.s32 $_size__tile_overlayer_lowered;
	s7 =	simm.s32 $_tile_overlayer_lowered  }
0x9c: {  	s8 =	simm.s32 $0x1BFF;
	s21 =	sshll.u32 s7, $0x1;
	s5 =	sadd.s32 s5, s20  }
0x9d: {  	s22 =	simm.s32 $0x0;
	s6 =	sshll.u32 s6, $0x1;
	s7 =	sadd.s32 s21, s5  }
0x9e: {  	[timem:s22], [sflag:s8] =	dma.local [hbm:s7], s6  }
0x9f: {  	_ =	swait.ge [sflag:s8], s6  }
0xa0: {  	s6 =	ssub.s32 $0x0, s6;
	[sflag:s8] =	ssyncset.done $0x0  }
0xa1: {  	[sflag:s8] =	ssyncadd.s32 s6;
	_ =	sdelay $0x1  }
0xa2: {  	s23 =	simm.s32 $0x1B8B  }
0xa3: {  	_ =	swait.ge [sflag:s23], $0x1  }
0xa4: {  	[sflag:s23] =	ssyncset.done $0x0  }
0xa5: {  	[sflag:s23] =	ssyncadd.s32 $0xFFFFFFFF  }
0xa6: {  	s6 =	sld [smem:$0x0]  }
0xa7: {  	s7 =	sand.u32 $0xFFFFFFFE, s1  }
0xa8: {  	p0 =	sne.s32 s1, s7  }
0xa9: {  	s7 =	sshll.u32 @p0 s7, $0xE  }
0xaa: {  	s7 =	sadd.s32 @p0 $0x11B8D, s7;
	s8 =	sshll.u32 @p0 s6, $0x11  }
0xab: {  	s7 =	sor.u32 @p0 s8, s7  }
0xac: {  	[sflag:s7] =	ssyncadd.remote.s32 @p0 $0x1;
	_ =	sdelay $0x1  }
0xad: {  	s7 =	simm.s32 @p0 $0x1B8D  }
0xae: {  	_ =	swait.eq @p0 [sflag:s7], $0x1  }
0xaf: {  	[sflag:s7] =	ssyncadd.s32 @p0 $0xFFFFFFFF  }
0xb0: {  	s8 =	sshll.u32 @!p0 s1, $0xE  }
0xb1: {  	s8 =	sor.u32 @!p0 $0x4000, s8;
	s7 =	simm.s32 @!p0 $0x1B8D  }
0xb2: {  	s6 =	sshll.u32 @!p0 s6, $0x11;
	s8 =	sadd.s32 @!p0 $0x11B8D, s8;
	_ =	swait.eq @!p0 [sflag:s7], $0x1  }
0xb3: {  	s6 =	sor.u32 @!p0 s6, s8;
	[sflag:s7] =	ssyncadd.s32 @!p0 $0xFFFFFFFF  }
0xb4: {  	s25 =	simm.s32 $0x1B8E;
	s24 =	sld [smem:$0x3FFE];
	[sflag:s6] =	ssyncadd.remote.s32 @!p0 $0x1  }
0xb5: {  	s26 =	simm.s32 $execute0_lowered;
	[smem:$0x3FD2] =	sst s25  }
0xb6: {  	s7 =	sshll.u32 s26, $0x1;
	_ =	strace $0x80000049;
	[dreg:$0x1] =	wrdreg $0xFFFFFFFF  }
0xb7: {  	s28 =	simm.s32 $_size_execute0_lowered;
	s5 =	sadd.s32 s5, s7;
	[dreg:$0x0] =	wrdreg $0x0  }
0xb8: {  	s7 =	sshll.u32 s28, $0x1;
	[dreg:$0x2] =	wrdreg s5  }
0xb9: {  	[dreg:$0x3] =	wrdreg s7  }
0xba: {  	[dreg:$0x4] =	wrdreg $0xC0  }
0xbb: {  	_ =	task [dreg:s22], $0x5FFFF  }
0xbc: {  	[dreg:$0x1] =	wrdreg $0xFFFFFFFF  }
0xbd: {  	[dreg:$0x0] =	wrdreg $0x60  }
0xbe: {  	[dreg:$0x2] =	wrdreg s18  }
0xbf: {  	[dreg:$0x3] =	wrdreg s4  }
0xc0: {  	[dreg:$0x4] =	wrdreg s24  }
0xc1: {  	[dreg:$0x5] =	wrdreg $0xA  }
0xc2: {  	_ =	task.clear_ibuf [dreg:s22], $0x6FFFF;
	_ =	strace $0x90000049  }
0xc3: {  	s29 =	simm.s32 $0xA;
	_ =	strace $0x8000004B  }
0xc4: {  	_ =	swait.ge [sflag:s29], $0x1  }
0xc5: {  	[sflag:s29] =	ssyncadd.s32 $0xFFFFFFFF  }
0xc6: {  	_ =	strace $0x9000004B  }
0xc7: {  	_ =	sfence  }
0xc8: {  	s30 =	sld [smem:$0x0];
	_ =	sdelay $0x2  }
0xc9: {  	s31 =	sshll.u32 s1, $0xD;
	s1 =	sshrl.u32 s1, $0x2  }
0xca: {  	s4 =	sand.u32 $0x4000, s31;
	s1 =	sadd.s32 s1, s30  }
0xcb: {  	s0 =	sor.u32 s4, s0;
	s1 =	sshll.u32 s1, $0x11  }
0xcc: {  	s0 =	sor.u32 s1, s0  }
0xcd: {  	s0 =	sadd.s32 $0x8F2B, s0  }
0xce: {  	[sflag:s0] =	ssyncadd.remote.s32 $0x1  }
0xcf: {  	_ =	sfence.sel $0xFFFF  }
0xd0: {  	[dreg:$0x0] =	wrdreg $0xFFFFFFFF;
	(pc) =	sbr.abs _section_cstart, $3  }
0xd1: {  	[dreg:$0x1] =	wrdreg $0xFFFFFFFF  }
0xd2: {  	_ =	task.clear_ibuf [dreg:s22], $0x2FFFF;
	_ =	strace $0x9FFFFFFF  }
0xd3: {  	(tm) =	ssettm $0x7FFFFFFF  }
tec
execute0_lowered:
.L_overlay_start_1:
0x0: {  	(tag) =	ssettag $0x1  }
0x1: {  	vm1 =	vcmask $0x300;
	v0 =	vimm.s32 $0x80B  }
0x2: {  	vm0 =	vcmask $0xF00;
	vm2 =	vcmask $0x704;
	v0 =	vsel vm1, $0x47C, v0  }
0x3: {  	s3 =	rddreg [dreg:$0x0];
	v2 =	vimm.s32 $0x800;
	vm14 =	vcmask $0xB08;
	v0 =	vsel vm2, $0x47D, v0  }
0x4: {  	s5 =	rddreg [dreg:$0x1];
	s1 =	srdreg.scid;
	v1 =	vimm.s32 $0x32107654;
	vm15 =	vcmask $0xF0C;
	v0 =	vsel vm14, $0x47E, v0  }
0x5: {  	s0 =	stileid.u32;
	s4 =	rddreg [dreg:$0x2];
	vm4 =	vcmask $0x1310;
	v3 =	vimm.s32 $0x7F7E7D7C;
	s11 =	simm.s32 $0x400;
	v0 =	vsel vm15, $0x47F, v0  }
0x6: {  	vm5 =	vcmask $0x1714;
	vm6 =	vcmask $0x1B18;
	s12 =	simm.s32 $0x3800;
	s13 =	simm.s32 $0x5400;
	s14 =	simm.s32 $0x1;
	v0 =	vsel vm4, $0x800, v0  }
0x7: {  	vm7 =	vcmask $0x1F1C;
	s15 =	simm.s32 $0x2;
	s6 =	sand.u32 $0x1, s1;
	s2 =	sshll.u32 s0, $0x1;
	v1 =	vunpack.c.l.s4.s8 v1;
	v0 =	vsel vm5, $0x801, v0  }
0x8: {  	vm8 =	vcmask $0x2320;
	vm9 =	vcmask $0x2F10;
	s16 =	simm.s32 $0x0;
	s1 =	rddreg [dreg:$0x3];
	s7 =	sor.u32 s6, s2;
	v0 =	vsel vm6, $0x802, v0  }
0x9: {  	vm3 =	vcmask $0x2724;
	s2 =	simm.s32 $0x0;
	s29 =	ssub.s32 $0x2, s6;
	s8 =	smul.u32 $0x3300, s7;
	v1 =	vunpack.c.0.s8.s32 v1;
	v0 =	vsel vm7, $0x803, v0  }
0xa: {  	vm10 =	vcmask $0x2B28;
	v3 =	vunpack.c.0.s8.s32 v3;
	s9 =	sor.u32 $0x20, s7;
	[smem:$0x7FF] =	sst s2;
	s7 =	sshll.u32 s7, $0x7;
	v0 =	vsel vm8, $0x804, v0  }
0xb: {  	vm11 =	vcmask $0x2F2C;
	s31 =	sshrl.u32 s29, $0x1;
	s10 =	smul.u32 $0x700, s9;
	s9 =	sshrl.u32 s9, $0x3;
	v1 =	vand.u32 $0xF, v1;
	v0 =	vsel vm3, $0x805, v0  }
0xc: {  	s30 =	sand.u32 $0x380, s7;
	s7 =	ssub.s32 s29, s31;
	s9 =	smul.u32 $0xE000, s9;
	v1 =	vsel vm9, v1, v3;
	v3 =	vimm.s32 $0xB0A0908;
	v0 =	vsel vm10, $0x806, v0  }
0xd: {  	vm12 =	vcmask $0x3330;
	_ =	strace $0x8000004A;
	s8 =	sadd.s32 s8, s4;
	s7 =	smax.u32 s7, $0x1;
	v3 =	vunpack.c.0.s8.s32 v3;
	v0 =	vsel vm11, $0x807, v0  }
0xe: {  	vm13 =	vcmask $0x3F30;
	vm14 =	vcmask $0x3734;
	s3 =	sadd.s32 s3, s10;
	s10 =	simm.s32 $0x1C00;
	s6 =	sor.u32 s30, s9;
	v4 =	vsel vm12, $0x808, v0  }
0xf: {  	vm15 =	vcmask $0x3B38;
	s4 =	sadd.s32 $0x10, s3;
	s9 =	simm.s32 $0x100;
	s6 =	sshrl.u32 s6, $0x3;
	v0 =	vsel vm13, v3, v1;
	v3 =	vsel vm14, $0x809, v4  }
0x10: {  	v2 =	vsel vm0, $0x400, v2;
	s5 =	sadd.s32 s5, s6;
	s6 =	sadd.s32 $0x69600, s8;
	s8 =	simm.s32 $0x80;
	v1 =	vimm.f32 $0.0e+00;
	v3 =	vsel vm15, $0x80A, v3  }
.LBB2_1:
0x11: {  	[tilespmem:s2], [sflag:$0x1] =	stream.strided.gather [hbm4b:s3+s8], $0x1C00, s9, s8, $0x38;
	[tilespmem:$0x1EC00] =	vst v63  }
0x12: {  	s17 =	simm.s32 $0x0  }
0x13: {  	s17 =	smul.u32 $0x3000, s17  }
0x14: {  	[tilespmem:s10], [sflag:$0x1] =	stream.strided.gather [hbm4b:s4+s8], $0x1C00, s9, s8, $0x38;
	[tilespmem:$0x1EC00] =	vst v63  }
0x15: {  	s19 =	simm.s32 $0x180;
	s28 =	sshra.s32 s17, $0x2  }
0x16: {  	[tilespmem:s12], [sflag:$0x1] =	stream.strided.gather [hbm4b:s5+s8], $0x1C00, s11, s8, $0x38;
	[tilespmem:$0x1EC00] =	vst v63  }
0x17: {  	s26 =	sand.u32 $0x380, s19;
	s17 =	sadd.s32 $0x5400, s28  }
0x18: {  	s29 =	sor.u32 s26, s17  }
0x19: {  	[tilespmem:s29+$0x0] =	vst v1  }
0x1a: {  	[tilespmem:s29+$0x10] =	vst v1  }
0x1b: {  	s18 =	simm.s32 $0x0;
	s20 =	simm.s32 $0x80;
	s21 =	simm.s32 $0x100;
	[tilespmem:s29+$0x20] =	vst v1  }
0x1c: {  	s30 =	simm.s32 $0x3;
	s25 =	sand.u32 $0x200, s18;
	s23 =	sand.u32 $0x280, s20;
	[tilespmem:s29+$0x30] =	vst v1  }
0x1d: {  	s22 =	sand.u32 $0x300, s21;
	s20 =	simm.s32 $0x4;
	s24 =	sor.u32 s25, s17;
	[tilespmem:s29+$0x40] =	vst v1  }
0x1e: {  	s21 =	sor.u32 s23, s17;
	s18 =	sor.u32 s22, s17;
	s17 =	simm.s32 $0x0;
	[tilespmem:s29+$0x50] =	vst v1  }
.LBB2_2:
0x1f: {  	p0 =	slt.u32 s20, $0x108;
	s28 =	sadd.s32 $0x5800, s28;
	[tilespmem:s29+$0x60] =	vst v1;
	v4 =	vmov s30  }
0x20: {  	s25 =	sor.u32 s25, s28;
	s23 =	sor.u32 s23, s28;
	[tilespmem:s29+$0x70] =	vst v1;
	s26 =	sor.u32 s26, s28;
	v5 =	vshrl.u32 v4, $0x3  }
0x21: {  	s22 =	sor.u32 s22, s28;
	v4 =	vshll.u32 v4, $0x7;
	[tilespmem:s26+$0x0] =	vst v1;
	v5 =	vmul.u32 $0xC00, v5  }
0x22: {  	v4 =	vand.u32 $0x380, v4;
	[tilespmem:s26+$0x10] =	vst v1  }
0x23: {  	[tilespmem:s26+$0x20] =	vst v1;
	v4 =	vor.u32 v4, v5  }
0x24: {  	[tilespmem:s26+$0x30] =	vst v1;
	v4 =	vadd.s32 v3, v4  }
0x25: {  	[tilespmem:s26+$0x40] =	vst v1  }
0x26: {  	[tilespmem:s26+$0x50] =	vst v1  }
0x27: {  	[tilespmem:s26+$0x60] =	vst v1  }
0x28: {  	[tilespmem:s26+$0x70] =	vst v1  }
0x29: {  	[tilespmem:v4+s13+$0x0] =	vst.idx.msk $0xffff, v1  }
0x2a: {  	[tilespmem:s24+$0x0] =	vst v1  }
0x2b: {  	[tilespmem:s24+$0x10] =	vst v1  }
0x2c: {  	[tilespmem:s24+$0x20] =	vst v1  }
0x2d: {  	[tilespmem:s24+$0x30] =	vst v1  }
0x2e: {  	[tilespmem:s24+$0x40] =	vst v1  }
0x2f: {  	v4 =	vmov s17;
	[tilespmem:s24+$0x50] =	vst v1  }
0x30: {  	v5 =	vshrl.u32 v4, $0x3;
	[tilespmem:s24+$0x60] =	vst v1  }
0x31: {  	v4 =	vshll.u32 v4, $0x7;
	v5 =	vmul.u32 $0xC00, v5;
	[tilespmem:s24+$0x70] =	vst v1  }
0x32: {  	v4 =	vand.u32 $0x200, v4;
	[tilespmem:s25+$0x0] =	vst v1  }
0x33: {  	v4 =	vor.u32 v4, v5;
	[tilespmem:s25+$0x10] =	vst v1  }
0x34: {  	v4 =	vadd.s32 v0, v4;
	[tilespmem:s25+$0x20] =	vst v1  }
0x35: {  	v4 =	vadd.s32 v2, v4;
	[tilespmem:s25+$0x30] =	vst v1  }
0x36: {  	[tilespmem:s25+$0x40] =	vst v1  }
0x37: {  	[tilespmem:s25+$0x50] =	vst v1  }
0x38: {  	[tilespmem:s25+$0x60] =	vst v1  }
0x39: {  	[tilespmem:s25+$0x70] =	vst v1  }
0x3a: {  	[tilespmem:v4+s13+$0x0] =	vst.idx.msk $0xffff, v1  }
0x3b: {  	[tilespmem:s21+$0x0] =	vst v1  }
0x3c: {  	[tilespmem:s21+$0x10] =	vst v1  }
0x3d: {  	[tilespmem:s21+$0x20] =	vst v1  }
0x3e: {  	[tilespmem:s21+$0x30] =	vst v1  }
0x3f: {  	[tilespmem:s21+$0x40] =	vst v1  }
0x40: {  	s24 =	sadd.s32 $0x1, s17;
	[tilespmem:s21+$0x50] =	vst v1  }
0x41: {  	v4 =	vmov s24;
	[tilespmem:s21+$0x60] =	vst v1  }
0x42: {  	v5 =	vshrl.u32 v4, $0x3;
	[tilespmem:s21+$0x70] =	vst v1  }
0x43: {  	v4 =	vshll.u32 v4, $0x7;
	v5 =	vmul.u32 $0xC00, v5;
	[tilespmem:s23+$0x0] =	vst v1  }
0x44: {  	v4 =	vand.u32 $0x280, v4;
	[tilespmem:s23+$0x10] =	vst v1  }
0x45: {  	v4 =	vor.u32 v4, v5;
	[tilespmem:s23+$0x20] =	vst v1  }
0x46: {  	v4 =	vadd.s32 v3, v4;
	[tilespmem:s23+$0x30] =	vst v1  }
0x47: {  	[tilespmem:s23+$0x40] =	vst v1  }
0x48: {  	[tilespmem:s23+$0x50] =	vst v1  }
0x49: {  	[tilespmem:s23+$0x60] =	vst v1  }
0x4a: {  	[tilespmem:s23+$0x70] =	vst v1  }
0x4b: {  	[tilespmem:v4+s13+$0x0] =	vst.idx.msk $0xffff, v1  }
0x4c: {  	[tilespmem:s18+$0x0] =	vst v1  }
0x4d: {  	[tilespmem:s18+$0x10] =	vst v1  }
0x4e: {  	[tilespmem:s18+$0x20] =	vst v1  }
0x4f: {  	[tilespmem:s18+$0x30] =	vst v1  }
0x50: {  	[tilespmem:s18+$0x40] =	vst v1  }
0x51: {  	s21 =	sadd.s32 $0x2, s17;
	s17 =	smov.u32 s20;
	[tilespmem:s18+$0x50] =	vst v1  }
0x52: {  	v4 =	vmov s21;
	[tilespmem:s18+$0x60] =	vst v1  }
0x53: {  	v5 =	vshrl.u32 v4, $0x3;
	[tilespmem:s18+$0x70] =	vst v1  }
0x54: {  	v4 =	vshll.u32 v4, $0x7;
	v5 =	vmul.u32 $0xC00, v5;
	[tilespmem:s22+$0x0] =	vst v1  }
0x55: {  	v4 =	vand.u32 $0x300, v4;
	[tilespmem:s22+$0x10] =	vst v1  }
0x56: {  	v4 =	vor.u32 v4, v5;
	[tilespmem:s22+$0x20] =	vst v1  }
0x57: {  	v4 =	vadd.s32 v3, v4;
	s18 =	sshrl.u32 s20, $0x3;
	[tilespmem:s22+$0x30] =	vst v1  }
0x58: {  	s18 =	smul.u32 $0x3000, s18;
	[tilespmem:s22+$0x40] =	vst v1  }
0x59: {  	s19 =	sadd.s32 $0x200, s19;
	[tilespmem:s22+$0x50] =	vst v1  }
0x5a: {  	s26 =	sand.u32 $0x380, s19;
	s28 =	sshra.s32 s18, $0x2;
	[tilespmem:s22+$0x60] =	vst v1  }
0x5b: {  	s21 =	sadd.s32 $0xFFFFFF00, s19;
	s18 =	sadd.s32 $0xFFFFFE80, s19;
	s30 =	sadd.s32 $0x5400, s28;
	[tilespmem:s22+$0x70] =	vst v1  }
0x5c: {  	s25 =	sand.u32 $0x200, s18;
	s29 =	sor.u32 s26, s30;
	s22 =	sadd.s32 $0xFFFFFF80, s19;
	[tilespmem:v4+s13+$0x0] =	vst.idx.msk $0xffff, v1  }
0x5d: {  	s23 =	sand.u32 $0x280, s21;
	s24 =	sor.u32 s25, s30;
	s22 =	sand.u32 $0x300, s22;
	[tilespmem:s29+$0x0] =	vst v1  }
.Ltmp0:
0x5e: {  	s21 =	sor.u32 s23, s30;
	s18 =	sor.u32 s22, s30;
	[tilespmem:s29+$0x10] =	vst v1;
	(pc) =	sbr.rel @p0 .LBB2_2-.Ltmp0, $4  }
0x5f: {  	[tilespmem:s29+$0x20] =	vst v1  }
0x60: {  	[tilespmem:s29+$0x30] =	vst v1  }
0x61: {  	[tilespmem:s29+$0x40] =	vst v1  }
0x62: {  	s20 =	sadd.s32 $0x4, s20;
	s30 =	sadd.s32 $0x3, s17;
	[tilespmem:s29+$0x50] =	vst v1  }
0x63: {  	[tilespmem:s29+$0x60] =	vst v1  }
0x64: {  	[tilespmem:s29+$0x70] =	vst v1  }
0x65: {  	[tilespmem:s24+$0x0] =	vst v1  }
0x66: {  	[tilespmem:s24+$0x10] =	vst v1  }
0x67: {  	[tilespmem:s24+$0x20] =	vst v1  }
0x68: {  	[tilespmem:s24+$0x30] =	vst v1  }
0x69: {  	[tilespmem:s24+$0x40] =	vst v1  }
0x6a: {  	[tilespmem:s24+$0x50] =	vst v1  }
0x6b: {  	[tilespmem:s24+$0x60] =	vst v1  }
0x6c: {  	[tilespmem:s24+$0x70] =	vst v1  }
0x6d: {  	[tilespmem:s21+$0x0] =	vst v1  }
0x6e: {  	[tilespmem:s21+$0x10] =	vst v1  }
0x6f: {  	[tilespmem:s21+$0x20] =	vst v1  }
0x70: {  	[tilespmem:s21+$0x30] =	vst v1  }
0x71: {  	[tilespmem:s21+$0x40] =	vst v1  }
0x72: {  	[tilespmem:s21+$0x50] =	vst v1  }
0x73: {  	[tilespmem:s21+$0x60] =	vst v1  }
0x74: {  	[tilespmem:s21+$0x70] =	vst v1  }
0x75: {  	[tilespmem:s18+$0x0] =	vst v1  }
0x76: {  	[tilespmem:s18+$0x10] =	vst v1  }
0x77: {  	s19 =	sadd.s32 $0x5800, s28;
	v4 =	vmov s30;
	[tilespmem:s18+$0x20] =	vst v1  }
0x78: {  	[tilespmem:s18+$0x30] =	vst v1;
	s20 =	sor.u32 s26, s19;
	v5 =	vshrl.u32 v4, $0x3  }
0x79: {  	v4 =	vshll.u32 v4, $0x7;
	[tilespmem:s20+$0x0] =	vst v1;
	v5 =	vmul.u32 $0xC00, v5  }
0x7a: {  	[tilespmem:s20+$0x10] =	vst v1;
	v4 =	vand.u32 $0x380, v4  }
0x7b: {  	[tilespmem:s20+$0x20] =	vst v1;
	v4 =	vor.u32 v4, v5  }
0x7c: {  	[tilespmem:s20+$0x30] =	vst v1;
	v4 =	vadd.s32 v3, v4  }
0x7d: {  	[tilespmem:s20+$0x40] =	vst v1  }
0x7e: {  	[tilespmem:s20+$0x50] =	vst v1  }
0x7f: {  	[tilespmem:s20+$0x60] =	vst v1  }
0x80: {  	[tilespmem:s20+$0x70] =	vst v1  }
0x81: {  	[tilespmem:v4+s13+$0x0] =	vst.idx.msk $0xffff, v1;
	v4 =	vmov s17  }
0x82: {  	[tilespmem:s18+$0x40] =	vst v1;
	v5 =	vshrl.u32 v4, $0x3  }
0x83: {  	[tilespmem:s18+$0x50] =	vst v1;
	s26 =	sor.u32 s25, s19;
	v4 =	vshll.u32 v4, $0x7;
	v5 =	vmul.u32 $0xC00, v5  }
0x84: {  	[tilespmem:s26+$0x0] =	vst v1;
	v4 =	vand.u32 $0x200, v4  }
0x85: {  	[tilespmem:s26+$0x10] =	vst v1;
	v4 =	vor.u32 v4, v5  }
0x86: {  	[tilespmem:s26+$0x20] =	vst v1;
	v4 =	vadd.s32 v0, v4  }
0x87: {  	[tilespmem:s26+$0x30] =	vst v1;
	v4 =	vadd.s32 v2, v4  }
0x88: {  	[tilespmem:s26+$0x40] =	vst v1  }
0x89: {  	[tilespmem:s26+$0x50] =	vst v1  }
0x8a: {  	[tilespmem:s26+$0x60] =	vst v1  }
0x8b: {  	s28 =	sadd.s32 $0x1, s17;
	[tilespmem:s26+$0x70] =	vst v1  }
0x8c: {  	[tilespmem:v4+s13+$0x0] =	vst.idx.msk $0xffff, v1;
	v4 =	vmov s28  }
0x8d: {  	[tilespmem:s18+$0x60] =	vst v1;
	s29 =	sor.u32 s23, s19;
	v5 =	vshrl.u32 v4, $0x3  }
0x8e: {  	[tilespmem:s29+$0x0] =	vst v1;
	v4 =	vshll.u32 v4, $0x7;
	v5 =	vmul.u32 $0xC00, v5  }
0x8f: {  	[tilespmem:s29+$0x10] =	vst v1;
	v4 =	vand.u32 $0x280, v4  }
0x90: {  	[tilespmem:s29+$0x20] =	vst v1;
	v4 =	vor.u32 v4, v5  }
0x91: {  	[tilespmem:s29+$0x30] =	vst v1;
	v4 =	vadd.s32 v3, v4  }
0x92: {  	[tilespmem:s29+$0x40] =	vst v1  }
0x93: {  	[tilespmem:s29+$0x50] =	vst v1  }
0x94: {  	[tilespmem:s29+$0x60] =	vst v1  }
0x95: {  	s30 =	sadd.s32 $0x2, s17;
	[tilespmem:s29+$0x70] =	vst v1  }
0x96: {  	[tilespmem:v4+s13+$0x0] =	vst.idx.msk $0xffff, v1;
	v4 =	vmov s30  }
0x97: {  	[tilespmem:s18+$0x70] =	vst v1;
	s31 =	sor.u32 s22, s19;
	v5 =	vshrl.u32 v4, $0x3  }
0x98: {  	[tilespmem:s31+$0x0] =	vst v1;
	v4 =	vshll.u32 v4, $0x7;
	v5 =	vmul.u32 $0xC00, v5  }
0x99: {  	[tilespmem:s31+$0x10] =	vst v1;
	v4 =	vand.u32 $0x300, v4  }
0x9a: {  	[tilespmem:s31+$0x20] =	vst v1;
	v4 =	vor.u32 v4, v5  }
0x9b: {  	[tilespmem:s31+$0x30] =	vst v1;
	v4 =	vadd.s32 v3, v4  }
0x9c: {  	[tilespmem:s31+$0x40] =	vst v1  }
0x9d: {  	[tilespmem:s31+$0x50] =	vst v1  }
0x9e: {  	[tilespmem:s31+$0x60] =	vst v1  }
0x9f: {  	[tilespmem:s31+$0x70] =	vst v1  }
0xa0: {  	[tilespmem:v4+s13+$0x0] =	vst.idx.msk $0xffff, v1  }
0xa1: {  	_ =	swait.ge [sflag:s14], $0x1C00  }
0xa2: {  	[sflag:s14] =	ssyncset.done $0x0  }
0xa3: {  	[sflag:s14] =	ssyncadd.s32 $0xFFFFE400  }
0xa4: {  	_ =	swait.ge [sflag:s14], $0x1C00  }
0xa5: {  	[sflag:s14] =	ssyncset.done $0x0  }
0xa6: {  	[sflag:s14] =	ssyncadd.s32 $0xFFFFE400  }
0xa7: {  	_ =	swait.ge [sflag:s14], $0x1C00  }
0xa8: {  	[sflag:s14] =	ssyncset.done $0x0  }
0xa9: {  	s17 =	simm.s32 $0x0;
	[sflag:s14] =	ssyncadd.s32 $0xFFFFE400  }
.LBB2_4:
0xaa: {  	s18 =	sshra.s32 s17, $0x2  }
0xab: {  	v4 =	vld [tilespmem:s18+$0x0]  }
0xac: {  	v5 =	vld [tilespmem:s18+$0x1C00];
	_ =	sdelay $0x3  }
0xad: {  	v6 =	vshrl.u32 v4, $0x3  }
0xae: {  	v7 =	vshll.u32 v5, $0x3;
	v6 =	vmul.u32 $0xC00, v6  }
0xaf: {  	v4 =	vshll.u32 v4, $0x7;
	v7 =	vand.u32 $0xFFFFFC00, v7  }
0xb0: {  	v4 =	vand.u32 $0x380, v4;
	v6 =	vadd.s32 v6, v7  }
0xb1: {  	v5 =	vand.u32 $0x7F, v5;
	v4 =	vor.u32 v4, v6  }
0xb2: {  	v54 =	vld [tilespmem:s18+$0x3800];
	v4 =	vor.u32 v5, v4;
	_ =	sdelay $0x4  }
0xb3: {  	[tilespmem:v4+s13+$0x0] =	vst.idx.add.f32.msk $0xffff, v54  }
0xb4: {  	v4 =	vld [tilespmem:s18+$0x10]  }
0xb5: {  	v5 =	vld [tilespmem:s18+$0x1C10];
	_ =	sdelay $0x3  }
0xb6: {  	v55 =	vshrl.u32 v4, $0x3  }
0xb7: {  	v56 =	vshll.u32 v5, $0x3;
	v6 =	vmul.u32 $0xC00, v55  }
0xb8: {  	v4 =	vshll.u32 v4, $0x7;
	v7 =	vand.u32 $0xFFFFFC00, v56  }
0xb9: {  	v4 =	vand.u32 $0x380, v4;
	v6 =	vadd.s32 v6, v7  }
0xba: {  	v5 =	vand.u32 $0x7F, v5;
	v4 =	vor.u32 v4, v6  }
0xbb: {  	v57 =	vld [tilespmem:s18+$0x3810];
	v4 =	vor.u32 v5, v4;
	_ =	sdelay $0x4  }
0xbc: {  	[tilespmem:v4+s13+$0x0] =	vst.idx.add.f32.msk $0xffff, v57  }
0xbd: {  	v4 =	vld [tilespmem:s18+$0x20]  }
0xbe: {  	v5 =	vld [tilespmem:s18+$0x1C20];
	_ =	sdelay $0x3  }
0xbf: {  	v58 =	vshrl.u32 v4, $0x3  }
0xc0: {  	v59 =	vshll.u32 v5, $0x3;
	v6 =	vmul.u32 $0xC00, v58  }
0xc1: {  	v4 =	vshll.u32 v4, $0x7;
	v7 =	vand.u32 $0xFFFFFC00, v59  }
0xc2: {  	v4 =	vand.u32 $0x380, v4;
	v6 =	vadd.s32 v6, v7  }
0xc3: {  	v5 =	vand.u32 $0x7F, v5;
	v4 =	vor.u32 v4, v6  }
0xc4: {  	v60 =	vld [tilespmem:s18+$0x3820];
	v4 =	vor.u32 v5, v4;
	_ =	sdelay $0x4  }
0xc5: {  	[tilespmem:v4+s13+$0x0] =	vst.idx.add.f32.msk $0xffff, v60  }
0xc6: {  	v4 =	vld [tilespmem:s18+$0x30]  }
0xc7: {  	v5 =	vld [tilespmem:s18+$0x1C30];
	_ =	sdelay $0x3  }
0xc8: {  	v61 =	vshrl.u32 v4, $0x3  }
0xc9: {  	v62 =	vshll.u32 v5, $0x3;
	v6 =	vmul.u32 $0xC00, v61  }
0xca: {  	v4 =	vshll.u32 v4, $0x7;
	v7 =	vand.u32 $0xFFFFFC00, v62  }
0xcb: {  	v4 =	vand.u32 $0x380, v4;
	v6 =	vadd.s32 v6, v7  }
0xcc: {  	v5 =	vand.u32 $0x7F, v5;
	v4 =	vor.u32 v4, v6  }
0xcd: {  	p0 =	sne.s32 s17, $0x6F00;
	v63 =	vld [tilespmem:s18+$0x3830];
	v4 =	vor.u32 v5, v4  }
.Ltmp1:
0xce: {  	_ = 	snop;
	(pc) =	sbr.rel @p0 .LBB2_4-.Ltmp1, $2  }
0xcf: {  	_ =	sdelay $0x2  }
0xd0: {  	s17 =	sadd.s32 $0x100, s17;
	[tilespmem:v4+s13+$0x0] =	vst.idx.add.f32.msk $0xffff, v63  }
0xd1: {  	s16 =	sadd.s32 $0x1, s16  }
0xd2: {  	p0 =	sne.s32 s16, s7  }
.Ltmp2:
0xd3: {  	_ = 	snop;
	(pc) =	sbr.rel @p0 .LBB2_1-.Ltmp2, $4  }
0xd4: {  	[hbm4b:s6+s2] =	stream.linear.scatter [tilespmem:s13], [sflag:$0x2], $0x19800, $0x38;
	[tilespmem:$0x1EC00] =	vst v63  }
0xd5: {  	_ =	swait.ge [sflag:s15], $0x19800  }
0xd6: {  	[sflag:s15] =	ssyncset.done $0x0  }
0xd7: {  	[sflag:s15] =	ssyncadd.s32 $0xFFFE6800  }
0xd8: {  	_ =	sfence.sel $0x180000  }
0xd9: {  	[bflag:$0x0] =	sbarrier.arrive $0xFFFF  }
0xda: {  	p0 =	sne.s32 s0, $0x0;
	_ =	strace $0x9000004A  }
0xdb: {  	s0 =	sadd.s32 @!p0 $0x100000, s1;
	[bflag:$0x2] =	sbarrier.arrive $0xFFFF  }
0xdc: {  	[sflag:s0] =	ssyncadd.tile.s32 @!p0 $0x1;
	_ =	shalt  }
.Lfunc_end2:
_tile_overlayer_lowered:
.L_overlay_start_2:
0xdd: {  	(tag) =	ssettag $0x2  }
0xde: {  	s0 =	rddreg [dreg:$0x0];
	s2 =	stileid.u32  }
0xdf: {  	s1 =	rddreg [dreg:$0x1];
	p0 =	sne.s32 s2, $0x0  }
0xe0: {  	s3 =	rddreg [dreg:$0x2];
	[bflag:$0x3] =	sbarrier.arrive $0xFFFF;
	s2 =	simm.s32 @!p0 $0x1C02  }
0xe1: {  	[timem:s3], [sflag:s2] =	dma.local @!p0 [hbm:s0], s1  }
0xe2: {  	s0 =	simm.s32 @!p0 $0x2  }
0xe3: {  	_ =	swait.ge @!p0 [sflag:s0], s1  }
0xe4: {  	s1 =	ssub.s32 @!p0 $0x0, s1;
	[sflag:s0] =	ssyncset.done @!p0 $0x0  }
0xe5: {  	[sflag:s0] =	ssyncadd.s32 @!p0 s1  }
0xe6: {  	[bflag:$0x3] =	sbarrier.arrive $0xFFFF  }
0xe7: {  	_ =	shalt  }

</sc_bundles>
